<compile_context>
chip_gen: v7x
topology: tpu7x:2x2x1
jax: 0.10.2.dev20260603
libtpu: 0.0.44.dev20260713+nightly
codegen_flags: <defaults>
</compile_context>

<pallas_src>
import jax
import jax.numpy as jnp
from jax import lax
from jax.experimental import pallas as pl
from jax.experimental.pallas import tpu as pltpu
from jax.experimental.pallas import tpu_sc as plsc

f32 = jnp.float32
i32 = jnp.int32

N = 10000
NP = 10240
D = 128
E = 320000
NC = 2
NS = 16
NW = NC * NS
EPW = E // NW
K = 40
NCH = EPW // K
SL = 5
RND = NCH // SL
KB = 80
SLB = 4
NCHB = EPW // KB
RNDB = 32
RPT = NP // NS
ZR = 40
DCH = 1024

_mesh = plsc.VectorSubcoreMesh(
    core_axis_name="c", subcore_axis_name="s", num_cores=NC, num_subcores=NS)


def _fill_zero_2d(ref, rows):
    def body(r, c):
        for cc in range(D // 16):
            ref[r, pl.ds(cc * 16, 16)] = jnp.zeros((16,), f32)
        return c
    lax.fori_loop(0, rows, body, 0)


def _fill_zero_1d(ref, n):
    def body(i, c):
        ref[pl.ds(i * 16, 16)] = jnp.zeros((16,), f32)
        return c
    lax.fori_loop(0, n // 16, body, 0)


def _fwd_body(h_hbm, ei_hbm, outp, degd_o, degs_o,
              acc_sh, dd_sh, ds_sh, sidx, didx, rows, ones_v,
              zbuf, zdeg, isem, gsem, ssem, zsem):
    cid = lax.axis_index("c")
    sid = lax.axis_index("s")
    wid = sid * NC + cid
    base = wid * EPW

    for i in range(SL):
        off = base + i * K
        pltpu.async_copy(ei_hbm.at[pl.ds(off, K)], sidx[i], isem[i])
        pltpu.async_copy(ei_hbm.at[pl.ds(E + off, K)], didx[i], isem[i])

    _fill_zero_2d(zbuf, ZR)
    _fill_zero_1d(zdeg, DCH)
    for i in range(48 // 16):
        ones_v[pl.ds(i * 16, 16)] = jnp.ones((16,), f32)
    ones_s = ones_v.at[pl.ds(0, K)]

    for b in range(RPT // ZR):
        pltpu.async_copy(zbuf, acc_sh.at[pl.ds(sid * RPT + b * ZR, ZR)], zsem)

    @pl.when(sid < 10)
    def _():
        pltpu.async_copy(zdeg, dd_sh.at[pl.ds(sid * DCH, DCH)], zsem)
        pltpu.async_copy(zdeg, ds_sh.at[pl.ds(sid * DCH, DCH)], zsem)

    def wait_idx(i):
        pltpu.make_async_copy(ei_hbm.at[pl.ds(0, K)], sidx[i], isem[i]).wait()

    def wait_rows(i, sem):
        pltpu.make_async_copy(h_hbm.at[pl.ds(0, K)], rows[i], sem[i]).wait()

    for i in range(SL):
        wait_idx(i)
        wait_idx(i)
        pltpu.async_copy(h_hbm.at[sidx[i]], rows[i], gsem[i])

    for b in range(RPT // ZR):
        pltpu.make_async_copy(h_hbm.at[pl.ds(0, ZR)], zbuf, zsem).wait()

    @pl.when(sid < 10)
    def _():
        pltpu.make_async_copy(degd_o.at[pl.ds(0, DCH)], zdeg, zsem).wait()
        pltpu.make_async_copy(degd_o.at[pl.ds(0, DCH)], zdeg, zsem).wait()

    plsc.subcore_barrier()

    def wait_deg(i):
        pltpu.make_async_copy(degd_o.at[pl.ds(0, K)], ones_s, ssem[i]).wait()

    def round_(j, c):
        for i in range(SL):
            wait_rows(i, gsem)
            pltpu.async_copy(ones_s, dd_sh.at[didx[i]], ssem[i], add=True)
            pltpu.async_copy(ones_s, ds_sh.at[sidx[i]], ssem[i], add=True)
            pltpu.async_copy(rows[i], acc_sh.at[didx[i]], ssem[i], add=True)

        @pl.when(j < RND - 1)
        def _():
            for i in range(SL):
                wait_deg(i)
                wait_deg(i)
                wait_rows(i, ssem)
                off = base + ((j + 1) * SL + i) * K
                pltpu.async_copy(ei_hbm.at[pl.ds(off, K)], sidx[i], isem[i])
                pltpu.async_copy(ei_hbm.at[pl.ds(E + off, K)], didx[i],
                                 isem[i])
            for i in range(SL):
                wait_idx(i)
                wait_idx(i)
                pltpu.async_copy(h_hbm.at[sidx[i]], rows[i], gsem[i])
        return c

    lax.fori_loop(0, RND, round_, 0)
    for i in range(SL):
        wait_deg(i)
        wait_deg(i)
        wait_rows(i, ssem)

    plsc.subcore_barrier()

    pltpu.sync_copy(acc_sh.at[pl.ds(sid * RPT, RPT)],
                    outp.at[cid, pl.ds(sid * RPT, RPT)])

    @pl.when(sid < 10)
    def _():
        pltpu.sync_copy(dd_sh.at[pl.ds(sid * DCH, DCH)],
                        degd_o.at[pl.ds(cid * NP + sid * DCH, DCH)])
        pltpu.sync_copy(ds_sh.at[pl.ds(sid * DCH, DCH)],
                        degs_o.at[pl.ds(cid * NP + sid * DCH, DCH)])


_fwd = pl.kernel(
    _fwd_body,
    out_type=(
        jax.ShapeDtypeStruct((NC, NP, D), f32),
        jax.ShapeDtypeStruct((NC * NP,), f32),
        jax.ShapeDtypeStruct((NC * NP,), f32),
    ),
    mesh=_mesh,
    scratch_types=[
        pltpu.VMEM_SHARED((NP, D), f32),
        pltpu.VMEM_SHARED((NP,), f32),
        pltpu.VMEM_SHARED((NP,), f32),
        [pltpu.VMEM((K,), i32)] * SL,
        [pltpu.VMEM((K,), i32)] * SL,
        [pltpu.VMEM((K, D), f32)] * SL,
        pltpu.VMEM((48,), f32),
        pltpu.VMEM((ZR, D), f32),
        pltpu.VMEM((DCH,), f32),
        [pltpu.SemaphoreType.DMA] * SL,
        [pltpu.SemaphoreType.DMA] * SL,
        [pltpu.SemaphoreType.DMA] * SL,
        pltpu.SemaphoreType.DMA,
    ],
)


def _bwd_body(r_hbm, ei_hbm, outq,
              acc_sh, sidx, didx, rows, zbuf,
              isem, gsem, ssem, zsem):
    cid = lax.axis_index("c")
    sid = lax.axis_index("s")
    wid = sid * NC + cid
    base = wid * EPW

    for i in range(SLB):
        off = base + i * KB
        pltpu.async_copy(ei_hbm.at[pl.ds(off, KB)], sidx[i], isem[i])
        pltpu.async_copy(ei_hbm.at[pl.ds(E + off, KB)], didx[i], isem[i])

    _fill_zero_2d(zbuf, ZR)
    for b in range(RPT // ZR):
        pltpu.async_copy(zbuf, acc_sh.at[pl.ds(sid * RPT + b * ZR, ZR)], zsem)

    def wait_idx(i):
        pltpu.make_async_copy(ei_hbm.at[pl.ds(0, KB)], sidx[i], isem[i]).wait()

    def wait_rows(i, sem):
        pltpu.make_async_copy(r_hbm.at[pl.ds(0, KB)], rows[i], sem[i]).wait()

    for i in range(SLB):
        wait_idx(i)
        wait_idx(i)
        pltpu.async_copy(r_hbm.at[didx[i]], rows[i], gsem[i])

    for b in range(RPT // ZR):
        pltpu.make_async_copy(r_hbm.at[pl.ds(0, ZR)], zbuf, zsem).wait()
    plsc.subcore_barrier()

    def round_(j, c):
        for i in range(SLB):
            ch = j * SLB + i

            @pl.when(ch < NCHB)
            def _():
                wait_rows(i, gsem)
                pltpu.async_copy(rows[i], acc_sh.at[sidx[i]], ssem[i],
                                 add=True)

        @pl.when(j < RNDB - 1)
        def _():
            for i in range(SLB):
                ch2 = (j + 1) * SLB + i

                @pl.when(ch2 < NCHB)
                def _():
                    wait_rows(i, ssem)
                    off = base + ch2 * KB
                    pltpu.async_copy(ei_hbm.at[pl.ds(off, KB)], sidx[i],
                                     isem[i])
                    pltpu.async_copy(ei_hbm.at[pl.ds(E + off, KB)], didx[i],
                                     isem[i])
            for i in range(SLB):
                ch2 = (j + 1) * SLB + i

                @pl.when(ch2 < NCHB)
                def _():
                    wait_idx(i)
                    wait_idx(i)
                    pltpu.async_copy(r_hbm.at[didx[i]], rows[i], gsem[i])
        return c

    lax.fori_loop(0, RNDB, round_, 0)
    for i in range(SLB):
        wait_rows(i, ssem)
    plsc.subcore_barrier()

    pltpu.sync_copy(acc_sh.at[pl.ds(sid * RPT, RPT)],
                    outq.at[cid, pl.ds(sid * RPT, RPT)])


_bwd = pl.kernel(
    _bwd_body,
    out_type=jax.ShapeDtypeStruct((NC, NP, D), f32),
    mesh=_mesh,
    scratch_types=[
        pltpu.VMEM_SHARED((NP, D), f32),
        [pltpu.VMEM((KB,), i32)] * SLB,
        [pltpu.VMEM((KB,), i32)] * SLB,
        [pltpu.VMEM((KB, D), f32)] * SLB,
        pltpu.VMEM((ZR, D), f32),
        [pltpu.SemaphoreType.DMA] * SLB,
        [pltpu.SemaphoreType.DMA] * SLB,
        [pltpu.SemaphoreType.DMA] * SLB,
        pltpu.SemaphoreType.DMA,
    ],
)

RB = 5000


def _comb_body(n2_ref, pp_ref, dd_ref, o_ref):
    s = pp_ref[0] + pp_ref[1]
    deg = jnp.clip(dd_ref[0] + dd_ref[1], 1.0, None)
    o_ref[...] = s * jnp.power(deg, n2_ref[0])


def _combine(pp, dd, n2):
    dd3 = dd.reshape(NC, NP)[:, :N].reshape(NC, N, 1)
    return pl.pallas_call(
        _comb_body,
        grid=(N // RB,),
        in_specs=[
            pl.BlockSpec(memory_space=pltpu.SMEM),
            pl.BlockSpec((NC, RB, D), lambda i: (0, i, 0)),
            pl.BlockSpec((NC, RB, 1), lambda i: (0, i, 0)),
        ],
        out_specs=pl.BlockSpec((RB, D), lambda i: (i, 0)),
        out_shape=jax.ShapeDtypeStruct((N, D), f32),
    )(n2, pp, dd3)


def kernel(h_src, h_dst, edge_index, norm_2):
    del h_dst
    ei = edge_index.astype(i32).reshape(2 * E)
    h = h_src.astype(f32)
    pp, ddp, dsp = _fwd(h, ei)
    rst = _combine(pp, ddp, jnp.full((1,), -1.0, f32))
    qq = _bwd(rst, ei)
    bsrc = _combine(qq, dsp, jnp.asarray(norm_2, f32).reshape(1))
    return (bsrc, rst)

# --- scband reference (transcript-rebuilt; emitter-appended) ---
"""Pipeline reference for scband-hgcnlayer-general-4252017623766 (READ-ONLY COPY).

The authoritative reference and input builder live on the scoring server;
editing this copy changes nothing except your own understanding.
"""

import jax, jax.numpy as jnp
import numpy as np

N_SRC = 10000
N_DST = 10000
E = 320000
D = 128

def setup_inputs(seed: int = 0) -> dict:
    key = jax.random.key(seed)
    k1, k2, k3 = jax.random.split(key, 3)
    h_src = jax.random.normal(k1, (N_SRC, D), dtype=jnp.float32)
    h_dst = jax.random.normal(k2, (N_DST, D), dtype=jnp.float32)
    edge_index = jax.random.randint(k3, (2, E), 0, N_SRC, dtype=jnp.int64)
    return {"h_src": h_src, "h_dst": h_dst, "edge_index": edge_index, "norm_2": -1}

def reference(h_src, h_dst, edge_index, norm_2):
    # single (etype_forward, etype_back) pair: src -> dst and reverse dst -> src
    src_idx = edge_index[0]
    dst_idx = edge_index[1]
    n_src = h_src.shape[0]
    n_dst = h_dst.shape[0]
    # forward pass over etype_forward: copy_u('h','m') + sum -> dst
    msg = jnp.take(h_src, src_idx, axis=0)
    rst = jax.ops.segment_sum(msg, dst_idx, num_segments=n_dst)
    ones_e = jnp.ones((dst_idx.shape[0],), dtype=jnp.float32)
    in_deg_dst = jnp.clip(jax.ops.segment_sum(ones_e, dst_idx, num_segments=n_dst), 1.0, None)
    norm_dst = jnp.power(in_deg_dst, -1.0)
    rst = rst * norm_dst[:, None]
    # backward pass over etype_back (reversed edges): copy_u('h_b','m_b') + sum -> src
    msg_b = jnp.take(rst, dst_idx, axis=0)
    bsrc = jax.ops.segment_sum(msg_b, src_idx, num_segments=n_src)
    in_deg_b = jnp.clip(jax.ops.segment_sum(ones_e, src_idx, num_segments=n_src), 1.0, None)
    norm_src = jnp.power(in_deg_b, jnp.asarray(norm_2, dtype=jnp.float32))
    bsrc = bsrc * norm_src[:, None]
    return (bsrc, rst)

if __name__ == "__main__":
    import jax
    _d = setup_inputs()
    print(jax.jit(kernel)(*tuple(_d.values())))

</pallas_src>

<mosaic_0001>
#map = affine_map<(d0, d1) -> (0, 0)>
#map1 = affine_map<(d0, d1) -> (0)>
#map2 = affine_map<(d0, d1) -> (0, 0, 0)>
module attributes {stable_mosaic.version = 14 : i64} {
  func.func @_bwd_body(%arg0: i32, %arg1: i32, %arg2: memref<10000x128xf32, #tpu.memory_space<hbm>>, %arg3: memref<640000xi32, #tpu.memory_space<hbm>>, %arg4: memref<2x10240x128xf32, #tpu.memory_space<hbm>>, %arg5: memref<10240x128xf32, #tpu.memory_space<vmem_shared>>, %arg6: memref<80xi32, #tpu.memory_space<vmem>>, %arg7: memref<80xi32, #tpu.memory_space<vmem>>, %arg8: memref<80xi32, #tpu.memory_space<vmem>>, %arg9: memref<80xi32, #tpu.memory_space<vmem>>, %arg10: memref<80xi32, #tpu.memory_space<vmem>>, %arg11: memref<80xi32, #tpu.memory_space<vmem>>, %arg12: memref<80xi32, #tpu.memory_space<vmem>>, %arg13: memref<80xi32, #tpu.memory_space<vmem>>, %arg14: memref<80x128xf32, #tpu.memory_space<vmem>>, %arg15: memref<80x128xf32, #tpu.memory_space<vmem>>, %arg16: memref<80x128xf32, #tpu.memory_space<vmem>>, %arg17: memref<80x128xf32, #tpu.memory_space<vmem>>, %arg18: memref<40x128xf32, #tpu.memory_space<vmem>>, %arg19: memref<!tpu.dma_semaphore, #tpu.memory_space<semaphore_mem>>, %arg20: memref<!tpu.dma_semaphore, #tpu.memory_space<semaphore_mem>>, %arg21: memref<!tpu.dma_semaphore, #tpu.memory_space<semaphore_mem>>, %arg22: memref<!tpu.dma_semaphore, #tpu.memory_space<semaphore_mem>>, %arg23: memref<!tpu.dma_semaphore, #tpu.memory_space<semaphore_mem>>, %arg24: memref<!tpu.dma_semaphore, #tpu.memory_space<semaphore_mem>>, %arg25: memref<!tpu.dma_semaphore, #tpu.memory_space<semaphore_mem>>, %arg26: memref<!tpu.dma_semaphore, #tpu.memory_space<semaphore_mem>>, %arg27: memref<!tpu.dma_semaphore, #tpu.memory_space<semaphore_mem>>, %arg28: memref<!tpu.dma_semaphore, #tpu.memory_space<semaphore_mem>>, %arg29: memref<!tpu.dma_semaphore, #tpu.memory_space<semaphore_mem>>, %arg30: memref<!tpu.dma_semaphore, #tpu.memory_space<semaphore_mem>>, %arg31: memref<!tpu.dma_semaphore, #tpu.memory_space<semaphore_mem>>) attributes {dimension_semantics = [#tpu.dimension_semantics<core_parallel>, #tpu.dimension_semantics<subcore_parallel>], iteration_bounds = array<i64: 2, 16>, scalar_prefetch = 0 : i64, scratch_operands = 27 : i64, tpu.core_type = #tpu.core_type<sc_vector_subcore>, window_params = [{transform_indices = #map}, {transform_indices = #map1}, {transform_indices = #map2}]} {
    %mul3A = arith.constant 2 : i32
    %mul3A_0 = arith.muli %arg1, %mul3A : i32
    %add3A = arith.addi %mul3A_0, %arg0 : i32
    %mul3A_1 = arith.constant 10000 : i32
    %mul3A_2 = arith.muli %add3A, %mul3A_1 : i32
    %add3A_3 = arith.constant 0 : i32
    %add3A_4 = arith.addi %mul3A_2, %add3A_3 : i32
    %dma_start3A = tpu.memref_slice %arg3[%add3A_4] : memref<640000xi32, #tpu.memory_space<hbm>> -> memref<80xi32, #tpu.memory_space<hbm>>
    %dma_start3A_5 = tpu.memref_slice %arg3[%add3A_4] : memref<640000xi32, #tpu.memory_space<hbm>> -> memref<80xi32, #tpu.memory_space<hbm>>
    tpu.enqueue_dma source(%dma_start3A_5 : memref<80xi32, #tpu.memory_space<hbm>>) target(%arg6 : memref<80xi32, #tpu.memory_space<vmem>>) target_semaphore(%arg19 : memref<!tpu.dma_semaphore, #tpu.memory_space<semaphore_mem>>)
    %add3A_6 = arith.constant 320000 : i32
    %add3A_7 = arith.addi %add3A_6, %add3A_4 : i32
    %dma_start3A_8 = tpu.memref_slice %arg3[%add3A_7] : memref<640000xi32, #tpu.memory_space<hbm>> -> memref<80xi32, #tpu.memory_space<hbm>>
    %dma_start3A_9 = tpu.memref_slice %arg3[%add3A_7] : memref<640000xi32, #tpu.memory_space<hbm>> -> memref<80xi32, #tpu.memory_space<hbm>>
    tpu.enqueue_dma source(%dma_start3A_9 : memref<80xi32, #tpu.memory_space<hbm>>) target(%arg10 : memref<80xi32, #tpu.memory_space<vmem>>) target_semaphore(%arg19 : memref<!tpu.dma_semaphore, #tpu.memory_space<semaphore_mem>>)
    %add3A_10 = arith.constant 80 : i32
    %add3A_11 = arith.addi %mul3A_2, %add3A_10 : i32
    %dma_start3A_12 = tpu.memref_slice %arg3[%add3A_11] : memref<640000xi32, #tpu.memory_space<hbm>> -> memref<80xi32, #tpu.memory_space<hbm>>
    %dma_start3A_13 = tpu.memref_slice %arg3[%add3A_11] : memref<640000xi32, #tpu.memory_space<hbm>> -> memref<80xi32, #tpu.memory_space<hbm>>
    tpu.enqueue_dma source(%dma_start3A_13 : memref<80xi32, #tpu.memory_space<hbm>>) target(%arg7 : memref<80xi32, #tpu.memory_space<vmem>>) target_semaphore(%arg20 : memref<!tpu.dma_semaphore, #tpu.memory_space<semaphore_mem>>)
    %add3A_14 = arith.constant 320000 : i32
    %add3A_15 = arith.addi %add3A_14, %add3A_11 : i32
    %dma_start3A_16 = tpu.memref_slice %arg3[%add3A_15] : memref<640000xi32, #tpu.memory_space<hbm>> -> memref<80xi32, #tpu.memory_space<hbm>>
    %dma_start3A_17 = tpu.memref_slice %arg3[%add3A_15] : memref<640000xi32, #tpu.memory_space<hbm>> -> memref<80xi32, #tpu.memory_space<hbm>>
    tpu.enqueue_dma source(%dma_start3A_17 : memref<80xi32, #tpu.memory_space<hbm>>) target(%arg11 : memref<80xi32, #tpu.memory_space<vmem>>) target_semaphore(%arg20 : memref<!tpu.dma_semaphore, #tpu.memory_space<semaphore_mem>>)
    %add3A_18 = arith.constant 160 : i32
    %add3A_19 = arith.addi %mul3A_2, %add3A_18 : i32
    %dma_start3A_20 = tpu.memref_slice %arg3[%add3A_19] : memref<640000xi32, #tpu.memory_space<hbm>> -> memref<80xi32, #tpu.memory_space<hbm>>
    %dma_start3A_21 = tpu.memref_slice %arg3[%add3A_19] : memref<640000xi32, #tpu.memory_space<hbm>> -> memref<80xi32, #tpu.memory_space<hbm>>
    tpu.enqueue_dma source(%dma_start3A_21 : memref<80xi32, #tpu.memory_space<hbm>>) target(%arg8 : memref<80xi32, #tpu.memory_space<vmem>>) target_semaphore(%arg21 : memref<!tpu.dma_semaphore, #tpu.memory_space<semaphore_mem>>)
    %add3A_22 = arith.constant 320000 : i32
    %add3A_23 = arith.addi %add3A_22, %add3A_19 : i32
    %dma_start3A_24 = tpu.memref_slice %arg3[%add3A_23] : memref<640000xi32, #tpu.memory_space<hbm>> -> memref<80xi32, #tpu.memory_space<hbm>>
    %dma_start3A_25 = tpu.memref_slice %arg3[%add3A_23] : memref<640000xi32, #tpu.memory_space<hbm>> -> memref<80xi32, #tpu.memory_space<hbm>>
    tpu.enqueue_dma source(%dma_start3A_25 : memref<80xi32, #tpu.memory_space<hbm>>) target(%arg12 : memref<80xi32, #tpu.memory_space<vmem>>) target_semaphore(%arg21 : memref<!tpu.dma_semaphore, #tpu.memory_space<semaphore_mem>>)
    %add3A_26 = arith.constant 240 : i32
    %add3A_27 = arith.addi %mul3A_2, %add3A_26 : i32
    %dma_start3A_28 = tpu.memref_slice %arg3[%add3A_27] : memref<640000xi32, #tpu.memory_space<hbm>> -> memref<80xi32, #tpu.memory_space<hbm>>
    %dma_start3A_29 = tpu.memref_slice %arg3[%add3A_27] : memref<640000xi32, #tpu.memory_space<hbm>> -> memref<80xi32, #tpu.memory_space<hbm>>
    tpu.enqueue_dma source(%dma_start3A_29 : memref<80xi32, #tpu.memory_space<hbm>>) target(%arg9 : memref<80xi32, #tpu.memory_space<vmem>>) target_semaphore(%arg22 : memref<!tpu.dma_semaphore, #tpu.memory_space<semaphore_mem>>)
    %add3A_30 = arith.constant 320000 : i32
    %add3A_31 = arith.addi %add3A_30, %add3A_27 : i32
    %dma_start3A_32 = tpu.memref_slice %arg3[%add3A_31] : memref<640000xi32, #tpu.memory_space<hbm>> -> memref<80xi32, #tpu.memory_space<hbm>>
    %dma_start3A_33 = tpu.memref_slice %arg3[%add3A_31] : memref<640000xi32, #tpu.memory_space<hbm>> -> memref<80xi32, #tpu.memory_space<hbm>>
    tpu.enqueue_dma source(%dma_start3A_33 : memref<80xi32, #tpu.memory_space<hbm>>) target(%arg13 : memref<80xi32, #tpu.memory_space<vmem>>) target_semaphore(%arg22 : memref<!tpu.dma_semaphore, #tpu.memory_space<semaphore_mem>>)
    %scan3A = arith.constant 0 : i32
    %scan3A_34 = arith.constant 0 : i32
    %scan3A_35 = arith.constant 40 : i32
    %scan3A_36 = arith.addi %scan3A_34, %scan3A_35 : i32
    %scan3A_37 = arith.constant 1 : i32
    scf.for %scan3A_341 = %scan3A_34 to %scan3A_36 step %scan3A_37  : i32 {
      %broadcast_in_dim3A = arith.constant 0.000000e+00 : f32
      %broadcast_in_dim3A_342 = vector.broadcast %broadcast_in_dim3A : f32 to vector<16xf32>
      %swap3A = arith.index_cast %scan3A_341 : i32 to index
      %swap3A_343 = arith.constant 0 : index
      %swap3A_344 = tpu.vector_load %arg18[%swap3A, %swap3A_343] {strides = array<i32>} : memref<40x128xf32, #tpu.memory_space<vmem>>, vector<1x16xf32>,
      %swap3A_345 = vector.shape_cast %swap3A_344 : vector<1x16xf32> to vector<16xf32>
      %swap3A_346 = vector.shape_cast %broadcast_in_dim3A_342 : vector<16xf32> to vector<1x16xf32>
      tpu.vector_store %arg18[%swap3A, %swap3A_343], %swap3A_346 {strides = array<i32>} : memref<40x128xf32, #tpu.memory_space<vmem>>, vector<1x16xf32>,
      %broadcast_in_dim3A_347 = arith.constant 0.000000e+00 : f32
      %broadcast_in_dim3A_348 = vector.broadcast %broadcast_in_dim3A_347 : f32 to vector<16xf32>
      %swap3A_349 = arith.index_cast %scan3A_341 : i32 to index
      %swap3A_350 = arith.constant 16 : index
      %swap3A_351 = tpu.vector_load %arg18[%swap3A_349, %swap3A_350] {strides = array<i32>} : memref<40x128xf32, #tpu.memory_space<vmem>>, vector<1x16xf32>,
      %swap3A_352 = vector.shape_cast %swap3A_351 : vector<1x16xf32> to vector<16xf32>
      %swap3A_353 = vector.shape_cast %broadcast_in_dim3A_348 : vector<16xf32> to vector<1x16xf32>
      tpu.vector_store %arg18[%swap3A_349, %swap3A_350], %swap3A_353 {strides = array<i32>} : memref<40x128xf32, #tpu.memory_space<vmem>>, vector<1x16xf32>,
      %broadcast_in_dim3A_354 = arith.constant 0.000000e+00 : f32
      %broadcast_in_dim3A_355 = vector.broadcast %broadcast_in_dim3A_354 : f32 to vector<16xf32>
      %swap3A_356 = arith.index_cast %scan3A_341 : i32 to index
      %swap3A_357 = arith.constant 32 : index
      %swap3A_358 = tpu.vector_load %arg18[%swap3A_356, %swap3A_357] {strides = array<i32>} : memref<40x128xf32, #tpu.memory_space<vmem>>, vector<1x16xf32>,
      %swap3A_359 = vector.shape_cast %swap3A_358 : vector<1x16xf32> to vector<16xf32>
      %swap3A_360 = vector.shape_cast %broadcast_in_dim3A_355 : vector<16xf32> to vector<1x16xf32>
      tpu.vector_store %arg18[%swap3A_356, %swap3A_357], %swap3A_360 {strides = array<i32>} : memref<40x128xf32, #tpu.memory_space<vmem>>, vector<1x16xf32>,
      %broadcast_in_dim3A_361 = arith.constant 0.000000e+00 : f32
      %broadcast_in_dim3A_362 = vector.broadcast %broadcast_in_dim3A_361 : f32 to vector<16xf32>
      %swap3A_363 = arith.index_cast %scan3A_341 : i32 to index
      %swap3A_364 = arith.constant 48 : index
      %swap3A_365 = tpu.vector_load %arg18[%swap3A_363, %swap3A_364] {strides = array<i32>} : memref<40x128xf32, #tpu.memory_space<vmem>>, vector<1x16xf32>,
      %swap3A_366 = vector.shape_cast %swap3A_365 : vector<1x16xf32> to vector<16xf32>
      %swap3A_367 = vector.shape_cast %broadcast_in_dim3A_362 : vector<16xf32> to vector<1x16xf32>
      tpu.vector_store %arg18[%swap3A_363, %swap3A_364], %swap3A_367 {strides = array<i32>} : memref<40x128xf32, #tpu.memory_space<vmem>>, vector<1x16xf32>,
      %broadcast_in_dim3A_368 = arith.constant 0.000000e+00 : f32
      %broadcast_in_dim3A_369 = vector.broadcast %broadcast_in_dim3A_368 : f32 to vector<16xf32>
      %swap3A_370 = arith.index_cast %scan3A_341 : i32 to index
      %swap3A_371 = arith.constant 64 : index
      %swap3A_372 = tpu.vector_load %arg18[%swap3A_370, %swap3A_371] {strides = array<i32>} : memref<40x128xf32, #tpu.memory_space<vmem>>, vector<1x16xf32>,
      %swap3A_373 = vector.shape_cast %swap3A_372 : vector<1x16xf32> to vector<16xf32>
      %swap3A_374 = vector.shape_cast %broadcast_in_dim3A_369 : vector<16xf32> to vector<1x16xf32>
      tpu.vector_store %arg18[%swap3A_370, %swap3A_371], %swap3A_374 {strides = array<i32>} : memref<40x128xf32, #tpu.memory_space<vmem>>, vector<1x16xf32>,
      %broadcast_in_dim3A_375 = arith.constant 0.000000e+00 : f32
      %broadcast_in_dim3A_376 = vector.broadcast %broadcast_in_dim3A_375 : f32 to vector<16xf32>
      %swap3A_377 = arith.index_cast %scan3A_341 : i32 to index
      %swap3A_378 = arith.constant 80 : index
      %swap3A_379 = tpu.vector_load %arg18[%swap3A_377, %swap3A_378] {strides = array<i32>} : memref<40x128xf32, #tpu.memory_space<vmem>>, vector<1x16xf32>,
      %swap3A_380 = vector.shape_cast %swap3A_379 : vector<1x16xf32> to vector<16xf32>
      %swap3A_381 = vector.shape_cast %broadcast_in_dim3A_376 : vector<16xf32> to vector<1x16xf32>
      tpu.vector_store %arg18[%swap3A_377, %swap3A_378], %swap3A_381 {strides = array<i32>} : memref<40x128xf32, #tpu.memory_space<vmem>>, vector<1x16xf32>,
      %broadcast_in_dim3A_382 = arith.constant 0.000000e+00 : f32
      %broadcast_in_dim3A_383 = vector.broadcast %broadcast_in_dim3A_382 : f32 to vector<16xf32>
      %swap3A_384 = arith.index_cast %scan3A_341 : i32 to index
      %swap3A_385 = arith.constant 96 : index
      %swap3A_386 = tpu.vector_load %arg18[%swap3A_384, %swap3A_385] {strides = array<i32>} : memref<40x128xf32, #tpu.memory_space<vmem>>, vector<1x16xf32>,
      %swap3A_387 = vector.shape_cast %swap3A_386 : vector<1x16xf32> to vector<16xf32>
      %swap3A_388 = vector.shape_cast %broadcast_in_dim3A_383 : vector<16xf32> to vector<1x16xf32>
      tpu.vector_store %arg18[%swap3A_384, %swap3A_385], %swap3A_388 {strides = array<i32>} : memref<40x128xf32, #tpu.memory_space<vmem>>, vector<1x16xf32>,
      %broadcast_in_dim3A_389 = arith.constant 0.000000e+00 : f32
      %broadcast_in_dim3A_390 = vector.broadcast %broadcast_in_dim3A_389 : f32 to vector<16xf32>
      %swap3A_391 = arith.index_cast %scan3A_341 : i32 to index
      %swap3A_392 = arith.constant 112 : index
      %swap3A_393 = tpu.vector_load %arg18[%swap3A_391, %swap3A_392] {strides = array<i32>} : memref<40x128xf32, #tpu.memory_space<vmem>>, vector<1x16xf32>,
      %swap3A_394 = vector.shape_cast %swap3A_393 : vector<1x16xf32> to vector<16xf32>
      %swap3A_395 = vector.shape_cast %broadcast_in_dim3A_390 : vector<16xf32> to vector<1x16xf32>
      tpu.vector_store %arg18[%swap3A_391, %swap3A_392], %swap3A_395 {strides = array<i32>} : memref<40x128xf32, #tpu.memory_space<vmem>>, vector<1x16xf32>,
    }
    %scan3A_38 = arith.constant 40 : i32
    %mul3A_39 = arith.constant 640 : i32
    %mul3A_40 = arith.muli %arg1, %mul3A_39 : i32
    %add3A_41 = arith.constant 0 : i32
    %add3A_42 = arith.addi %mul3A_40, %add3A_41 : i32
    %dma_start3A_43 = arith.constant 0 : i32
    %dma_start3A_44 = tpu.memref_slice %arg5[%add3A_42, %dma_start3A_43] : memref<10240x128xf32, #tpu.memory_space<vmem_shared>> -> memref<40x128xf32, #tpu.memory_space<vmem_shared>>
    %dma_start3A_45 = arith.constant 0 : i32
    %dma_start3A_46 = tpu.memref_slice %arg5[%add3A_42, %dma_start3A_45] : memref<10240x128xf32, #tpu.memory_space<vmem_shared>> -> memref<40x128xf32, #tpu.memory_space<vmem_shared>>
    tpu.enqueue_dma source(%arg18 : memref<40x128xf32, #tpu.memory_space<vmem>>) target(%dma_start3A_46 : memref<40x128xf32, #tpu.memory_space<vmem_shared>>) target_semaphore(%arg31 : memref<!tpu.dma_semaphore, #tpu.memory_space<semaphore_mem>>)
    %mul3A_47 = arith.constant 640 : i32
    %mul3A_48 = arith.muli %arg1, %mul3A_47 : i32
    %add3A_49 = arith.constant 40 : i32
    %add3A_50 = arith.addi %mul3A_48, %add3A_49 : i32
    %dma_start3A_51 = arith.constant 0 : i32
    %dma_start3A_52 = tpu.memref_slice %arg5[%add3A_50, %dma_start3A_51] : memref<10240x128xf32, #tpu.memory_space<vmem_shared>> -> memref<40x128xf32, #tpu.memory_space<vmem_shared>>
    %dma_start3A_53 = arith.constant 0 : i32
    %dma_start3A_54 = tpu.memref_slice %arg5[%add3A_50, %dma_start3A_53] : memref<10240x128xf32, #tpu.memory_space<vmem_shared>> -> memref<40x128xf32, #tpu.memory_space<vmem_shared>>
    tpu.enqueue_dma source(%arg18 : memref<40x128xf32, #tpu.memory_space<vmem>>) target(%dma_start3A_54 : memref<40x128xf32, #tpu.memory_space<vmem_shared>>) target_semaphore(%arg31 : memref<!tpu.dma_semaphore, #tpu.memory_space<semaphore_mem>>)
    %mul3A_55 = arith.constant 640 : i32
    %mul3A_56 = arith.muli %arg1, %mul3A_55 : i32
    %add3A_57 = arith.constant 80 : i32
    %add3A_58 = arith.addi %mul3A_56, %add3A_57 : i32
    %dma_start3A_59 = arith.constant 0 : i32
    %dma_start3A_60 = tpu.memref_slice %arg5[%add3A_58, %dma_start3A_59] : memref<10240x128xf32, #tpu.memory_space<vmem_shared>> -> memref<40x128xf32, #tpu.memory_space<vmem_shared>>
    %dma_start3A_61 = arith.constant 0 : i32
    %dma_start3A_62 = tpu.memref_slice %arg5[%add3A_58, %dma_start3A_61] : memref<10240x128xf32, #tpu.memory_space<vmem_shared>> -> memref<40x128xf32, #tpu.memory_space<vmem_shared>>
    tpu.enqueue_dma source(%arg18 : memref<40x128xf32, #tpu.memory_space<vmem>>) target(%dma_start3A_62 : memref<40x128xf32, #tpu.memory_space<vmem_shared>>) target_semaphore(%arg31 : memref<!tpu.dma_semaphore, #tpu.memory_space<semaphore_mem>>)
    %mul3A_63 = arith.constant 640 : i32
    %mul3A_64 = arith.muli %arg1, %mul3A_63 : i32
    %add3A_65 = arith.constant 120 : i32
    %add3A_66 = arith.addi %mul3A_64, %add3A_65 : i32
    %dma_start3A_67 = arith.constant 0 : i32
    %dma_start3A_68 = tpu.memref_slice %arg5[%add3A_66, %dma_start3A_67] : memref<10240x128xf32, #tpu.memory_space<vmem_shared>> -> memref<40x128xf32, #tpu.memory_space<vmem_shared>>
    %dma_start3A_69 = arith.constant 0 : i32
    %dma_start3A_70 = tpu.memref_slice %arg5[%add3A_66, %dma_start3A_69] : memref<10240x128xf32, #tpu.memory_space<vmem_shared>> -> memref<40x128xf32, #tpu.memory_space<vmem_shared>>
    tpu.enqueue_dma source(%arg18 : memref<40x128xf32, #tpu.memory_space<vmem>>) target(%dma_start3A_70 : memref<40x128xf32, #tpu.memory_space<vmem_shared>>) target_semaphore(%arg31 : memref<!tpu.dma_semaphore, #tpu.memory_space<semaphore_mem>>)
    %mul3A_71 = arith.constant 640 : i32
    %mul3A_72 = arith.muli %arg1, %mul3A_71 : i32
    %add3A_73 = arith.constant 160 : i32
    %add3A_74 = arith.addi %mul3A_72, %add3A_73 : i32
    %dma_start3A_75 = arith.constant 0 : i32
    %dma_start3A_76 = tpu.memref_slice %arg5[%add3A_74, %dma_start3A_75] : memref<10240x128xf32, #tpu.memory_space<vmem_shared>> -> memref<40x128xf32, #tpu.memory_space<vmem_shared>>
    %dma_start3A_77 = arith.constant 0 : i32
    %dma_start3A_78 = tpu.memref_slice %arg5[%add3A_74, %dma_start3A_77] : memref<10240x128xf32, #tpu.memory_space<vmem_shared>> -> memref<40x128xf32, #tpu.memory_space<vmem_shared>>
    tpu.enqueue_dma source(%arg18 : memref<40x128xf32, #tpu.memory_space<vmem>>) target(%dma_start3A_78 : memref<40x128xf32, #tpu.memory_space<vmem_shared>>) target_semaphore(%arg31 : memref<!tpu.dma_semaphore, #tpu.memory_space<semaphore_mem>>)
    %mul3A_79 = arith.constant 640 : i32
    %mul3A_80 = arith.muli %arg1, %mul3A_79 : i32
    %add3A_81 = arith.constant 200 : i32
    %add3A_82 = arith.addi %mul3A_80, %add3A_81 : i32
    %dma_start3A_83 = arith.constant 0 : i32
    %dma_start3A_84 = tpu.memref_slice %arg5[%add3A_82, %dma_start3A_83] : memref<10240x128xf32, #tpu.memory_space<vmem_shared>> -> memref<40x128xf32, #tpu.memory_space<vmem_shared>>
    %dma_start3A_85 = arith.constant 0 : i32
    %dma_start3A_86 = tpu.memref_slice %arg5[%add3A_82, %dma_start3A_85] : memref<10240x128xf32, #tpu.memory_space<vmem_shared>> -> memref<40x128xf32, #tpu.memory_space<vmem_shared>>
    tpu.enqueue_dma source(%arg18 : memref<40x128xf32, #tpu.memory_space<vmem>>) target(%dma_start3A_86 : memref<40x128xf32, #tpu.memory_space<vmem_shared>>) target_semaphore(%arg31 : memref<!tpu.dma_semaphore, #tpu.memory_space<semaphore_mem>>)
    %mul3A_87 = arith.constant 640 : i32
    %mul3A_88 = arith.muli %arg1, %mul3A_87 : i32
    %add3A_89 = arith.constant 240 : i32
    %add3A_90 = arith.addi %mul3A_88, %add3A_89 : i32
    %dma_start3A_91 = arith.constant 0 : i32
    %dma_start3A_92 = tpu.memref_slice %arg5[%add3A_90, %dma_start3A_91] : memref<10240x128xf32, #tpu.memory_space<vmem_shared>> -> memref<40x128xf32, #tpu.memory_space<vmem_shared>>
    %dma_start3A_93 = arith.constant 0 : i32
    %dma_start3A_94 = tpu.memref_slice %arg5[%add3A_90, %dma_start3A_93] : memref<10240x128xf32, #tpu.memory_space<vmem_shared>> -> memref<40x128xf32, #tpu.memory_space<vmem_shared>>
    tpu.enqueue_dma source(%arg18 : memref<40x128xf32, #tpu.memory_space<vmem>>) target(%dma_start3A_94 : memref<40x128xf32, #tpu.memory_space<vmem_shared>>) target_semaphore(%arg31 : memref<!tpu.dma_semaphore, #tpu.memory_space<semaphore_mem>>)
    %mul3A_95 = arith.constant 640 : i32
    %mul3A_96 = arith.muli %arg1, %mul3A_95 : i32
    %add3A_97 = arith.constant 280 : i32
    %add3A_98 = arith.addi %mul3A_96, %add3A_97 : i32
    %dma_start3A_99 = arith.constant 0 : i32
    %dma_start3A_100 = tpu.memref_slice %arg5[%add3A_98, %dma_start3A_99] : memref<10240x128xf32, #tpu.memory_space<vmem_shared>> -> memref<40x128xf32, #tpu.memory_space<vmem_shared>>
    %dma_start3A_101 = arith.constant 0 : i32
    %dma_start3A_102 = tpu.memref_slice %arg5[%add3A_98, %dma_start3A_101] : memref<10240x128xf32, #tpu.memory_space<vmem_shared>> -> memref<40x128xf32, #tpu.memory_space<vmem_shared>>
    tpu.enqueue_dma source(%arg18 : memref<40x128xf32, #tpu.memory_space<vmem>>) target(%dma_start3A_102 : memref<40x128xf32, #tpu.memory_space<vmem_shared>>) target_semaphore(%arg31 : memref<!tpu.dma_semaphore, #tpu.memory_space<semaphore_mem>>)
    %mul3A_103 = arith.constant 640 : i32
    %mul3A_104 = arith.muli %arg1, %mul3A_103 : i32
    %add3A_105 = arith.constant 320 : i32
    %add3A_106 = arith.addi %mul3A_104, %add3A_105 : i32
    %dma_start3A_107 = arith.constant 0 : i32
    %dma_start3A_108 = tpu.memref_slice %arg5[%add3A_106, %dma_start3A_107] : memref<10240x128xf32, #tpu.memory_space<vmem_shared>> -> memref<40x128xf32, #tpu.memory_space<vmem_shared>>
    %dma_start3A_109 = arith.constant 0 : i32
    %dma_start3A_110 = tpu.memref_slice %arg5[%add3A_106, %dma_start3A_109] : memref<10240x128xf32, #tpu.memory_space<vmem_shared>> -> memref<40x128xf32, #tpu.memory_space<vmem_shared>>
    tpu.enqueue_dma source(%arg18 : memref<40x128xf32, #tpu.memory_space<vmem>>) target(%dma_start3A_110 : memref<40x128xf32, #tpu.memory_space<vmem_shared>>) target_semaphore(%arg31 : memref<!tpu.dma_semaphore, #tpu.memory_space<semaphore_mem>>)
    %mul3A_111 = arith.constant 640 : i32
    %mul3A_112 = arith.muli %arg1, %mul3A_111 : i32
    %add3A_113 = arith.constant 360 : i32
    %add3A_114 = arith.addi %mul3A_112, %add3A_113 : i32
    %dma_start3A_115 = arith.constant 0 : i32
    %dma_start3A_116 = tpu.memref_slice %arg5[%add3A_114, %dma_start3A_115] : memref<10240x128xf32, #tpu.memory_space<vmem_shared>> -> memref<40x128xf32, #tpu.memory_space<vmem_shared>>
    %dma_start3A_117 = arith.constant 0 : i32
    %dma_start3A_118 = tpu.memref_slice %arg5[%add3A_114, %dma_start3A_117] : memref<10240x128xf32, #tpu.memory_space<vmem_shared>> -> memref<40x128xf32, #tpu.memory_space<vmem_shared>>
    tpu.enqueue_dma source(%arg18 : memref<40x128xf32, #tpu.memory_space<vmem>>) target(%dma_start3A_118 : memref<40x128xf32, #tpu.memory_space<vmem_shared>>) target_semaphore(%arg31 : memref<!tpu.dma_semaphore, #tpu.memory_space<semaphore_mem>>)
    %mul3A_119 = arith.constant 640 : i32
    %mul3A_120 = arith.muli %arg1, %mul3A_119 : i32
    %add3A_121 = arith.constant 400 : i32
    %add3A_122 = arith.addi %mul3A_120, %add3A_121 : i32
    %dma_start3A_123 = arith.constant 0 : i32
    %dma_start3A_124 = tpu.memref_slice %arg5[%add3A_122, %dma_start3A_123] : memref<10240x128xf32, #tpu.memory_space<vmem_shared>> -> memref<40x128xf32, #tpu.memory_space<vmem_shared>>
    %dma_start3A_125 = arith.constant 0 : i32
    %dma_start3A_126 = tpu.memref_slice %arg5[%add3A_122, %dma_start3A_125] : memref<10240x128xf32, #tpu.memory_space<vmem_shared>> -> memref<40x128xf32, #tpu.memory_space<vmem_shared>>
    tpu.enqueue_dma source(%arg18 : memref<40x128xf32, #tpu.memory_space<vmem>>) target(%dma_start3A_126 : memref<40x128xf32, #tpu.memory_space<vmem_shared>>) target_semaphore(%arg31 : memref<!tpu.dma_semaphore, #tpu.memory_space<semaphore_mem>>)
    %mul3A_127 = arith.constant 640 : i32
    %mul3A_128 = arith.muli %arg1, %mul3A_127 : i32
    %add3A_129 = arith.constant 440 : i32
    %add3A_130 = arith.addi %mul3A_128, %add3A_129 : i32
    %dma_start3A_131 = arith.constant 0 : i32
    %dma_start3A_132 = tpu.memref_slice %arg5[%add3A_130, %dma_start3A_131] : memref<10240x128xf32, #tpu.memory_space<vmem_shared>> -> memref<40x128xf32, #tpu.memory_space<vmem_shared>>
    %dma_start3A_133 = arith.constant 0 : i32
    %dma_start3A_134 = tpu.memref_slice %arg5[%add3A_130, %dma_start3A_133] : memref<10240x128xf32, #tpu.memory_space<vmem_shared>> -> memref<40x128xf32, #tpu.memory_space<vmem_shared>>
    tpu.enqueue_dma source(%arg18 : memref<40x128xf32, #tpu.memory_space<vmem>>) target(%dma_start3A_134 : memref<40x128xf32, #tpu.memory_space<vmem_shared>>) target_semaphore(%arg31 : memref<!tpu.dma_semaphore, #tpu.memory_space<semaphore_mem>>)
    %mul3A_135 = arith.constant 640 : i32
    %mul3A_136 = arith.muli %arg1, %mul3A_135 : i32
    %add3A_137 = arith.constant 480 : i32
    %add3A_138 = arith.addi %mul3A_136, %add3A_137 : i32
    %dma_start3A_139 = arith.constant 0 : i32
    %dma_start3A_140 = tpu.memref_slice %arg5[%add3A_138, %dma_start3A_139] : memref<10240x128xf32, #tpu.memory_space<vmem_shared>> -> memref<40x128xf32, #tpu.memory_space<vmem_shared>>
    %dma_start3A_141 = arith.constant 0 : i32
    %dma_start3A_142 = tpu.memref_slice %arg5[%add3A_138, %dma_start3A_141] : memref<10240x128xf32, #tpu.memory_space<vmem_shared>> -> memref<40x128xf32, #tpu.memory_space<vmem_shared>>
    tpu.enqueue_dma source(%arg18 : memref<40x128xf32, #tpu.memory_space<vmem>>) target(%dma_start3A_142 : memref<40x128xf32, #tpu.memory_space<vmem_shared>>) target_semaphore(%arg31 : memref<!tpu.dma_semaphore, #tpu.memory_space<semaphore_mem>>)
    %mul3A_143 = arith.constant 640 : i32
    %mul3A_144 = arith.muli %arg1, %mul3A_143 : i32
    %add3A_145 = arith.constant 520 : i32
    %add3A_146 = arith.addi %mul3A_144, %add3A_145 : i32
    %dma_start3A_147 = arith.constant 0 : i32
    %dma_start3A_148 = tpu.memref_slice %arg5[%add3A_146, %dma_start3A_147] : memref<10240x128xf32, #tpu.memory_space<vmem_shared>> -> memref<40x128xf32, #tpu.memory_space<vmem_shared>>
    %dma_start3A_149 = arith.constant 0 : i32
    %dma_start3A_150 = tpu.memref_slice %arg5[%add3A_146, %dma_start3A_149] : memref<10240x128xf32, #tpu.memory_space<vmem_shared>> -> memref<40x128xf32, #tpu.memory_space<vmem_shared>>
    tpu.enqueue_dma source(%arg18 : memref<40x128xf32, #tpu.memory_space<vmem>>) target(%dma_start3A_150 : memref<40x128xf32, #tpu.memory_space<vmem_shared>>) target_semaphore(%arg31 : memref<!tpu.dma_semaphore, #tpu.memory_space<semaphore_mem>>)
    %mul3A_151 = arith.constant 640 : i32
    %mul3A_152 = arith.muli %arg1, %mul3A_151 : i32
    %add3A_153 = arith.constant 560 : i32
    %add3A_154 = arith.addi %mul3A_152, %add3A_153 : i32
    %dma_start3A_155 = arith.constant 0 : i32
    %dma_start3A_156 = tpu.memref_slice %arg5[%add3A_154, %dma_start3A_155] : memref<10240x128xf32, #tpu.memory_space<vmem_shared>> -> memref<40x128xf32, #tpu.memory_space<vmem_shared>>
    %dma_start3A_157 = arith.constant 0 : i32
    %dma_start3A_158 = tpu.memref_slice %arg5[%add3A_154, %dma_start3A_157] : memref<10240x128xf32, #tpu.memory_space<vmem_shared>> -> memref<40x128xf32, #tpu.memory_space<vmem_shared>>
    tpu.enqueue_dma source(%arg18 : memref<40x128xf32, #tpu.memory_space<vmem>>) target(%dma_start3A_158 : memref<40x128xf32, #tpu.memory_space<vmem_shared>>) target_semaphore(%arg31 : memref<!tpu.dma_semaphore, #tpu.memory_space<semaphore_mem>>)
    %mul3A_159 = arith.constant 640 : i32
    %mul3A_160 = arith.muli %arg1, %mul3A_159 : i32
    %add3A_161 = arith.constant 600 : i32
    %add3A_162 = arith.addi %mul3A_160, %add3A_161 : i32
    %dma_start3A_163 = arith.constant 0 : i32
    %dma_start3A_164 = tpu.memref_slice %arg5[%add3A_162, %dma_start3A_163] : memref<10240x128xf32, #tpu.memory_space<vmem_shared>> -> memref<40x128xf32, #tpu.memory_space<vmem_shared>>
    %dma_start3A_165 = arith.constant 0 : i32
    %dma_start3A_166 = tpu.memref_slice %arg5[%add3A_162, %dma_start3A_165] : memref<10240x128xf32, #tpu.memory_space<vmem_shared>> -> memref<40x128xf32, #tpu.memory_space<vmem_shared>>
    tpu.enqueue_dma source(%arg18 : memref<40x128xf32, #tpu.memory_space<vmem>>) target(%dma_start3A_166 : memref<40x128xf32, #tpu.memory_space<vmem_shared>>) target_semaphore(%arg31 : memref<!tpu.dma_semaphore, #tpu.memory_space<semaphore_mem>>)
    %dma_wait3A = arith.constant 0 : i32
    %dma_wait3A_167 = tpu.memref_slice %arg3[%dma_wait3A] : memref<640000xi32, #tpu.memory_space<hbm>> -> memref<80xi32, #tpu.memory_space<hbm>>
    %dma_wait3A_168 = arith.constant 0 : i32
    %dma_wait3A_169 = tpu.memref_slice %arg3[%dma_wait3A_168] : memref<640000xi32, #tpu.memory_space<hbm>> -> memref<80xi32, #tpu.memory_space<hbm>>
    tpu.wait_dma2 semaphore(%arg19 : memref<!tpu.dma_semaphore, #tpu.memory_space<semaphore_mem>>) src(%dma_wait3A_169 : memref<80xi32, #tpu.memory_space<hbm>>) dst(%arg6 : memref<80xi32, #tpu.memory_space<vmem>>)
    %dma_wait3A_170 = arith.constant 0 : i32
    %dma_wait3A_171 = tpu.memref_slice %arg3[%dma_wait3A_170] : memref<640000xi32, #tpu.memory_space<hbm>> -> memref<80xi32, #tpu.memory_space<hbm>>
    %dma_wait3A_172 = arith.constant 0 : i32
    %dma_wait3A_173 = tpu.memref_slice %arg3[%dma_wait3A_172] : memref<640000xi32, #tpu.memory_space<hbm>> -> memref<80xi32, #tpu.memory_space<hbm>>
    tpu.wait_dma2 semaphore(%arg19 : memref<!tpu.dma_semaphore, #tpu.memory_space<semaphore_mem>>) src(%dma_wait3A_173 : memref<80xi32, #tpu.memory_space<hbm>>) dst(%arg6 : memref<80xi32, #tpu.memory_space<vmem>>)
    %dma_start3A_174 = arith.constant 0 : i32
    %dma_start3A_175 = arith.constant 0 : i32
    %dma_start3A_176 = tpu.memref_slice %arg2[%dma_start3A_174, %dma_start3A_175] : memref<10000x128xf32, #tpu.memory_space<hbm>> -> memref<10000x128xf32, #tpu.memory_space<hbm>>
    tpu.enqueue_indirect_dma source(%dma_start3A_176 : memref<10000x128xf32, #tpu.memory_space<hbm>>) target(%arg14 : memref<80x128xf32, #tpu.memory_space<vmem>>) offsets(%arg10 : memref<80xi32, #tpu.memory_space<vmem>>) semaphore(%arg23 : memref<!tpu.dma_semaphore, #tpu.memory_space<semaphore_mem>>)
    %dma_wait3A_177 = arith.constant 0 : i32
    %dma_wait3A_178 = tpu.memref_slice %arg3[%dma_wait3A_177] : memref<640000xi32, #tpu.memory_space<hbm>> -> memref<80xi32, #tpu.memory_space<hbm>>
    %dma_wait3A_179 = arith.constant 0 : i32
    %dma_wait3A_180 = tpu.memref_slice %arg3[%dma_wait3A_179] : memref<640000xi32, #tpu.memory_space<hbm>> -> memref<80xi32, #tpu.memory_space<hbm>>
    tpu.wait_dma2 semaphore(%arg20 : memref<!tpu.dma_semaphore, #tpu.memory_space<semaphore_mem>>) src(%dma_wait3A_180 : memref<80xi32, #tpu.memory_space<hbm>>) dst(%arg7 : memref<80xi32, #tpu.memory_space<vmem>>)
    %dma_wait3A_181 = arith.constant 0 : i32
    %dma_wait3A_182 = tpu.memref_slice %arg3[%dma_wait3A_181] : memref<640000xi32, #tpu.memory_space<hbm>> -> memref<80xi32, #tpu.memory_space<hbm>>
    %dma_wait3A_183 = arith.constant 0 : i32
    %dma_wait3A_184 = tpu.memref_slice %arg3[%dma_wait3A_183] : memref<640000xi32, #tpu.memory_space<hbm>> -> memref<80xi32, #tpu.memory_space<hbm>>
    tpu.wait_dma2 semaphore(%arg20 : memref<!tpu.dma_semaphore, #tpu.memory_space<semaphore_mem>>) src(%dma_wait3A_184 : memref<80xi32, #tpu.memory_space<hbm>>) dst(%arg7 : memref<80xi32, #tpu.memory_space<vmem>>)
    %dma_start3A_185 = arith.constant 0 : i32
    %dma_start3A_186 = arith.constant 0 : i32
    %dma_start3A_187 = tpu.memref_slice %arg2[%dma_start3A_185, %dma_start3A_186] : memref<10000x128xf32, #tpu.memory_space<hbm>> -> memref<10000x128xf32, #tpu.memory_space<hbm>>
    tpu.enqueue_indirect_dma source(%dma_start3A_187 : memref<10000x128xf32, #tpu.memory_space<hbm>>) target(%arg15 : memref<80x128xf32, #tpu.memory_space<vmem>>) offsets(%arg11 : memref<80xi32, #tpu.memory_space<vmem>>) semaphore(%arg24 : memref<!tpu.dma_semaphore, #tpu.memory_space<semaphore_mem>>)
    %dma_wait3A_188 = arith.constant 0 : i32
    %dma_wait3A_189 = tpu.memref_slice %arg3[%dma_wait3A_188] : memref<640000xi32, #tpu.memory_space<hbm>> -> memref<80xi32, #tpu.memory_space<hbm>>
    %dma_wait3A_190 = arith.constant 0 : i32
    %dma_wait3A_191 = tpu.memref_slice %arg3[%dma_wait3A_190] : memref<640000xi32, #tpu.memory_space<hbm>> -> memref<80xi32, #tpu.memory_space<hbm>>
    tpu.wait_dma2 semaphore(%arg21 : memref<!tpu.dma_semaphore, #tpu.memory_space<semaphore_mem>>) src(%dma_wait3A_191 : memref<80xi32, #tpu.memory_space<hbm>>) dst(%arg8 : memref<80xi32, #tpu.memory_space<vmem>>)
    %dma_wait3A_192 = arith.constant 0 : i32
    %dma_wait3A_193 = tpu.memref_slice %arg3[%dma_wait3A_192] : memref<640000xi32, #tpu.memory_space<hbm>> -> memref<80xi32, #tpu.memory_space<hbm>>
    %dma_wait3A_194 = arith.constant 0 : i32
    %dma_wait3A_195 = tpu.memref_slice %arg3[%dma_wait3A_194] : memref<640000xi32, #tpu.memory_space<hbm>> -> memref<80xi32, #tpu.memory_space<hbm>>
    tpu.wait_dma2 semaphore(%arg21 : memref<!tpu.dma_semaphore, #tpu.memory_space<semaphore_mem>>) src(%dma_wait3A_195 : memref<80xi32, #tpu.memory_space<hbm>>) dst(%arg8 : memref<80xi32, #tpu.memory_space<vmem>>)
    %dma_start3A_196 = arith.constant 0 : i32
    %dma_start3A_197 = arith.constant 0 : i32
    %dma_start3A_198 = tpu.memref_slice %arg2[%dma_start3A_196, %dma_start3A_197] : memref<10000x128xf32, #tpu.memory_space<hbm>> -> memref<10000x128xf32, #tpu.memory_space<hbm>>
    tpu.enqueue_indirect_dma source(%dma_start3A_198 : memref<10000x128xf32, #tpu.memory_space<hbm>>) target(%arg16 : memref<80x128xf32, #tpu.memory_space<vmem>>) offsets(%arg12 : memref<80xi32, #tpu.memory_space<vmem>>) semaphore(%arg25 : memref<!tpu.dma_semaphore, #tpu.memory_space<semaphore_mem>>)
    %dma_wait3A_199 = arith.constant 0 : i32
    %dma_wait3A_200 = tpu.memref_slice %arg3[%dma_wait3A_199] : memref<640000xi32, #tpu.memory_space<hbm>> -> memref<80xi32, #tpu.memory_space<hbm>>
    %dma_wait3A_201 = arith.constant 0 : i32
    %dma_wait3A_202 = tpu.memref_slice %arg3[%dma_wait3A_201] : memref<640000xi32, #tpu.memory_space<hbm>> -> memref<80xi32, #tpu.memory_space<hbm>>
    tpu.wait_dma2 semaphore(%arg22 : memref<!tpu.dma_semaphore, #tpu.memory_space<semaphore_mem>>) src(%dma_wait3A_202 : memref<80xi32, #tpu.memory_space<hbm>>) dst(%arg9 : memref<80xi32, #tpu.memory_space<vmem>>)
    %dma_wait3A_203 = arith.constant 0 : i32
    %dma_wait3A_204 = tpu.memref_slice %arg3[%dma_wait3A_203] : memref<640000xi32, #tpu.memory_space<hbm>> -> memref<80xi32, #tpu.memory_space<hbm>>
    %dma_wait3A_205 = arith.constant 0 : i32
    %dma_wait3A_206 = tpu.memref_slice %arg3[%dma_wait3A_205] : memref<640000xi32, #tpu.memory_space<hbm>> -> memref<80xi32, #tpu.memory_space<hbm>>
    tpu.wait_dma2 semaphore(%arg22 : memref<!tpu.dma_semaphore, #tpu.memory_space<semaphore_mem>>) src(%dma_wait3A_206 : memref<80xi32, #tpu.memory_space<hbm>>) dst(%arg9 : memref<80xi32, #tpu.memory_space<vmem>>)
    %dma_start3A_207 = arith.constant 0 : i32
    %dma_start3A_208 = arith.constant 0 : i32
    %dma_start3A_209 = tpu.memref_slice %arg2[%dma_start3A_207, %dma_start3A_208] : memref<10000x128xf32, #tpu.memory_space<hbm>> -> memref<10000x128xf32, #tpu.memory_space<hbm>>
    tpu.enqueue_indirect_dma source(%dma_start3A_209 : memref<10000x128xf32, #tpu.memory_space<hbm>>) target(%arg17 : memref<80x128xf32, #tpu.memory_space<vmem>>) offsets(%arg13 : memref<80xi32, #tpu.memory_space<vmem>>) semaphore(%arg26 : memref<!tpu.dma_semaphore, #tpu.memory_space<semaphore_mem>>)
    %dma_wait3A_210 = arith.constant 0 : i32
    %dma_wait3A_211 = arith.constant 0 : i32
    %dma_wait3A_212 = tpu.memref_slice %arg2[%dma_wait3A_210, %dma_wait3A_211] : memref<10000x128xf32, #tpu.memory_space<hbm>> -> memref<40x128xf32, #tpu.memory_space<hbm>>
    %dma_wait3A_213 = arith.constant 0 : i32
    %dma_wait3A_214 = arith.constant 0 : i32
    %dma_wait3A_215 = tpu.memref_slice %arg2[%dma_wait3A_213, %dma_wait3A_214] : memref<10000x128xf32, #tpu.memory_space<hbm>> -> memref<40x128xf32, #tpu.memory_space<hbm>>
    tpu.wait_dma2 semaphore(%arg31 : memref<!tpu.dma_semaphore, #tpu.memory_space<semaphore_mem>>) src(%dma_wait3A_215 : memref<40x128xf32, #tpu.memory_space<hbm>>) dst(%arg18 : memref<40x128xf32, #tpu.memory_space<vmem>>)
    %dma_wait3A_216 = arith.constant 0 : i32
    %dma_wait3A_217 = arith.constant 0 : i32
    %dma_wait3A_218 = tpu.memref_slice %arg2[%dma_wait3A_216, %dma_wait3A_217] : memref<10000x128xf32, #tpu.memory_space<hbm>> -> memref<40x128xf32, #tpu.memory_space<hbm>>
    %dma_wait3A_219 = arith.constant 0 : i32
    %dma_wait3A_220 = arith.constant 0 : i32
    %dma_wait3A_221 = tpu.memref_slice %arg2[%dma_wait3A_219, %dma_wait3A_220] : memref<10000x128xf32, #tpu.memory_space<hbm>> -> memref<40x128xf32, #tpu.memory_space<hbm>>
    tpu.wait_dma2 semaphore(%arg31 : memref<!tpu.dma_semaphore, #tpu.memory_space<semaphore_mem>>) src(%dma_wait3A_221 : memref<40x128xf32, #tpu.memory_space<hbm>>) dst(%arg18 : memref<40x128xf32, #tpu.memory_space<vmem>>)
    %dma_wait3A_222 = arith.constant 0 : i32
    %dma_wait3A_223 = arith.constant 0 : i32
    %dma_wait3A_224 = tpu.memref_slice %arg2[%dma_wait3A_222, %dma_wait3A_223] : memref<10000x128xf32, #tpu.memory_space<hbm>> -> memref<40x128xf32, #tpu.memory_space<hbm>>
    %dma_wait3A_225 = arith.constant 0 : i32
    %dma_wait3A_226 = arith.constant 0 : i32
    %dma_wait3A_227 = tpu.memref_slice %arg2[%dma_wait3A_225, %dma_wait3A_226] : memref<10000x128xf32, #tpu.memory_space<hbm>> -> memref<40x128xf32, #tpu.memory_space<hbm>>
    tpu.wait_dma2 semaphore(%arg31 : memref<!tpu.dma_semaphore, #tpu.memory_space<semaphore_mem>>) src(%dma_wait3A_227 : memref<40x128xf32, #tpu.memory_space<hbm>>) dst(%arg18 : memref<40x128xf32, #tpu.memory_space<vmem>>)
    %dma_wait3A_228 = arith.constant 0 : i32
    %dma_wait3A_229 = arith.constant 0 : i32
    %dma_wait3A_230 = tpu.memref_slice %arg2[%dma_wait3A_228, %dma_wait3A_229] : memref<10000x128xf32, #tpu.memory_space<hbm>> -> memref<40x128xf32, #tpu.memory_space<hbm>>
    %dma_wait3A_231 = arith.constant 0 : i32
    %dma_wait3A_232 = arith.constant 0 : i32
    %dma_wait3A_233 = tpu.memref_slice %arg2[%dma_wait3A_231, %dma_wait3A_232] : memref<10000x128xf32, #tpu.memory_space<hbm>> -> memref<40x128xf32, #tpu.memory_space<hbm>>
    tpu.wait_dma2 semaphore(%arg31 : memref<!tpu.dma_semaphore, #tpu.memory_space<semaphore_mem>>) src(%dma_wait3A_233 : memref<40x128xf32, #tpu.memory_space<hbm>>) dst(%arg18 : memref<40x128xf32, #tpu.memory_space<vmem>>)
    %dma_wait3A_234 = arith.constant 0 : i32
    %dma_wait3A_235 = arith.constant 0 : i32
    %dma_wait3A_236 = tpu.memref_slice %arg2[%dma_wait3A_234, %dma_wait3A_235] : memref<10000x128xf32, #tpu.memory_space<hbm>> -> memref<40x128xf32, #tpu.memory_space<hbm>>
    %dma_wait3A_237 = arith.constant 0 : i32
    %dma_wait3A_238 = arith.constant 0 : i32
    %dma_wait3A_239 = tpu.memref_slice %arg2[%dma_wait3A_237, %dma_wait3A_238] : memref<10000x128xf32, #tpu.memory_space<hbm>> -> memref<40x128xf32, #tpu.memory_space<hbm>>
    tpu.wait_dma2 semaphore(%arg31 : memref<!tpu.dma_semaphore, #tpu.memory_space<semaphore_mem>>) src(%dma_wait3A_239 : memref<40x128xf32, #tpu.memory_space<hbm>>) dst(%arg18 : memref<40x128xf32, #tpu.memory_space<vmem>>)
    %dma_wait3A_240 = arith.constant 0 : i32
    %dma_wait3A_241 = arith.constant 0 : i32
    %dma_wait3A_242 = tpu.memref_slice %arg2[%dma_wait3A_240, %dma_wait3A_241] : memref<10000x128xf32, #tpu.memory_space<hbm>> -> memref<40x128xf32, #tpu.memory_space<hbm>>
    %dma_wait3A_243 = arith.constant 0 : i32
    %dma_wait3A_244 = arith.constant 0 : i32
    %dma_wait3A_245 = tpu.memref_slice %arg2[%dma_wait3A_243, %dma_wait3A_244] : memref<10000x128xf32, #tpu.memory_space<hbm>> -> memref<40x128xf32, #tpu.memory_space<hbm>>
    tpu.wait_dma2 semaphore(%arg31 : memref<!tpu.dma_semaphore, #tpu.memory_space<semaphore_mem>>) src(%dma_wait3A_245 : memref<40x128xf32, #tpu.memory_space<hbm>>) dst(%arg18 : memref<40x128xf32, #tpu.memory_space<vmem>>)
    %dma_wait3A_246 = arith.constant 0 : i32
    %dma_wait3A_247 = arith.constant 0 : i32
    %dma_wait3A_248 = tpu.memref_slice %arg2[%dma_wait3A_246, %dma_wait3A_247] : memref<10000x128xf32, #tpu.memory_space<hbm>> -> memref<40x128xf32, #tpu.memory_space<hbm>>
    %dma_wait3A_249 = arith.constant 0 : i32
    %dma_wait3A_250 = arith.constant 0 : i32
    %dma_wait3A_251 = tpu.memref_slice %arg2[%dma_wait3A_249, %dma_wait3A_250] : memref<10000x128xf32, #tpu.memory_space<hbm>> -> memref<40x128xf32, #tpu.memory_space<hbm>>
    tpu.wait_dma2 semaphore(%arg31 : memref<!tpu.dma_semaphore, #tpu.memory_space<semaphore_mem>>) src(%dma_wait3A_251 : memref<40x128xf32, #tpu.memory_space<hbm>>) dst(%arg18 : memref<40x128xf32, #tpu.memory_space<vmem>>)
    %dma_wait3A_252 = arith.constant 0 : i32
    %dma_wait3A_253 = arith.constant 0 : i32
    %dma_wait3A_254 = tpu.memref_slice %arg2[%dma_wait3A_252, %dma_wait3A_253] : memref<10000x128xf32, #tpu.memory_space<hbm>> -> memref<40x128xf32, #tpu.memory_space<hbm>>
    %dma_wait3A_255 = arith.constant 0 : i32
    %dma_wait3A_256 = arith.constant 0 : i32
    %dma_wait3A_257 = tpu.memref_slice %arg2[%dma_wait3A_255, %dma_wait3A_256] : memref<10000x128xf32, #tpu.memory_space<hbm>> -> memref<40x128xf32, #tpu.memory_space<hbm>>
    tpu.wait_dma2 semaphore(%arg31 : memref<!tpu.dma_semaphore, #tpu.memory_space<semaphore_mem>>) src(%dma_wait3A_257 : memref<40x128xf32, #tpu.memory_space<hbm>>) dst(%arg18 : memref<40x128xf32, #tpu.memory_space<vmem>>)
    %dma_wait3A_258 = arith.constant 0 : i32
    %dma_wait3A_259 = arith.constant 0 : i32
    %dma_wait3A_260 = tpu.memref_slice %arg2[%dma_wait3A_258, %dma_wait3A_259] : memref<10000x128xf32, #tpu.memory_space<hbm>> -> memref<40x128xf32, #tpu.memory_space<hbm>>
    %dma_wait3A_261 = arith.constant 0 : i32
    %dma_wait3A_262 = arith.constant 0 : i32
    %dma_wait3A_263 = tpu.memref_slice %arg2[%dma_wait3A_261, %dma_wait3A_262] : memref<10000x128xf32, #tpu.memory_space<hbm>> -> memref<40x128xf32, #tpu.memory_space<hbm>>
    tpu.wait_dma2 semaphore(%arg31 : memref<!tpu.dma_semaphore, #tpu.memory_space<semaphore_mem>>) src(%dma_wait3A_263 : memref<40x128xf32, #tpu.memory_space<hbm>>) dst(%arg18 : memref<40x128xf32, #tpu.memory_space<vmem>>)
    %dma_wait3A_264 = arith.constant 0 : i32
    %dma_wait3A_265 = arith.constant 0 : i32
    %dma_wait3A_266 = tpu.memref_slice %arg2[%dma_wait3A_264, %dma_wait3A_265] : memref<10000x128xf32, #tpu.memory_space<hbm>> -> memref<40x128xf32, #tpu.memory_space<hbm>>
    %dma_wait3A_267 = arith.constant 0 : i32
    %dma_wait3A_268 = arith.constant 0 : i32
    %dma_wait3A_269 = tpu.memref_slice %arg2[%dma_wait3A_267, %dma_wait3A_268] : memref<10000x128xf32, #tpu.memory_space<hbm>> -> memref<40x128xf32, #tpu.memory_space<hbm>>
    tpu.wait_dma2 semaphore(%arg31 : memref<!tpu.dma_semaphore, #tpu.memory_space<semaphore_mem>>) src(%dma_wait3A_269 : memref<40x128xf32, #tpu.memory_space<hbm>>) dst(%arg18 : memref<40x128xf32, #tpu.memory_space<vmem>>)
    %dma_wait3A_270 = arith.constant 0 : i32
    %dma_wait3A_271 = arith.constant 0 : i32
    %dma_wait3A_272 = tpu.memref_slice %arg2[%dma_wait3A_270, %dma_wait3A_271] : memref<10000x128xf32, #tpu.memory_space<hbm>> -> memref<40x128xf32, #tpu.memory_space<hbm>>
    %dma_wait3A_273 = arith.constant 0 : i32
    %dma_wait3A_274 = arith.constant 0 : i32
    %dma_wait3A_275 = tpu.memref_slice %arg2[%dma_wait3A_273, %dma_wait3A_274] : memref<10000x128xf32, #tpu.memory_space<hbm>> -> memref<40x128xf32, #tpu.memory_space<hbm>>
    tpu.wait_dma2 semaphore(%arg31 : memref<!tpu.dma_semaphore, #tpu.memory_space<semaphore_mem>>) src(%dma_wait3A_275 : memref<40x128xf32, #tpu.memory_space<hbm>>) dst(%arg18 : memref<40x128xf32, #tpu.memory_space<vmem>>)
    %dma_wait3A_276 = arith.constant 0 : i32
    %dma_wait3A_277 = arith.constant 0 : i32
    %dma_wait3A_278 = tpu.memref_slice %arg2[%dma_wait3A_276, %dma_wait3A_277] : memref<10000x128xf32, #tpu.memory_space<hbm>> -> memref<40x128xf32, #tpu.memory_space<hbm>>
    %dma_wait3A_279 = arith.constant 0 : i32
    %dma_wait3A_280 = arith.constant 0 : i32
    %dma_wait3A_281 = tpu.memref_slice %arg2[%dma_wait3A_279, %dma_wait3A_280] : memref<10000x128xf32, #tpu.memory_space<hbm>> -> memref<40x128xf32, #tpu.memory_space<hbm>>
    tpu.wait_dma2 semaphore(%arg31 : memref<!tpu.dma_semaphore, #tpu.memory_space<semaphore_mem>>) src(%dma_wait3A_281 : memref<40x128xf32, #tpu.memory_space<hbm>>) dst(%arg18 : memref<40x128xf32, #tpu.memory_space<vmem>>)
    %dma_wait3A_282 = arith.constant 0 : i32
    %dma_wait3A_283 = arith.constant 0 : i32
    %dma_wait3A_284 = tpu.memref_slice %arg2[%dma_wait3A_282, %dma_wait3A_283] : memref<10000x128xf32, #tpu.memory_space<hbm>> -> memref<40x128xf32, #tpu.memory_space<hbm>>
    %dma_wait3A_285 = arith.constant 0 : i32
    %dma_wait3A_286 = arith.constant 0 : i32
    %dma_wait3A_287 = tpu.memref_slice %arg2[%dma_wait3A_285, %dma_wait3A_286] : memref<10000x128xf32, #tpu.memory_space<hbm>> -> memref<40x128xf32, #tpu.memory_space<hbm>>
    tpu.wait_dma2 semaphore(%arg31 : memref<!tpu.dma_semaphore, #tpu.memory_space<semaphore_mem>>) src(%dma_wait3A_287 : memref<40x128xf32, #tpu.memory_space<hbm>>) dst(%arg18 : memref<40x128xf32, #tpu.memory_space<vmem>>)
    %dma_wait3A_288 = arith.constant 0 : i32
    %dma_wait3A_289 = arith.constant 0 : i32
    %dma_wait3A_290 = tpu.memref_slice %arg2[%dma_wait3A_288, %dma_wait3A_289] : memref<10000x128xf32, #tpu.memory_space<hbm>> -> memref<40x128xf32, #tpu.memory_space<hbm>>
    %dma_wait3A_291 = arith.constant 0 : i32
    %dma_wait3A_292 = arith.constant 0 : i32
    %dma_wait3A_293 = tpu.memref_slice %arg2[%dma_wait3A_291, %dma_wait3A_292] : memref<10000x128xf32, #tpu.memory_space<hbm>> -> memref<40x128xf32, #tpu.memory_space<hbm>>
    tpu.wait_dma2 semaphore(%arg31 : memref<!tpu.dma_semaphore, #tpu.memory_space<semaphore_mem>>) src(%dma_wait3A_293 : memref<40x128xf32, #tpu.memory_space<hbm>>) dst(%arg18 : memref<40x128xf32, #tpu.memory_space<vmem>>)
    %dma_wait3A_294 = arith.constant 0 : i32
    %dma_wait3A_295 = arith.constant 0 : i32
    %dma_wait3A_296 = tpu.memref_slice %arg2[%dma_wait3A_294, %dma_wait3A_295] : memref<10000x128xf32, #tpu.memory_space<hbm>> -> memref<40x128xf32, #tpu.memory_space<hbm>>
    %dma_wait3A_297 = arith.constant 0 : i32
    %dma_wait3A_298 = arith.constant 0 : i32
    %dma_wait3A_299 = tpu.memref_slice %arg2[%dma_wait3A_297, %dma_wait3A_298] : memref<10000x128xf32, #tpu.memory_space<hbm>> -> memref<40x128xf32, #tpu.memory_space<hbm>>
    tpu.wait_dma2 semaphore(%arg31 : memref<!tpu.dma_semaphore, #tpu.memory_space<semaphore_mem>>) src(%dma_wait3A_299 : memref<40x128xf32, #tpu.memory_space<hbm>>) dst(%arg18 : memref<40x128xf32, #tpu.memory_space<vmem>>)
    %dma_wait3A_300 = arith.constant 0 : i32
    %dma_wait3A_301 = arith.constant 0 : i32
    %dma_wait3A_302 = tpu.memref_slice %arg2[%dma_wait3A_300, %dma_wait3A_301] : memref<10000x128xf32, #tpu.memory_space<hbm>> -> memref<40x128xf32, #tpu.memory_space<hbm>>
    %dma_wait3A_303 = arith.constant 0 : i32
    %dma_wait3A_304 = arith.constant 0 : i32
    %dma_wait3A_305 = tpu.memref_slice %arg2[%dma_wait3A_303, %dma_wait3A_304] : memref<10000x128xf32, #tpu.memory_space<hbm>> -> memref<40x128xf32, #tpu.memory_space<hbm>>
    tpu.wait_dma2 semaphore(%arg31 : memref<!tpu.dma_semaphore, #tpu.memory_space<semaphore_mem>>) src(%dma_wait3A_305 : memref<40x128xf32, #tpu.memory_space<hbm>>) dst(%arg18 : memref<40x128xf32, #tpu.memory_space<vmem>>)
    %barrier3A = arith.constant 0 : index
    tpu.barrier barrier_id(%barrier3A)
    %scan3A_306 = arith.constant 0 : i32
    %scan3A_307 = arith.constant 0 : i32
    %scan3A_308 = arith.constant 32 : i32
    %scan3A_309 = arith.addi %scan3A_307, %scan3A_308 : i32
    %scan3A_310 = arith.constant 1 : i32
    scf.for %scan3A_341 = %scan3A_307 to %scan3A_309 step %scan3A_310  : i32 {
      %mul3A_342 = arith.constant 4 : i32
      %mul3A_343 = arith.muli %scan3A_341, %mul3A_342 : i32
      %add3A_344 = arith.constant 0 : i32
      %add3A_345 = arith.addi %mul3A_343, %add3A_344 : i32
      %lt3A = arith.constant 125 : i32
      %lt3A_346 = arith.cmpi slt, %add3A_345, %lt3A : i32
      %convert_element_type3A = arith.extui %lt3A_346 : i1 to i32
      %cond3A = arith.constant 0 : i32
      %cond3A_347 = arith.cmpi ne, %convert_element_type3A, %cond3A : i32
      scf.if %cond3A_347 {
        %dma_wait3A_380 = arith.constant 0 : i32
        %dma_wait3A_381 = arith.constant 0 : i32
        %dma_wait3A_382 = tpu.memref_slice %arg2[%dma_wait3A_380, %dma_wait3A_381] : memref<10000x128xf32, #tpu.memory_space<hbm>> -> memref<80x128xf32, #tpu.memory_space<hbm>>
        %dma_wait3A_383 = arith.constant 0 : i32
        %dma_wait3A_384 = arith.constant 0 : i32
        %dma_wait3A_385 = tpu.memref_slice %arg2[%dma_wait3A_383, %dma_wait3A_384] : memref<10000x128xf32, #tpu.memory_space<hbm>> -> memref<80x128xf32, #tpu.memory_space<hbm>>
        tpu.wait_dma2 semaphore(%arg23 : memref<!tpu.dma_semaphore, #tpu.memory_space<semaphore_mem>>) src(%dma_wait3A_385 : memref<80x128xf32, #tpu.memory_space<hbm>>) dst(%arg14 : memref<80x128xf32, #tpu.memory_space<vmem>>)
        %dma_start3A_386 = arith.constant 0 : i32
        %dma_start3A_387 = arith.constant 0 : i32
        %dma_start3A_388 = tpu.memref_slice %arg5[%dma_start3A_386, %dma_start3A_387] : memref<10240x128xf32, #tpu.memory_space<vmem_shared>> -> memref<10240x128xf32, #tpu.memory_space<vmem_shared>>
        tpu.enqueue_indirect_dma source(%arg14 : memref<80x128xf32, #tpu.memory_space<vmem>>) target(%dma_start3A_388 : memref<10240x128xf32, #tpu.memory_space<vmem_shared>>) offsets(%arg6 : memref<80xi32, #tpu.memory_space<vmem>>) semaphore(%arg27 : memref<!tpu.dma_semaphore, #tpu.memory_space<semaphore_mem>>) {add = true}
      } else {
      }
      %mul3A_348 = arith.constant 4 : i32
      %mul3A_349 = arith.muli %scan3A_341, %mul3A_348 : i32
      %add3A_350 = arith.constant 1 : i32
      %add3A_351 = arith.addi %mul3A_349, %add3A_350 : i32
      %lt3A_352 = arith.constant 125 : i32
      %lt3A_353 = arith.cmpi slt, %add3A_351, %lt3A_352 : i32
      %convert_element_type3A_354 = arith.extui %lt3A_353 : i1 to i32
      %cond3A_355 = arith.constant 0 : i32
      %cond3A_356 = arith.cmpi ne, %convert_element_type3A_354, %cond3A_355 : i32
      scf.if %cond3A_356 {
        %dma_wait3A_380 = arith.constant 0 : i32
        %dma_wait3A_381 = arith.constant 0 : i32
        %dma_wait3A_382 = tpu.memref_slice %arg2[%dma_wait3A_380, %dma_wait3A_381] : memref<10000x128xf32, #tpu.memory_space<hbm>> -> memref<80x128xf32, #tpu.memory_space<hbm>>
        %dma_wait3A_383 = arith.constant 0 : i32
        %dma_wait3A_384 = arith.constant 0 : i32
        %dma_wait3A_385 = tpu.memref_slice %arg2[%dma_wait3A_383, %dma_wait3A_384] : memref<10000x128xf32, #tpu.memory_space<hbm>> -> memref<80x128xf32, #tpu.memory_space<hbm>>
        tpu.wait_dma2 semaphore(%arg24 : memref<!tpu.dma_semaphore, #tpu.memory_space<semaphore_mem>>) src(%dma_wait3A_385 : memref<80x128xf32, #tpu.memory_space<hbm>>) dst(%arg15 : memref<80x128xf32, #tpu.memory_space<vmem>>)
        %dma_start3A_386 = arith.constant 0 : i32
        %dma_start3A_387 = arith.constant 0 : i32
        %dma_start3A_388 = tpu.memref_slice %arg5[%dma_start3A_386, %dma_start3A_387] : memref<10240x128xf32, #tpu.memory_space<vmem_shared>> -> memref<10240x128xf32, #tpu.memory_space<vmem_shared>>
        tpu.enqueue_indirect_dma source(%arg15 : memref<80x128xf32, #tpu.memory_space<vmem>>) target(%dma_start3A_388 : memref<10240x128xf32, #tpu.memory_space<vmem_shared>>) offsets(%arg7 : memref<80xi32, #tpu.memory_space<vmem>>) semaphore(%arg28 : memref<!tpu.dma_semaphore, #tpu.memory_space<semaphore_mem>>) {add = true}
      } else {
      }
      %mul3A_357 = arith.constant 4 : i32
      %mul3A_358 = arith.muli %scan3A_341, %mul3A_357 : i32
      %add3A_359 = arith.constant 2 : i32
      %add3A_360 = arith.addi %mul3A_358, %add3A_359 : i32
      %lt3A_361 = arith.constant 125 : i32
      %lt3A_362 = arith.cmpi slt, %add3A_360, %lt3A_361 : i32
      %convert_element_type3A_363 = arith.extui %lt3A_362 : i1 to i32
      %cond3A_364 = arith.constant 0 : i32
      %cond3A_365 = arith.cmpi ne, %convert_element_type3A_363, %cond3A_364 : i32
      scf.if %cond3A_365 {
        %dma_wait3A_380 = arith.constant 0 : i32
        %dma_wait3A_381 = arith.constant 0 : i32
        %dma_wait3A_382 = tpu.memref_slice %arg2[%dma_wait3A_380, %dma_wait3A_381] : memref<10000x128xf32, #tpu.memory_space<hbm>> -> memref<80x128xf32, #tpu.memory_space<hbm>>
        %dma_wait3A_383 = arith.constant 0 : i32
        %dma_wait3A_384 = arith.constant 0 : i32
        %dma_wait3A_385 = tpu.memref_slice %arg2[%dma_wait3A_383, %dma_wait3A_384] : memref<10000x128xf32, #tpu.memory_space<hbm>> -> memref<80x128xf32, #tpu.memory_space<hbm>>
        tpu.wait_dma2 semaphore(%arg25 : memref<!tpu.dma_semaphore, #tpu.memory_space<semaphore_mem>>) src(%dma_wait3A_385 : memref<80x128xf32, #tpu.memory_space<hbm>>) dst(%arg16 : memref<80x128xf32, #tpu.memory_space<vmem>>)
        %dma_start3A_386 = arith.constant 0 : i32
        %dma_start3A_387 = arith.constant 0 : i32
        %dma_start3A_388 = tpu.memref_slice %arg5[%dma_start3A_386, %dma_start3A_387] : memref<10240x128xf32, #tpu.memory_space<vmem_shared>> -> memref<10240x128xf32, #tpu.memory_space<vmem_shared>>
        tpu.enqueue_indirect_dma source(%arg16 : memref<80x128xf32, #tpu.memory_space<vmem>>) target(%dma_start3A_388 : memref<10240x128xf32, #tpu.memory_space<vmem_shared>>) offsets(%arg8 : memref<80xi32, #tpu.memory_space<vmem>>) semaphore(%arg29 : memref<!tpu.dma_semaphore, #tpu.memory_space<semaphore_mem>>) {add = true}
      } else {
      }
      %mul3A_366 = arith.constant 4 : i32
      %mul3A_367 = arith.muli %scan3A_341, %mul3A_366 : i32
      %add3A_368 = arith.constant 3 : i32
      %add3A_369 = arith.addi %mul3A_367, %add3A_368 : i32
      %lt3A_370 = arith.constant 125 : i32
      %lt3A_371 = arith.cmpi slt, %add3A_369, %lt3A_370 : i32
      %convert_element_type3A_372 = arith.extui %lt3A_371 : i1 to i32
      %cond3A_373 = arith.constant 0 : i32
      %cond3A_374 = arith.cmpi ne, %convert_element_type3A_372, %cond3A_373 : i32
      scf.if %cond3A_374 {
        %dma_wait3A_380 = arith.constant 0 : i32
        %dma_wait3A_381 = arith.constant 0 : i32
        %dma_wait3A_382 = tpu.memref_slice %arg2[%dma_wait3A_380, %dma_wait3A_381] : memref<10000x128xf32, #tpu.memory_space<hbm>> -> memref<80x128xf32, #tpu.memory_space<hbm>>
        %dma_wait3A_383 = arith.constant 0 : i32
        %dma_wait3A_384 = arith.constant 0 : i32
        %dma_wait3A_385 = tpu.memref_slice %arg2[%dma_wait3A_383, %dma_wait3A_384] : memref<10000x128xf32, #tpu.memory_space<hbm>> -> memref<80x128xf32, #tpu.memory_space<hbm>>
        tpu.wait_dma2 semaphore(%arg26 : memref<!tpu.dma_semaphore, #tpu.memory_space<semaphore_mem>>) src(%dma_wait3A_385 : memref<80x128xf32, #tpu.memory_space<hbm>>) dst(%arg17 : memref<80x128xf32, #tpu.memory_space<vmem>>)
        %dma_start3A_386 = arith.constant 0 : i32
        %dma_start3A_387 = arith.constant 0 : i32
        %dma_start3A_388 = tpu.memref_slice %arg5[%dma_start3A_386, %dma_start3A_387] : memref<10240x128xf32, #tpu.memory_space<vmem_shared>> -> memref<10240x128xf32, #tpu.memory_space<vmem_shared>>
        tpu.enqueue_indirect_dma source(%arg17 : memref<80x128xf32, #tpu.memory_space<vmem>>) target(%dma_start3A_388 : memref<10240x128xf32, #tpu.memory_space<vmem_shared>>) offsets(%arg9 : memref<80xi32, #tpu.memory_space<vmem>>) semaphore(%arg30 : memref<!tpu.dma_semaphore, #tpu.memory_space<semaphore_mem>>) {add = true}
      } else {
      }
      %lt3A_375 = arith.constant 31 : i32
      %lt3A_376 = arith.cmpi slt, %scan3A_341, %lt3A_375 : i32
      %convert_element_type3A_377 = arith.extui %lt3A_376 : i1 to i32
      %cond3A_378 = arith.constant 0 : i32
      %cond3A_379 = arith.cmpi ne, %convert_element_type3A_377, %cond3A_378 : i32
      scf.if %cond3A_379 {
        %add3A_380 = arith.constant 1 : i32
        %add3A_381 = arith.addi %scan3A_341, %add3A_380 : i32
        %mul3A_382 = arith.constant 4 : i32
        %mul3A_383 = arith.muli %add3A_381, %mul3A_382 : i32
        %add3A_384 = arith.constant 0 : i32
        %add3A_385 = arith.addi %mul3A_383, %add3A_384 : i32
        %lt3A_386 = arith.constant 125 : i32
        %lt3A_387 = arith.cmpi slt, %add3A_385, %lt3A_386 : i32
        %convert_element_type3A_388 = arith.extui %lt3A_387 : i1 to i32
        %cond3A_389 = arith.constant 0 : i32
        %cond3A_390 = arith.cmpi ne, %convert_element_type3A_388, %cond3A_389 : i32
        scf.if %cond3A_390 {
          %dma_wait3A_468 = arith.constant 0 : i32
          %dma_wait3A_469 = arith.constant 0 : i32
          %dma_wait3A_470 = tpu.memref_slice %arg2[%dma_wait3A_468, %dma_wait3A_469] : memref<10000x128xf32, #tpu.memory_space<hbm>> -> memref<80x128xf32, #tpu.memory_space<hbm>>
          %dma_wait3A_471 = arith.constant 0 : i32
          %dma_wait3A_472 = arith.constant 0 : i32
          %dma_wait3A_473 = tpu.memref_slice %arg2[%dma_wait3A_471, %dma_wait3A_472] : memref<10000x128xf32, #tpu.memory_space<hbm>> -> memref<80x128xf32, #tpu.memory_space<hbm>>
          tpu.wait_dma2 semaphore(%arg27 : memref<!tpu.dma_semaphore, #tpu.memory_space<semaphore_mem>>) src(%dma_wait3A_473 : memref<80x128xf32, #tpu.memory_space<hbm>>) dst(%arg14 : memref<80x128xf32, #tpu.memory_space<vmem>>)
          %mul3A_474 = arith.constant 80 : i32
          %mul3A_475 = arith.muli %add3A_385, %mul3A_474 : i32
          %add3A_476 = arith.addi %mul3A_2, %mul3A_475 : i32
          %dma_start3A_477 = tpu.memref_slice %arg3[%add3A_476] : memref<640000xi32, #tpu.memory_space<hbm>> -> memref<80xi32, #tpu.memory_space<hbm>>
          %dma_start3A_478 = tpu.memref_slice %arg3[%add3A_476] : memref<640000xi32, #tpu.memory_space<hbm>> -> memref<80xi32, #tpu.memory_space<hbm>>
          tpu.enqueue_dma source(%dma_start3A_478 : memref<80xi32, #tpu.memory_space<hbm>>) target(%arg6 : memref<80xi32, #tpu.memory_space<vmem>>) target_semaphore(%arg19 : memref<!tpu.dma_semaphore, #tpu.memory_space<semaphore_mem>>)
          %add3A_479 = arith.constant 320000 : i32
          %add3A_480 = arith.addi %add3A_479, %add3A_476 : i32
          %dma_start3A_481 = tpu.memref_slice %arg3[%add3A_480] : memref<640000xi32, #tpu.memory_space<hbm>> -> memref<80xi32, #tpu.memory_space<hbm>>
          %dma_start3A_482 = tpu.memref_slice %arg3[%add3A_480] : memref<640000xi32, #tpu.memory_space<hbm>> -> memref<80xi32, #tpu.memory_space<hbm>>
          tpu.enqueue_dma source(%dma_start3A_482 : memref<80xi32, #tpu.memory_space<hbm>>) target(%arg10 : memref<80xi32, #tpu.memory_space<vmem>>) target_semaphore(%arg19 : memref<!tpu.dma_semaphore, #tpu.memory_space<semaphore_mem>>)
        } else {
        }
        %add3A_391 = arith.constant 1 : i32
        %add3A_392 = arith.addi %scan3A_341, %add3A_391 : i32
        %mul3A_393 = arith.constant 4 : i32
        %mul3A_394 = arith.muli %add3A_392, %mul3A_393 : i32
        %add3A_395 = arith.constant 1 : i32
        %add3A_396 = arith.addi %mul3A_394, %add3A_395 : i32
        %lt3A_397 = arith.constant 125 : i32
        %lt3A_398 = arith.cmpi slt, %add3A_396, %lt3A_397 : i32
        %convert_element_type3A_399 = arith.extui %lt3A_398 : i1 to i32
        %cond3A_400 = arith.constant 0 : i32
        %cond3A_401 = arith.cmpi ne, %convert_element_type3A_399, %cond3A_400 : i32
        scf.if %cond3A_401 {
          %dma_wait3A_468 = arith.constant 0 : i32
          %dma_wait3A_469 = arith.constant 0 : i32
          %dma_wait3A_470 = tpu.memref_slice %arg2[%dma_wait3A_468, %dma_wait3A_469] : memref<10000x128xf32, #tpu.memory_space<hbm>> -> memref<80x128xf32, #tpu.memory_space<hbm>>
          %dma_wait3A_471 = arith.constant 0 : i32
          %dma_wait3A_472 = arith.constant 0 : i32
          %dma_wait3A_473 = tpu.memref_slice %arg2[%dma_wait3A_471, %dma_wait3A_472] : memref<10000x128xf32, #tpu.memory_space<hbm>> -> memref<80x128xf32, #tpu.memory_space<hbm>>
          tpu.wait_dma2 semaphore(%arg28 : memref<!tpu.dma_semaphore, #tpu.memory_space<semaphore_mem>>) src(%dma_wait3A_473 : memref<80x128xf32, #tpu.memory_space<hbm>>) dst(%arg15 : memref<80x128xf32, #tpu.memory_space<vmem>>)
          %mul3A_474 = arith.constant 80 : i32
          %mul3A_475 = arith.muli %add3A_396, %mul3A_474 : i32
          %add3A_476 = arith.addi %mul3A_2, %mul3A_475 : i32
          %dma_start3A_477 = tpu.memref_slice %arg3[%add3A_476] : memref<640000xi32, #tpu.memory_space<hbm>> -> memref<80xi32, #tpu.memory_space<hbm>>
          %dma_start3A_478 = tpu.memref_slice %arg3[%add3A_476] : memref<640000xi32, #tpu.memory_space<hbm>> -> memref<80xi32, #tpu.memory_space<hbm>>
          tpu.enqueue_dma source(%dma_start3A_478 : memref<80xi32, #tpu.memory_space<hbm>>) target(%arg7 : memref<80xi32, #tpu.memory_space<vmem>>) target_semaphore(%arg20 : memref<!tpu.dma_semaphore, #tpu.memory_space<semaphore_mem>>)
          %add3A_479 = arith.constant 320000 : i32
          %add3A_480 = arith.addi %add3A_479, %add3A_476 : i32
          %dma_start3A_481 = tpu.memref_slice %arg3[%add3A_480] : memref<640000xi32, #tpu.memory_space<hbm>> -> memref<80xi32, #tpu.memory_space<hbm>>
          %dma_start3A_482 = tpu.memref_slice %arg3[%add3A_480] : memref<640000xi32, #tpu.memory_space<hbm>> -> memref<80xi32, #tpu.memory_space<hbm>>
          tpu.enqueue_dma source(%dma_start3A_482 : memref<80xi32, #tpu.memory_space<hbm>>) target(%arg11 : memref<80xi32, #tpu.memory_space<vmem>>) target_semaphore(%arg20 : memref<!tpu.dma_semaphore, #tpu.memory_space<semaphore_mem>>)
        } else {
        }
        %add3A_402 = arith.constant 1 : i32
        %add3A_403 = arith.addi %scan3A_341, %add3A_402 : i32
        %mul3A_404 = arith.constant 4 : i32
        %mul3A_405 = arith.muli %add3A_403, %mul3A_404 : i32
        %add3A_406 = arith.constant 2 : i32
        %add3A_407 = arith.addi %mul3A_405, %add3A_406 : i32
        %lt3A_408 = arith.constant 125 : i32
        %lt3A_409 = arith.cmpi slt, %add3A_407, %lt3A_408 : i32
        %convert_element_type3A_410 = arith.extui %lt3A_409 : i1 to i32
        %cond3A_411 = arith.constant 0 : i32
        %cond3A_412 = arith.cmpi ne, %convert_element_type3A_410, %cond3A_411 : i32
        scf.if %cond3A_412 {
          %dma_wait3A_468 = arith.constant 0 : i32
          %dma_wait3A_469 = arith.constant 0 : i32
          %dma_wait3A_470 = tpu.memref_slice %arg2[%dma_wait3A_468, %dma_wait3A_469] : memref<10000x128xf32, #tpu.memory_space<hbm>> -> memref<80x128xf32, #tpu.memory_space<hbm>>
          %dma_wait3A_471 = arith.constant 0 : i32
          %dma_wait3A_472 = arith.constant 0 : i32
          %dma_wait3A_473 = tpu.memref_slice %arg2[%dma_wait3A_471, %dma_wait3A_472] : memref<10000x128xf32, #tpu.memory_space<hbm>> -> memref<80x128xf32, #tpu.memory_space<hbm>>
          tpu.wait_dma2 semaphore(%arg29 : memref<!tpu.dma_semaphore, #tpu.memory_space<semaphore_mem>>) src(%dma_wait3A_473 : memref<80x128xf32, #tpu.memory_space<hbm>>) dst(%arg16 : memref<80x128xf32, #tpu.memory_space<vmem>>)
          %mul3A_474 = arith.constant 80 : i32
          %mul3A_475 = arith.muli %add3A_407, %mul3A_474 : i32
          %add3A_476 = arith.addi %mul3A_2, %mul3A_475 : i32
          %dma_start3A_477 = tpu.memref_slice %arg3[%add3A_476] : memref<640000xi32, #tpu.memory_space<hbm>> -> memref<80xi32, #tpu.memory_space<hbm>>
          %dma_start3A_478 = tpu.memref_slice %arg3[%add3A_476] : memref<640000xi32, #tpu.memory_space<hbm>> -> memref<80xi32, #tpu.memory_space<hbm>>
          tpu.enqueue_dma source(%dma_start3A_478 : memref<80xi32, #tpu.memory_space<hbm>>) target(%arg8 : memref<80xi32, #tpu.memory_space<vmem>>) target_semaphore(%arg21 : memref<!tpu.dma_semaphore, #tpu.memory_space<semaphore_mem>>)
          %add3A_479 = arith.constant 320000 : i32
          %add3A_480 = arith.addi %add3A_479, %add3A_476 : i32
          %dma_start3A_481 = tpu.memref_slice %arg3[%add3A_480] : memref<640000xi32, #tpu.memory_space<hbm>> -> memref<80xi32, #tpu.memory_space<hbm>>
          %dma_start3A_482 = tpu.memref_slice %arg3[%add3A_480] : memref<640000xi32, #tpu.memory_space<hbm>> -> memref<80xi32, #tpu.memory_space<hbm>>
          tpu.enqueue_dma source(%dma_start3A_482 : memref<80xi32, #tpu.memory_space<hbm>>) target(%arg12 : memref<80xi32, #tpu.memory_space<vmem>>) target_semaphore(%arg21 : memref<!tpu.dma_semaphore, #tpu.memory_space<semaphore_mem>>)
        } else {
        }
        %add3A_413 = arith.constant 1 : i32
        %add3A_414 = arith.addi %scan3A_341, %add3A_413 : i32
        %mul3A_415 = arith.constant 4 : i32
        %mul3A_416 = arith.muli %add3A_414, %mul3A_415 : i32
        %add3A_417 = arith.constant 3 : i32
        %add3A_418 = arith.addi %mul3A_416, %add3A_417 : i32
        %lt3A_419 = arith.constant 125 : i32
        %lt3A_420 = arith.cmpi slt, %add3A_418, %lt3A_419 : i32
        %convert_element_type3A_421 = arith.extui %lt3A_420 : i1 to i32
        %cond3A_422 = arith.constant 0 : i32
        %cond3A_423 = arith.cmpi ne, %convert_element_type3A_421, %cond3A_422 : i32
        scf.if %cond3A_423 {
          %dma_wait3A_468 = arith.constant 0 : i32
          %dma_wait3A_469 = arith.constant 0 : i32
          %dma_wait3A_470 = tpu.memref_slice %arg2[%dma_wait3A_468, %dma_wait3A_469] : memref<10000x128xf32, #tpu.memory_space<hbm>> -> memref<80x128xf32, #tpu.memory_space<hbm>>
          %dma_wait3A_471 = arith.constant 0 : i32
          %dma_wait3A_472 = arith.constant 0 : i32
          %dma_wait3A_473 = tpu.memref_slice %arg2[%dma_wait3A_471, %dma_wait3A_472] : memref<10000x128xf32, #tpu.memory_space<hbm>> -> memref<80x128xf32, #tpu.memory_space<hbm>>
          tpu.wait_dma2 semaphore(%arg30 : memref<!tpu.dma_semaphore, #tpu.memory_space<semaphore_mem>>) src(%dma_wait3A_473 : memref<80x128xf32, #tpu.memory_space<hbm>>) dst(%arg17 : memref<80x128xf32, #tpu.memory_space<vmem>>)
          %mul3A_474 = arith.constant 80 : i32
          %mul3A_475 = arith.muli %add3A_418, %mul3A_474 : i32
          %add3A_476 = arith.addi %mul3A_2, %mul3A_475 : i32
          %dma_start3A_477 = tpu.memref_slice %arg3[%add3A_476] : memref<640000xi32, #tpu.memory_space<hbm>> -> memref<80xi32, #tpu.memory_space<hbm>>
          %dma_start3A_478 = tpu.memref_slice %arg3[%add3A_476] : memref<640000xi32, #tpu.memory_space<hbm>> -> memref<80xi32, #tpu.memory_space<hbm>>
          tpu.enqueue_dma source(%dma_start3A_478 : memref<80xi32, #tpu.memory_space<hbm>>) target(%arg9 : memref<80xi32, #tpu.memory_space<vmem>>) target_semaphore(%arg22 : memref<!tpu.dma_semaphore, #tpu.memory_space<semaphore_mem>>)
          %add3A_479 = arith.constant 320000 : i32
          %add3A_480 = arith.addi %add3A_479, %add3A_476 : i32
          %dma_start3A_481 = tpu.memref_slice %arg3[%add3A_480] : memref<640000xi32, #tpu.memory_space<hbm>> -> memref<80xi32, #tpu.memory_space<hbm>>
          %dma_start3A_482 = tpu.memref_slice %arg3[%add3A_480] : memref<640000xi32, #tpu.memory_space<hbm>> -> memref<80xi32, #tpu.memory_space<hbm>>
          tpu.enqueue_dma source(%dma_start3A_482 : memref<80xi32, #tpu.memory_space<hbm>>) target(%arg13 : memref<80xi32, #tpu.memory_space<vmem>>) target_semaphore(%arg22 : memref<!tpu.dma_semaphore, #tpu.memory_space<semaphore_mem>>)
        } else {
        }
        %add3A_424 = arith.constant 1 : i32
        %add3A_425 = arith.addi %scan3A_341, %add3A_424 : i32
        %mul3A_426 = arith.constant 4 : i32
        %mul3A_427 = arith.muli %add3A_425, %mul3A_426 : i32
        %add3A_428 = arith.constant 0 : i32
        %add3A_429 = arith.addi %mul3A_427, %add3A_428 : i32
        %lt3A_430 = arith.constant 125 : i32
        %lt3A_431 = arith.cmpi slt, %add3A_429, %lt3A_430 : i32
        %convert_element_type3A_432 = arith.extui %lt3A_431 : i1 to i32
        %cond3A_433 = arith.constant 0 : i32
        %cond3A_434 = arith.cmpi ne, %convert_element_type3A_432, %cond3A_433 : i32
        scf.if %cond3A_434 {
          %dma_wait3A_468 = arith.constant 0 : i32
          %dma_wait3A_469 = tpu.memref_slice %arg3[%dma_wait3A_468] : memref<640000xi32, #tpu.memory_space<hbm>> -> memref<80xi32, #tpu.memory_space<hbm>>
          %dma_wait3A_470 = arith.constant 0 : i32
          %dma_wait3A_471 = tpu.memref_slice %arg3[%dma_wait3A_470] : memref<640000xi32, #tpu.memory_space<hbm>> -> memref<80xi32, #tpu.memory_space<hbm>>
          tpu.wait_dma2 semaphore(%arg19 : memref<!tpu.dma_semaphore, #tpu.memory_space<semaphore_mem>>) src(%dma_wait3A_471 : memref<80xi32, #tpu.memory_space<hbm>>) dst(%arg6 : memref<80xi32, #tpu.memory_space<vmem>>)
          %dma_wait3A_472 = arith.constant 0 : i32
          %dma_wait3A_473 = tpu.memref_slice %arg3[%dma_wait3A_472] : memref<640000xi32, #tpu.memory_space<hbm>> -> memref<80xi32, #tpu.memory_space<hbm>>
          %dma_wait3A_474 = arith.constant 0 : i32
          %dma_wait3A_475 = tpu.memref_slice %arg3[%dma_wait3A_474] : memref<640000xi32, #tpu.memory_space<hbm>> -> memref<80xi32, #tpu.memory_space<hbm>>
          tpu.wait_dma2 semaphore(%arg19 : memref<!tpu.dma_semaphore, #tpu.memory_space<semaphore_mem>>) src(%dma_wait3A_475 : memref<80xi32, #tpu.memory_space<hbm>>) dst(%arg6 : memref<80xi32, #tpu.memory_space<vmem>>)
          %dma_start3A_476 = arith.constant 0 : i32
          %dma_start3A_477 = arith.constant 0 : i32
          %dma_start3A_478 = tpu.memref_slice %arg2[%dma_start3A_476, %dma_start3A_477] : memref<10000x128xf32, #tpu.memory_space<hbm>> -> memref<10000x128xf32, #tpu.memory_space<hbm>>
          tpu.enqueue_indirect_dma source(%dma_start3A_478 : memref<10000x128xf32, #tpu.memory_space<hbm>>) target(%arg14 : memref<80x128xf32, #tpu.memory_space<vmem>>) offsets(%arg10 : memref<80xi32, #tpu.memory_space<vmem>>) semaphore(%arg23 : memref<!tpu.dma_semaphore, #tpu.memory_space<semaphore_mem>>)
        } else {
        }
        %add3A_435 = arith.constant 1 : i32
        %add3A_436 = arith.addi %scan3A_341, %add3A_435 : i32
        %mul3A_437 = arith.constant 4 : i32
        %mul3A_438 = arith.muli %add3A_436, %mul3A_437 : i32
        %add3A_439 = arith.constant 1 : i32
        %add3A_440 = arith.addi %mul3A_438, %add3A_439 : i32
        %lt3A_441 = arith.constant 125 : i32
        %lt3A_442 = arith.cmpi slt, %add3A_440, %lt3A_441 : i32
        %convert_element_type3A_443 = arith.extui %lt3A_442 : i1 to i32
        %cond3A_444 = arith.constant 0 : i32
        %cond3A_445 = arith.cmpi ne, %convert_element_type3A_443, %cond3A_444 : i32
        scf.if %cond3A_445 {
          %dma_wait3A_468 = arith.constant 0 : i32
          %dma_wait3A_469 = tpu.memref_slice %arg3[%dma_wait3A_468] : memref<640000xi32, #tpu.memory_space<hbm>> -> memref<80xi32, #tpu.memory_space<hbm>>
          %dma_wait3A_470 = arith.constant 0 : i32
          %dma_wait3A_471 = tpu.memref_slice %arg3[%dma_wait3A_470] : memref<640000xi32, #tpu.memory_space<hbm>> -> memref<80xi32, #tpu.memory_space<hbm>>
          tpu.wait_dma2 semaphore(%arg20 : memref<!tpu.dma_semaphore, #tpu.memory_space<semaphore_mem>>) src(%dma_wait3A_471 : memref<80xi32, #tpu.memory_space<hbm>>) dst(%arg7 : memref<80xi32, #tpu.memory_space<vmem>>)
          %dma_wait3A_472 = arith.constant 0 : i32
          %dma_wait3A_473 = tpu.memref_slice %arg3[%dma_wait3A_472] : memref<640000xi32, #tpu.memory_space<hbm>> -> memref<80xi32, #tpu.memory_space<hbm>>
          %dma_wait3A_474 = arith.constant 0 : i32
          %dma_wait3A_475 = tpu.memref_slice %arg3[%dma_wait3A_474] : memref<640000xi32, #tpu.memory_space<hbm>> -> memref<80xi32, #tpu.memory_space<hbm>>
          tpu.wait_dma2 semaphore(%arg20 : memref<!tpu.dma_semaphore, #tpu.memory_space<semaphore_mem>>) src(%dma_wait3A_475 : memref<80xi32, #tpu.memory_space<hbm>>) dst(%arg7 : memref<80xi32, #tpu.memory_space<vmem>>)
          %dma_start3A_476 = arith.constant 0 : i32
          %dma_start3A_477 = arith.constant 0 : i32
          %dma_start3A_478 = tpu.memref_slice %arg2[%dma_start3A_476, %dma_start3A_477] : memref<10000x128xf32, #tpu.memory_space<hbm>> -> memref<10000x128xf32, #tpu.memory_space<hbm>>
          tpu.enqueue_indirect_dma source(%dma_start3A_478 : memref<10000x128xf32, #tpu.memory_space<hbm>>) target(%arg15 : memref<80x128xf32, #tpu.memory_space<vmem>>) offsets(%arg11 : memref<80xi32, #tpu.memory_space<vmem>>) semaphore(%arg24 : memref<!tpu.dma_semaphore, #tpu.memory_space<semaphore_mem>>)
        } else {
        }
        %add3A_446 = arith.constant 1 : i32
        %add3A_447 = arith.addi %scan3A_341, %add3A_446 : i32
        %mul3A_448 = arith.constant 4 : i32
        %mul3A_449 = arith.muli %add3A_447, %mul3A_448 : i32
        %add3A_450 = arith.constant 2 : i32
        %add3A_451 = arith.addi %mul3A_449, %add3A_450 : i32
        %lt3A_452 = arith.constant 125 : i32
        %lt3A_453 = arith.cmpi slt, %add3A_451, %lt3A_452 : i32
        %convert_element_type3A_454 = arith.extui %lt3A_453 : i1 to i32
        %cond3A_455 = arith.constant 0 : i32
        %cond3A_456 = arith.cmpi ne, %convert_element_type3A_454, %cond3A_455 : i32
        scf.if %cond3A_456 {
          %dma_wait3A_468 = arith.constant 0 : i32
          %dma_wait3A_469 = tpu.memref_slice %arg3[%dma_wait3A_468] : memref<640000xi32, #tpu.memory_space<hbm>> -> memref<80xi32, #tpu.memory_space<hbm>>
          %dma_wait3A_470 = arith.constant 0 : i32
          %dma_wait3A_471 = tpu.memref_slice %arg3[%dma_wait3A_470] : memref<640000xi32, #tpu.memory_space<hbm>> -> memref<80xi32, #tpu.memory_space<hbm>>
          tpu.wait_dma2 semaphore(%arg21 : memref<!tpu.dma_semaphore, #tpu.memory_space<semaphore_mem>>) src(%dma_wait3A_471 : memref<80xi32, #tpu.memory_space<hbm>>) dst(%arg8 : memref<80xi32, #tpu.memory_space<vmem>>)
          %dma_wait3A_472 = arith.constant 0 : i32
          %dma_wait3A_473 = tpu.memref_slice %arg3[%dma_wait3A_472] : memref<640000xi32, #tpu.memory_space<hbm>> -> memref<80xi32, #tpu.memory_space<hbm>>
          %dma_wait3A_474 = arith.constant 0 : i32
          %dma_wait3A_475 = tpu.memref_slice %arg3[%dma_wait3A_474] : memref<640000xi32, #tpu.memory_space<hbm>> -> memref<80xi32, #tpu.memory_space<hbm>>
          tpu.wait_dma2 semaphore(%arg21 : memref<!tpu.dma_semaphore, #tpu.memory_space<semaphore_mem>>) src(%dma_wait3A_475 : memref<80xi32, #tpu.memory_space<hbm>>) dst(%arg8 : memref<80xi32, #tpu.memory_space<vmem>>)
          %dma_start3A_476 = arith.constant 0 : i32
          %dma_start3A_477 = arith.constant 0 : i32
          %dma_start3A_478 = tpu.memref_slice %arg2[%dma_start3A_476, %dma_start3A_477] : memref<10000x128xf32, #tpu.memory_space<hbm>> -> memref<10000x128xf32, #tpu.memory_space<hbm>>
          tpu.enqueue_indirect_dma source(%dma_start3A_478 : memref<10000x128xf32, #tpu.memory_space<hbm>>) target(%arg16 : memref<80x128xf32, #tpu.memory_space<vmem>>) offsets(%arg12 : memref<80xi32, #tpu.memory_space<vmem>>) semaphore(%arg25 : memref<!tpu.dma_semaphore, #tpu.memory_space<semaphore_mem>>)
        } else {
        }
        %add3A_457 = arith.constant 1 : i32
        %add3A_458 = arith.addi %scan3A_341, %add3A_457 : i32
        %mul3A_459 = arith.constant 4 : i32
        %mul3A_460 = arith.muli %add3A_458, %mul3A_459 : i32
        %add3A_461 = arith.constant 3 : i32
        %add3A_462 = arith.addi %mul3A_460, %add3A_461 : i32
        %lt3A_463 = arith.constant 125 : i32
        %lt3A_464 = arith.cmpi slt, %add3A_462, %lt3A_463 : i32
        %convert_element_type3A_465 = arith.extui %lt3A_464 : i1 to i32
        %cond3A_466 = arith.constant 0 : i32
        %cond3A_467 = arith.cmpi ne, %convert_element_type3A_465, %cond3A_466 : i32
        scf.if %cond3A_467 {
          %dma_wait3A_468 = arith.constant 0 : i32
          %dma_wait3A_469 = tpu.memref_slice %arg3[%dma_wait3A_468] : memref<640000xi32, #tpu.memory_space<hbm>> -> memref<80xi32, #tpu.memory_space<hbm>>
          %dma_wait3A_470 = arith.constant 0 : i32
          %dma_wait3A_471 = tpu.memref_slice %arg3[%dma_wait3A_470] : memref<640000xi32, #tpu.memory_space<hbm>> -> memref<80xi32, #tpu.memory_space<hbm>>
          tpu.wait_dma2 semaphore(%arg22 : memref<!tpu.dma_semaphore, #tpu.memory_space<semaphore_mem>>) src(%dma_wait3A_471 : memref<80xi32, #tpu.memory_space<hbm>>) dst(%arg9 : memref<80xi32, #tpu.memory_space<vmem>>)
          %dma_wait3A_472 = arith.constant 0 : i32
          %dma_wait3A_473 = tpu.memref_slice %arg3[%dma_wait3A_472] : memref<640000xi32, #tpu.memory_space<hbm>> -> memref<80xi32, #tpu.memory_space<hbm>>
          %dma_wait3A_474 = arith.constant 0 : i32
          %dma_wait3A_475 = tpu.memref_slice %arg3[%dma_wait3A_474] : memref<640000xi32, #tpu.memory_space<hbm>> -> memref<80xi32, #tpu.memory_space<hbm>>
          tpu.wait_dma2 semaphore(%arg22 : memref<!tpu.dma_semaphore, #tpu.memory_space<semaphore_mem>>) src(%dma_wait3A_475 : memref<80xi32, #tpu.memory_space<hbm>>) dst(%arg9 : memref<80xi32, #tpu.memory_space<vmem>>)
          %dma_start3A_476 = arith.constant 0 : i32
          %dma_start3A_477 = arith.constant 0 : i32
          %dma_start3A_478 = tpu.memref_slice %arg2[%dma_start3A_476, %dma_start3A_477] : memref<10000x128xf32, #tpu.memory_space<hbm>> -> memref<10000x128xf32, #tpu.memory_space<hbm>>
          tpu.enqueue_indirect_dma source(%dma_start3A_478 : memref<10000x128xf32, #tpu.memory_space<hbm>>) target(%arg17 : memref<80x128xf32, #tpu.memory_space<vmem>>) offsets(%arg13 : memref<80xi32, #tpu.memory_space<vmem>>) semaphore(%arg26 : memref<!tpu.dma_semaphore, #tpu.memory_space<semaphore_mem>>)
        } else {
        }
      } else {
      }
    }
    %scan3A_311 = arith.constant 32 : i32
    %dma_wait3A_312 = arith.constant 0 : i32
    %dma_wait3A_313 = arith.constant 0 : i32
    %dma_wait3A_314 = tpu.memref_slice %arg2[%dma_wait3A_312, %dma_wait3A_313] : memref<10000x128xf32, #tpu.memory_space<hbm>> -> memref<80x128xf32, #tpu.memory_space<hbm>>
    %dma_wait3A_315 = arith.constant 0 : i32
    %dma_wait3A_316 = arith.constant 0 : i32
    %dma_wait3A_317 = tpu.memref_slice %arg2[%dma_wait3A_315, %dma_wait3A_316] : memref<10000x128xf32, #tpu.memory_space<hbm>> -> memref<80x128xf32, #tpu.memory_space<hbm>>
    tpu.wait_dma2 semaphore(%arg27 : memref<!tpu.dma_semaphore, #tpu.memory_space<semaphore_mem>>) src(%dma_wait3A_317 : memref<80x128xf32, #tpu.memory_space<hbm>>) dst(%arg14 : memref<80x128xf32, #tpu.memory_space<vmem>>)
    %dma_wait3A_318 = arith.constant 0 : i32
    %dma_wait3A_319 = arith.constant 0 : i32
    %dma_wait3A_320 = tpu.memref_slice %arg2[%dma_wait3A_318, %dma_wait3A_319] : memref<10000x128xf32, #tpu.memory_space<hbm>> -> memref<80x128xf32, #tpu.memory_space<hbm>>
    %dma_wait3A_321 = arith.constant 0 : i32
    %dma_wait3A_322 = arith.constant 0 : i32
    %dma_wait3A_323 = tpu.memref_slice %arg2[%dma_wait3A_321, %dma_wait3A_322] : memref<10000x128xf32, #tpu.memory_space<hbm>> -> memref<80x128xf32, #tpu.memory_space<hbm>>
    tpu.wait_dma2 semaphore(%arg28 : memref<!tpu.dma_semaphore, #tpu.memory_space<semaphore_mem>>) src(%dma_wait3A_323 : memref<80x128xf32, #tpu.memory_space<hbm>>) dst(%arg15 : memref<80x128xf32, #tpu.memory_space<vmem>>)
    %dma_wait3A_324 = arith.constant 0 : i32
    %dma_wait3A_325 = arith.constant 0 : i32
    %dma_wait3A_326 = tpu.memref_slice %arg2[%dma_wait3A_324, %dma_wait3A_325] : memref<10000x128xf32, #tpu.memory_space<hbm>> -> memref<80x128xf32, #tpu.memory_space<hbm>>
    %dma_wait3A_327 = arith.constant 0 : i32
    %dma_wait3A_328 = arith.constant 0 : i32
    %dma_wait3A_329 = tpu.memref_slice %arg2[%dma_wait3A_327, %dma_wait3A_328] : memref<10000x128xf32, #tpu.memory_space<hbm>> -> memref<80x128xf32, #tpu.memory_space<hbm>>
    tpu.wait_dma2 semaphore(%arg29 : memref<!tpu.dma_semaphore, #tpu.memory_space<semaphore_mem>>) src(%dma_wait3A_329 : memref<80x128xf32, #tpu.memory_space<hbm>>) dst(%arg16 : memref<80x128xf32, #tpu.memory_space<vmem>>)
    %dma_wait3A_330 = arith.constant 0 : i32
    %dma_wait3A_331 = arith.constant 0 : i32
    %dma_wait3A_332 = tpu.memref_slice %arg2[%dma_wait3A_330, %dma_wait3A_331] : memref<10000x128xf32, #tpu.memory_space<hbm>> -> memref<80x128xf32, #tpu.memory_space<hbm>>
    %dma_wait3A_333 = arith.constant 0 : i32
    %dma_wait3A_334 = arith.constant 0 : i32
    %dma_wait3A_335 = tpu.memref_slice %arg2[%dma_wait3A_333, %dma_wait3A_334] : memref<10000x128xf32, #tpu.memory_space<hbm>> -> memref<80x128xf32, #tpu.memory_space<hbm>>
    tpu.wait_dma2 semaphore(%arg30 : memref<!tpu.dma_semaphore, #tpu.memory_space<semaphore_mem>>) src(%dma_wait3A_335 : memref<80x128xf32, #tpu.memory_space<hbm>>) dst(%arg17 : memref<80x128xf32, #tpu.memory_space<vmem>>)
    %barrier3A_336 = arith.constant 0 : index
    tpu.barrier barrier_id(%barrier3A_336)
    %mul3A_337 = arith.constant 640 : i32
    %mul3A_338 = arith.muli %arg1, %mul3A_337 : i32
    %mul3A_339 = arith.constant 640 : i32
    %mul3A_340 = arith.muli %arg1, %mul3A_339 : i32
    "tpu.region"() ({
      %run_scoped3A = tpu.sem_alloc : memref<!tpu.dma_semaphore, #tpu.memory_space<semaphore_mem>>
      %dma_start3A_341 = arith.constant 0 : i32
      %dma_start3A_342 = tpu.memref_slice %arg4[%arg0, %mul3A_340, %dma_start3A_341] : memref<2x10240x128xf32, #tpu.memory_space<hbm>> -> memref<1x640x128xf32, #tpu.memory_space<hbm>>
      %dma_start3A_343 = tpu.memref_squeeze %dma_start3A_342 : memref<1x640x128xf32, #tpu.memory_space<hbm>> -> memref<640x128xf32, #tpu.memory_space<hbm>>
      %dma_start3A_344 = arith.constant 0 : i32
      %dma_start3A_345 = tpu.memref_slice %arg5[%mul3A_338, %dma_start3A_344] : memref<10240x128xf32, #tpu.memory_space<vmem_shared>> -> memref<640x128xf32, #tpu.memory_space<vmem_shared>>
      tpu.enqueue_dma source(%dma_start3A_345 : memref<640x128xf32, #tpu.memory_space<vmem_shared>>) target(%dma_start3A_343 : memref<640x128xf32, #tpu.memory_space<hbm>>) target_semaphore(%run_scoped3A : memref<!tpu.dma_semaphore, #tpu.memory_space<semaphore_mem>>)
      %dma_wait3A_346 = arith.constant 0 : i32
      %dma_wait3A_347 = tpu.memref_slice %arg4[%arg0, %mul3A_340, %dma_wait3A_346] : memref<2x10240x128xf32, #tpu.memory_space<hbm>> -> memref<1x640x128xf32, #tpu.memory_space<hbm>>
      %dma_wait3A_348 = tpu.memref_squeeze %dma_wait3A_347 : memref<1x640x128xf32, #tpu.memory_space<hbm>> -> memref<640x128xf32, #tpu.memory_space<hbm>>
      %dma_wait3A_349 = arith.constant 0 : i32
      %dma_wait3A_350 = tpu.memref_slice %arg5[%mul3A_338, %dma_wait3A_349] : memref<10240x128xf32, #tpu.memory_space<vmem_shared>> -> memref<640x128xf32, #tpu.memory_space<vmem_shared>>
      tpu.wait_dma2 semaphore(%run_scoped3A : memref<!tpu.dma_semaphore, #tpu.memory_space<semaphore_mem>>) src(%dma_wait3A_350 : memref<640x128xf32, #tpu.memory_space<vmem_shared>>) dst(%dma_wait3A_348 : memref<640x128xf32, #tpu.memory_space<hbm>>)
      tpu.yield
    }) : () -> ()
    return
  }
}

#map = affine_map<(d0, d1) -> (0, 0)>
#map1 = affine_map<(d0, d1) -> (0)>
#map2 = affine_map<(d0, d1) -> (0, 0, 0)>
module attributes {stable_mosaic.version = 14 : i64} {
  func.func @_fwd_body(%arg0: i32, %arg1: i32, %arg2: memref<10000x128xf32, #tpu.memory_space<hbm>>, %arg3: memref<640000xi32, #tpu.memory_space<hbm>>, %arg4: memref<2x10240x128xf32, #tpu.memory_space<hbm>>, %arg5: memref<20480xf32, #tpu.memory_space<hbm>>, %arg6: memref<20480xf32, #tpu.memory_space<hbm>>, %arg7: memref<10240x128xf32, #tpu.memory_space<vmem_shared>>, %arg8: memref<10240xf32, #tpu.memory_space<vmem_shared>>, %arg9: memref<10240xf32, #tpu.memory_space<vmem_shared>>, %arg10: memref<40xi32, #tpu.memory_space<vmem>>, %arg11: memref<40xi32, #tpu.memory_space<vmem>>, %arg12: memref<40xi32, #tpu.memory_space<vmem>>, %arg13: memref<40xi32, #tpu.memory_space<vmem>>, %arg14: memref<40xi32, #tpu.memory_space<vmem>>, %arg15: memref<40xi32, #tpu.memory_space<vmem>>, %arg16: memref<40xi32, #tpu.memory_space<vmem>>, %arg17: memref<40xi32, #tpu.memory_space<vmem>>, %arg18: memref<40xi32, #tpu.memory_space<vmem>>, %arg19: memref<40xi32, #tpu.memory_space<vmem>>, %arg20: memref<40x128xf32, #tpu.memory_space<vmem>>, %arg21: memref<40x128xf32, #tpu.memory_space<vmem>>, %arg22: memref<40x128xf32, #tpu.memory_space<vmem>>, %arg23: memref<40x128xf32, #tpu.memory_space<vmem>>, %arg24: memref<40x128xf32, #tpu.memory_space<vmem>>, %arg25: memref<48xf32, #tpu.memory_space<vmem>>, %arg26: memref<40x128xf32, #tpu.memory_space<vmem>>, %arg27: memref<1024xf32, #tpu.memory_space<vmem>>, %arg28: memref<!tpu.dma_semaphore, #tpu.memory_space<semaphore_mem>>, %arg29: memref<!tpu.dma_semaphore, #tpu.memory_space<semaphore_mem>>, %arg30: memref<!tpu.dma_semaphore, #tpu.memory_space<semaphore_mem>>, %arg31: memref<!tpu.dma_semaphore, #tpu.memory_space<semaphore_mem>>, %arg32: memref<!tpu.dma_semaphore, #tpu.memory_space<semaphore_mem>>, %arg33: memref<!tpu.dma_semaphore, #tpu.memory_space<semaphore_mem>>, %arg34: memref<!tpu.dma_semaphore, #tpu.memory_space<semaphore_mem>>, %arg35: memref<!tpu.dma_semaphore, #tpu.memory_space<semaphore_mem>>, %arg36: memref<!tpu.dma_semaphore, #tpu.memory_space<semaphore_mem>>, %arg37: memref<!tpu.dma_semaphore, #tpu.memory_space<semaphore_mem>>, %arg38: memref<!tpu.dma_semaphore, #tpu.memory_space<semaphore_mem>>, %arg39: memref<!tpu.dma_semaphore, #tpu.memory_space<semaphore_mem>>, %arg40: memref<!tpu.dma_semaphore, #tpu.memory_space<semaphore_mem>>, %arg41: memref<!tpu.dma_semaphore, #tpu.memory_space<semaphore_mem>>, %arg42: memref<!tpu.dma_semaphore, #tpu.memory_space<semaphore_mem>>, %arg43: memref<!tpu.dma_semaphore, #tpu.memory_space<semaphore_mem>>) attributes {dimension_semantics = [#tpu.dimension_semantics<core_parallel>, #tpu.dimension_semantics<subcore_parallel>], iteration_bounds = array<i64: 2, 16>, scalar_prefetch = 0 : i64, scratch_operands = 37 : i64, tpu.core_type = #tpu.core_type<sc_vector_subcore>, window_params = [{transform_indices = #map}, {transform_indices = #map1}, {transform_indices = #map2}, {transform_indices = #map1}, {transform_indices = #map1}]} {
    %mul3A = arith.constant 2 : i32
    %mul3A_0 = arith.muli %arg1, %mul3A : i32
    %add3A = arith.addi %mul3A_0, %arg0 : i32
    %mul3A_1 = arith.constant 10000 : i32
    %mul3A_2 = arith.muli %add3A, %mul3A_1 : i32
    %add3A_3 = arith.constant 0 : i32
    %add3A_4 = arith.addi %mul3A_2, %add3A_3 : i32
    %dma_start3A = tpu.memref_slice %arg3[%add3A_4] : memref<640000xi32, #tpu.memory_space<hbm>> -> memref<40xi32, #tpu.memory_space<hbm>>
    %dma_start3A_5 = tpu.memref_slice %arg3[%add3A_4] : memref<640000xi32, #tpu.memory_space<hbm>> -> memref<40xi32, #tpu.memory_space<hbm>>
    tpu.enqueue_dma source(%dma_start3A_5 : memref<40xi32, #tpu.memory_space<hbm>>) target(%arg10 : memref<40xi32, #tpu.memory_space<vmem>>) target_semaphore(%arg28 : memref<!tpu.dma_semaphore, #tpu.memory_space<semaphore_mem>>)
    %add3A_6 = arith.constant 320000 : i32
    %add3A_7 = arith.addi %add3A_6, %add3A_4 : i32
    %dma_start3A_8 = tpu.memref_slice %arg3[%add3A_7] : memref<640000xi32, #tpu.memory_space<hbm>> -> memref<40xi32, #tpu.memory_space<hbm>>
    %dma_start3A_9 = tpu.memref_slice %arg3[%add3A_7] : memref<640000xi32, #tpu.memory_space<hbm>> -> memref<40xi32, #tpu.memory_space<hbm>>
    tpu.enqueue_dma source(%dma_start3A_9 : memref<40xi32, #tpu.memory_space<hbm>>) target(%arg15 : memref<40xi32, #tpu.memory_space<vmem>>) target_semaphore(%arg28 : memref<!tpu.dma_semaphore, #tpu.memory_space<semaphore_mem>>)
    %add3A_10 = arith.constant 40 : i32
    %add3A_11 = arith.addi %mul3A_2, %add3A_10 : i32
    %dma_start3A_12 = tpu.memref_slice %arg3[%add3A_11] : memref<640000xi32, #tpu.memory_space<hbm>> -> memref<40xi32, #tpu.memory_space<hbm>>
    %dma_start3A_13 = tpu.memref_slice %arg3[%add3A_11] : memref<640000xi32, #tpu.memory_space<hbm>> -> memref<40xi32, #tpu.memory_space<hbm>>
    tpu.enqueue_dma source(%dma_start3A_13 : memref<40xi32, #tpu.memory_space<hbm>>) target(%arg11 : memref<40xi32, #tpu.memory_space<vmem>>) target_semaphore(%arg29 : memref<!tpu.dma_semaphore, #tpu.memory_space<semaphore_mem>>)
    %add3A_14 = arith.constant 320000 : i32
    %add3A_15 = arith.addi %add3A_14, %add3A_11 : i32
    %dma_start3A_16 = tpu.memref_slice %arg3[%add3A_15] : memref<640000xi32, #tpu.memory_space<hbm>> -> memref<40xi32, #tpu.memory_space<hbm>>
    %dma_start3A_17 = tpu.memref_slice %arg3[%add3A_15] : memref<640000xi32, #tpu.memory_space<hbm>> -> memref<40xi32, #tpu.memory_space<hbm>>
    tpu.enqueue_dma source(%dma_start3A_17 : memref<40xi32, #tpu.memory_space<hbm>>) target(%arg16 : memref<40xi32, #tpu.memory_space<vmem>>) target_semaphore(%arg29 : memref<!tpu.dma_semaphore, #tpu.memory_space<semaphore_mem>>)
    %add3A_18 = arith.constant 80 : i32
    %add3A_19 = arith.addi %mul3A_2, %add3A_18 : i32
    %dma_start3A_20 = tpu.memref_slice %arg3[%add3A_19] : memref<640000xi32, #tpu.memory_space<hbm>> -> memref<40xi32, #tpu.memory_space<hbm>>
    %dma_start3A_21 = tpu.memref_slice %arg3[%add3A_19] : memref<640000xi32, #tpu.memory_space<hbm>> -> memref<40xi32, #tpu.memory_space<hbm>>
    tpu.enqueue_dma source(%dma_start3A_21 : memref<40xi32, #tpu.memory_space<hbm>>) target(%arg12 : memref<40xi32, #tpu.memory_space<vmem>>) target_semaphore(%arg30 : memref<!tpu.dma_semaphore, #tpu.memory_space<semaphore_mem>>)
    %add3A_22 = arith.constant 320000 : i32
    %add3A_23 = arith.addi %add3A_22, %add3A_19 : i32
    %dma_start3A_24 = tpu.memref_slice %arg3[%add3A_23] : memref<640000xi32, #tpu.memory_space<hbm>> -> memref<40xi32, #tpu.memory_space<hbm>>
    %dma_start3A_25 = tpu.memref_slice %arg3[%add3A_23] : memref<640000xi32, #tpu.memory_space<hbm>> -> memref<40xi32, #tpu.memory_space<hbm>>
    tpu.enqueue_dma source(%dma_start3A_25 : memref<40xi32, #tpu.memory_space<hbm>>) target(%arg17 : memref<40xi32, #tpu.memory_space<vmem>>) target_semaphore(%arg30 : memref<!tpu.dma_semaphore, #tpu.memory_space<semaphore_mem>>)
    %add3A_26 = arith.constant 120 : i32
    %add3A_27 = arith.addi %mul3A_2, %add3A_26 : i32
    %dma_start3A_28 = tpu.memref_slice %arg3[%add3A_27] : memref<640000xi32, #tpu.memory_space<hbm>> -> memref<40xi32, #tpu.memory_space<hbm>>
    %dma_start3A_29 = tpu.memref_slice %arg3[%add3A_27] : memref<640000xi32, #tpu.memory_space<hbm>> -> memref<40xi32, #tpu.memory_space<hbm>>
    tpu.enqueue_dma source(%dma_start3A_29 : memref<40xi32, #tpu.memory_space<hbm>>) target(%arg13 : memref<40xi32, #tpu.memory_space<vmem>>) target_semaphore(%arg31 : memref<!tpu.dma_semaphore, #tpu.memory_space<semaphore_mem>>)
    %add3A_30 = arith.constant 320000 : i32
    %add3A_31 = arith.addi %add3A_30, %add3A_27 : i32
    %dma_start3A_32 = tpu.memref_slice %arg3[%add3A_31] : memref<640000xi32, #tpu.memory_space<hbm>> -> memref<40xi32, #tpu.memory_space<hbm>>
    %dma_start3A_33 = tpu.memref_slice %arg3[%add3A_31] : memref<640000xi32, #tpu.memory_space<hbm>> -> memref<40xi32, #tpu.memory_space<hbm>>
    tpu.enqueue_dma source(%dma_start3A_33 : memref<40xi32, #tpu.memory_space<hbm>>) target(%arg18 : memref<40xi32, #tpu.memory_space<vmem>>) target_semaphore(%arg31 : memref<!tpu.dma_semaphore, #tpu.memory_space<semaphore_mem>>)
    %add3A_34 = arith.constant 160 : i32
    %add3A_35 = arith.addi %mul3A_2, %add3A_34 : i32
    %dma_start3A_36 = tpu.memref_slice %arg3[%add3A_35] : memref<640000xi32, #tpu.memory_space<hbm>> -> memref<40xi32, #tpu.memory_space<hbm>>
    %dma_start3A_37 = tpu.memref_slice %arg3[%add3A_35] : memref<640000xi32, #tpu.memory_space<hbm>> -> memref<40xi32, #tpu.memory_space<hbm>>
    tpu.enqueue_dma source(%dma_start3A_37 : memref<40xi32, #tpu.memory_space<hbm>>) target(%arg14 : memref<40xi32, #tpu.memory_space<vmem>>) target_semaphore(%arg32 : memref<!tpu.dma_semaphore, #tpu.memory_space<semaphore_mem>>)
    %add3A_38 = arith.constant 320000 : i32
    %add3A_39 = arith.addi %add3A_38, %add3A_35 : i32
    %dma_start3A_40 = tpu.memref_slice %arg3[%add3A_39] : memref<640000xi32, #tpu.memory_space<hbm>> -> memref<40xi32, #tpu.memory_space<hbm>>
    %dma_start3A_41 = tpu.memref_slice %arg3[%add3A_39] : memref<640000xi32, #tpu.memory_space<hbm>> -> memref<40xi32, #tpu.memory_space<hbm>>
    tpu.enqueue_dma source(%dma_start3A_41 : memref<40xi32, #tpu.memory_space<hbm>>) target(%arg19 : memref<40xi32, #tpu.memory_space<vmem>>) target_semaphore(%arg32 : memref<!tpu.dma_semaphore, #tpu.memory_space<semaphore_mem>>)
    %scan3A = arith.constant 0 : i32
    %scan3A_42 = arith.constant 0 : i32
    %scan3A_43 = arith.constant 40 : i32
    %scan3A_44 = arith.addi %scan3A_42, %scan3A_43 : i32
    %scan3A_45 = arith.constant 1 : i32
    scf.for %scan3A_480 = %scan3A_42 to %scan3A_44 step %scan3A_45  : i32 {
      %broadcast_in_dim3A_481 = arith.constant 0.000000e+00 : f32
      %broadcast_in_dim3A_482 = vector.broadcast %broadcast_in_dim3A_481 : f32 to vector<16xf32>
      %swap3A_483 = arith.index_cast %scan3A_480 : i32 to index
      %swap3A_484 = arith.constant 0 : index
      %swap3A_485 = tpu.vector_load %arg26[%swap3A_483, %swap3A_484] {strides = array<i32>} : memref<40x128xf32, #tpu.memory_space<vmem>>, vector<1x16xf32>,
      %swap3A_486 = vector.shape_cast %swap3A_485 : vector<1x16xf32> to vector<16xf32>
      %swap3A_487 = vector.shape_cast %broadcast_in_dim3A_482 : vector<16xf32> to vector<1x16xf32>
      tpu.vector_store %arg26[%swap3A_483, %swap3A_484], %swap3A_487 {strides = array<i32>} : memref<40x128xf32, #tpu.memory_space<vmem>>, vector<1x16xf32>,
      %broadcast_in_dim3A_488 = arith.constant 0.000000e+00 : f32
      %broadcast_in_dim3A_489 = vector.broadcast %broadcast_in_dim3A_488 : f32 to vector<16xf32>
      %swap3A_490 = arith.index_cast %scan3A_480 : i32 to index
      %swap3A_491 = arith.constant 16 : index
      %swap3A_492 = tpu.vector_load %arg26[%swap3A_490, %swap3A_491] {strides = array<i32>} : memref<40x128xf32, #tpu.memory_space<vmem>>, vector<1x16xf32>,
      %swap3A_493 = vector.shape_cast %swap3A_492 : vector<1x16xf32> to vector<16xf32>
      %swap3A_494 = vector.shape_cast %broadcast_in_dim3A_489 : vector<16xf32> to vector<1x16xf32>
      tpu.vector_store %arg26[%swap3A_490, %swap3A_491], %swap3A_494 {strides = array<i32>} : memref<40x128xf32, #tpu.memory_space<vmem>>, vector<1x16xf32>,
      %broadcast_in_dim3A_495 = arith.constant 0.000000e+00 : f32
      %broadcast_in_dim3A_496 = vector.broadcast %broadcast_in_dim3A_495 : f32 to vector<16xf32>
      %swap3A_497 = arith.index_cast %scan3A_480 : i32 to index
      %swap3A_498 = arith.constant 32 : index
      %swap3A_499 = tpu.vector_load %arg26[%swap3A_497, %swap3A_498] {strides = array<i32>} : memref<40x128xf32, #tpu.memory_space<vmem>>, vector<1x16xf32>,
      %swap3A_500 = vector.shape_cast %swap3A_499 : vector<1x16xf32> to vector<16xf32>
      %swap3A_501 = vector.shape_cast %broadcast_in_dim3A_496 : vector<16xf32> to vector<1x16xf32>
      tpu.vector_store %arg26[%swap3A_497, %swap3A_498], %swap3A_501 {strides = array<i32>} : memref<40x128xf32, #tpu.memory_space<vmem>>, vector<1x16xf32>,
      %broadcast_in_dim3A_502 = arith.constant 0.000000e+00 : f32
      %broadcast_in_dim3A_503 = vector.broadcast %broadcast_in_dim3A_502 : f32 to vector<16xf32>
      %swap3A_504 = arith.index_cast %scan3A_480 : i32 to index
      %swap3A_505 = arith.constant 48 : index
      %swap3A_506 = tpu.vector_load %arg26[%swap3A_504, %swap3A_505] {strides = array<i32>} : memref<40x128xf32, #tpu.memory_space<vmem>>, vector<1x16xf32>,
      %swap3A_507 = vector.shape_cast %swap3A_506 : vector<1x16xf32> to vector<16xf32>
      %swap3A_508 = vector.shape_cast %broadcast_in_dim3A_503 : vector<16xf32> to vector<1x16xf32>
      tpu.vector_store %arg26[%swap3A_504, %swap3A_505], %swap3A_508 {strides = array<i32>} : memref<40x128xf32, #tpu.memory_space<vmem>>, vector<1x16xf32>,
      %broadcast_in_dim3A_509 = arith.constant 0.000000e+00 : f32
      %broadcast_in_dim3A_510 = vector.broadcast %broadcast_in_dim3A_509 : f32 to vector<16xf32>
      %swap3A_511 = arith.index_cast %scan3A_480 : i32 to index
      %swap3A_512 = arith.constant 64 : index
      %swap3A_513 = tpu.vector_load %arg26[%swap3A_511, %swap3A_512] {strides = array<i32>} : memref<40x128xf32, #tpu.memory_space<vmem>>, vector<1x16xf32>,
      %swap3A_514 = vector.shape_cast %swap3A_513 : vector<1x16xf32> to vector<16xf32>
      %swap3A_515 = vector.shape_cast %broadcast_in_dim3A_510 : vector<16xf32> to vector<1x16xf32>
      tpu.vector_store %arg26[%swap3A_511, %swap3A_512], %swap3A_515 {strides = array<i32>} : memref<40x128xf32, #tpu.memory_space<vmem>>, vector<1x16xf32>,
      %broadcast_in_dim3A_516 = arith.constant 0.000000e+00 : f32
      %broadcast_in_dim3A_517 = vector.broadcast %broadcast_in_dim3A_516 : f32 to vector<16xf32>
      %swap3A_518 = arith.index_cast %scan3A_480 : i32 to index
      %swap3A_519 = arith.constant 80 : index
      %swap3A_520 = tpu.vector_load %arg26[%swap3A_518, %swap3A_519] {strides = array<i32>} : memref<40x128xf32, #tpu.memory_space<vmem>>, vector<1x16xf32>,
      %swap3A_521 = vector.shape_cast %swap3A_520 : vector<1x16xf32> to vector<16xf32>
      %swap3A_522 = vector.shape_cast %broadcast_in_dim3A_517 : vector<16xf32> to vector<1x16xf32>
      tpu.vector_store %arg26[%swap3A_518, %swap3A_519], %swap3A_522 {strides = array<i32>} : memref<40x128xf32, #tpu.memory_space<vmem>>, vector<1x16xf32>,
      %broadcast_in_dim3A_523 = arith.constant 0.000000e+00 : f32
      %broadcast_in_dim3A_524 = vector.broadcast %broadcast_in_dim3A_523 : f32 to vector<16xf32>
      %swap3A_525 = arith.index_cast %scan3A_480 : i32 to index
      %swap3A_526 = arith.constant 96 : index
      %swap3A_527 = tpu.vector_load %arg26[%swap3A_525, %swap3A_526] {strides = array<i32>} : memref<40x128xf32, #tpu.memory_space<vmem>>, vector<1x16xf32>,
      %swap3A_528 = vector.shape_cast %swap3A_527 : vector<1x16xf32> to vector<16xf32>
      %swap3A_529 = vector.shape_cast %broadcast_in_dim3A_524 : vector<16xf32> to vector<1x16xf32>
      tpu.vector_store %arg26[%swap3A_525, %swap3A_526], %swap3A_529 {strides = array<i32>} : memref<40x128xf32, #tpu.memory_space<vmem>>, vector<1x16xf32>,
      %broadcast_in_dim3A_530 = arith.constant 0.000000e+00 : f32
      %broadcast_in_dim3A_531 = vector.broadcast %broadcast_in_dim3A_530 : f32 to vector<16xf32>
      %swap3A_532 = arith.index_cast %scan3A_480 : i32 to index
      %swap3A_533 = arith.constant 112 : index
      %swap3A_534 = tpu.vector_load %arg26[%swap3A_532, %swap3A_533] {strides = array<i32>} : memref<40x128xf32, #tpu.memory_space<vmem>>, vector<1x16xf32>,
      %swap3A_535 = vector.shape_cast %swap3A_534 : vector<1x16xf32> to vector<16xf32>
      %swap3A_536 = vector.shape_cast %broadcast_in_dim3A_531 : vector<16xf32> to vector<1x16xf32>
      tpu.vector_store %arg26[%swap3A_532, %swap3A_533], %swap3A_536 {strides = array<i32>} : memref<40x128xf32, #tpu.memory_space<vmem>>, vector<1x16xf32>,
    }
    %scan3A_46 = arith.constant 40 : i32
    %scan3A_47 = arith.constant 0 : i32
    %scan3A_48 = arith.constant 0 : i32
    %scan3A_49 = arith.constant 64 : i32
    %scan3A_50 = arith.addi %scan3A_48, %scan3A_49 : i32
    %scan3A_51 = arith.constant 1 : i32
    scf.for %scan3A_480 = %scan3A_48 to %scan3A_50 step %scan3A_51  : i32 {
      %broadcast_in_dim3A_481 = arith.constant 0.000000e+00 : f32
      %broadcast_in_dim3A_482 = vector.broadcast %broadcast_in_dim3A_481 : f32 to vector<16xf32>
      %mul3A_483 = arith.constant 16 : i32
      %mul3A_484 = arith.muli %scan3A_480, %mul3A_483 : i32
      %swap3A_485 = arith.index_cast %mul3A_484 : i32 to index
      %swap3A_486 = tpu.vector_load %arg27[%swap3A_485] {strides = array<i32>} : memref<1024xf32, #tpu.memory_space<vmem>>, vector<16xf32>,
      %swap3A_487 = vector.shape_cast %swap3A_486 : vector<16xf32> to vector<16xf32>
      %swap3A_488 = vector.shape_cast %broadcast_in_dim3A_482 : vector<16xf32> to vector<16xf32>
      tpu.vector_store %arg27[%swap3A_485], %swap3A_488 {strides = array<i32>} : memref<1024xf32, #tpu.memory_space<vmem>>, vector<16xf32>,
    }
    %scan3A_52 = arith.constant 64 : i32
    %broadcast_in_dim3A = arith.constant 1.000000e+00 : f32
    %broadcast_in_dim3A_53 = vector.broadcast %broadcast_in_dim3A : f32 to vector<16xf32>
    %swap3A = arith.constant 0 : index
    %swap3A_54 = tpu.vector_load %arg25[%swap3A] {strides = array<i32>} : memref<48xf32, #tpu.memory_space<vmem>>, vector<16xf32>,
    %swap3A_55 = vector.shape_cast %swap3A_54 : vector<16xf32> to vector<16xf32>
    %swap3A_56 = vector.shape_cast %broadcast_in_dim3A_53 : vector<16xf32> to vector<16xf32>
    tpu.vector_store %arg25[%swap3A], %swap3A_56 {strides = array<i32>} : memref<48xf32, #tpu.memory_space<vmem>>, vector<16xf32>,
    %broadcast_in_dim3A_57 = arith.constant 1.000000e+00 : f32
    %broadcast_in_dim3A_58 = vector.broadcast %broadcast_in_dim3A_57 : f32 to vector<16xf32>
    %swap3A_59 = arith.constant 16 : index
    %swap3A_60 = tpu.vector_load %arg25[%swap3A_59] {strides = array<i32>} : memref<48xf32, #tpu.memory_space<vmem>>, vector<16xf32>,
    %swap3A_61 = vector.shape_cast %swap3A_60 : vector<16xf32> to vector<16xf32>
    %swap3A_62 = vector.shape_cast %broadcast_in_dim3A_58 : vector<16xf32> to vector<16xf32>
    tpu.vector_store %arg25[%swap3A_59], %swap3A_62 {strides = array<i32>} : memref<48xf32, #tpu.memory_space<vmem>>, vector<16xf32>,
    %broadcast_in_dim3A_63 = arith.constant 1.000000e+00 : f32
    %broadcast_in_dim3A_64 = vector.broadcast %broadcast_in_dim3A_63 : f32 to vector<16xf32>
    %swap3A_65 = arith.constant 32 : index
    %swap3A_66 = tpu.vector_load %arg25[%swap3A_65] {strides = array<i32>} : memref<48xf32, #tpu.memory_space<vmem>>, vector<16xf32>,
    %swap3A_67 = vector.shape_cast %swap3A_66 : vector<16xf32> to vector<16xf32>
    %swap3A_68 = vector.shape_cast %broadcast_in_dim3A_64 : vector<16xf32> to vector<16xf32>
    tpu.vector_store %arg25[%swap3A_65], %swap3A_68 {strides = array<i32>} : memref<48xf32, #tpu.memory_space<vmem>>, vector<16xf32>,
    %mul3A_69 = arith.constant 640 : i32
    %mul3A_70 = arith.muli %arg1, %mul3A_69 : i32
    %add3A_71 = arith.constant 0 : i32
    %add3A_72 = arith.addi %mul3A_70, %add3A_71 : i32
    %dma_start3A_73 = arith.constant 0 : i32
    %dma_start3A_74 = tpu.memref_slice %arg7[%add3A_72, %dma_start3A_73] : memref<10240x128xf32, #tpu.memory_space<vmem_shared>> -> memref<40x128xf32, #tpu.memory_space<vmem_shared>>
    %dma_start3A_75 = arith.constant 0 : i32
    %dma_start3A_76 = tpu.memref_slice %arg7[%add3A_72, %dma_start3A_75] : memref<10240x128xf32, #tpu.memory_space<vmem_shared>> -> memref<40x128xf32, #tpu.memory_space<vmem_shared>>
    tpu.enqueue_dma source(%arg26 : memref<40x128xf32, #tpu.memory_space<vmem>>) target(%dma_start3A_76 : memref<40x128xf32, #tpu.memory_space<vmem_shared>>) target_semaphore(%arg43 : memref<!tpu.dma_semaphore, #tpu.memory_space<semaphore_mem>>)
    %mul3A_77 = arith.constant 640 : i32
    %mul3A_78 = arith.muli %arg1, %mul3A_77 : i32
    %add3A_79 = arith.constant 40 : i32
    %add3A_80 = arith.addi %mul3A_78, %add3A_79 : i32
    %dma_start3A_81 = arith.constant 0 : i32
    %dma_start3A_82 = tpu.memref_slice %arg7[%add3A_80, %dma_start3A_81] : memref<10240x128xf32, #tpu.memory_space<vmem_shared>> -> memref<40x128xf32, #tpu.memory_space<vmem_shared>>
    %dma_start3A_83 = arith.constant 0 : i32
    %dma_start3A_84 = tpu.memref_slice %arg7[%add3A_80, %dma_start3A_83] : memref<10240x128xf32, #tpu.memory_space<vmem_shared>> -> memref<40x128xf32, #tpu.memory_space<vmem_shared>>
    tpu.enqueue_dma source(%arg26 : memref<40x128xf32, #tpu.memory_space<vmem>>) target(%dma_start3A_84 : memref<40x128xf32, #tpu.memory_space<vmem_shared>>) target_semaphore(%arg43 : memref<!tpu.dma_semaphore, #tpu.memory_space<semaphore_mem>>)
    %mul3A_85 = arith.constant 640 : i32
    %mul3A_86 = arith.muli %arg1, %mul3A_85 : i32
    %add3A_87 = arith.constant 80 : i32
    %add3A_88 = arith.addi %mul3A_86, %add3A_87 : i32
    %dma_start3A_89 = arith.constant 0 : i32
    %dma_start3A_90 = tpu.memref_slice %arg7[%add3A_88, %dma_start3A_89] : memref<10240x128xf32, #tpu.memory_space<vmem_shared>> -> memref<40x128xf32, #tpu.memory_space<vmem_shared>>
    %dma_start3A_91 = arith.constant 0 : i32
    %dma_start3A_92 = tpu.memref_slice %arg7[%add3A_88, %dma_start3A_91] : memref<10240x128xf32, #tpu.memory_space<vmem_shared>> -> memref<40x128xf32, #tpu.memory_space<vmem_shared>>
    tpu.enqueue_dma source(%arg26 : memref<40x128xf32, #tpu.memory_space<vmem>>) target(%dma_start3A_92 : memref<40x128xf32, #tpu.memory_space<vmem_shared>>) target_semaphore(%arg43 : memref<!tpu.dma_semaphore, #tpu.memory_space<semaphore_mem>>)
    %mul3A_93 = arith.constant 640 : i32
    %mul3A_94 = arith.muli %arg1, %mul3A_93 : i32
    %add3A_95 = arith.constant 120 : i32
    %add3A_96 = arith.addi %mul3A_94, %add3A_95 : i32
    %dma_start3A_97 = arith.constant 0 : i32
    %dma_start3A_98 = tpu.memref_slice %arg7[%add3A_96, %dma_start3A_97] : memref<10240x128xf32, #tpu.memory_space<vmem_shared>> -> memref<40x128xf32, #tpu.memory_space<vmem_shared>>
    %dma_start3A_99 = arith.constant 0 : i32
    %dma_start3A_100 = tpu.memref_slice %arg7[%add3A_96, %dma_start3A_99] : memref<10240x128xf32, #tpu.memory_space<vmem_shared>> -> memref<40x128xf32, #tpu.memory_space<vmem_shared>>
    tpu.enqueue_dma source(%arg26 : memref<40x128xf32, #tpu.memory_space<vmem>>) target(%dma_start3A_100 : memref<40x128xf32, #tpu.memory_space<vmem_shared>>) target_semaphore(%arg43 : memref<!tpu.dma_semaphore, #tpu.memory_space<semaphore_mem>>)
    %mul3A_101 = arith.constant 640 : i32
    %mul3A_102 = arith.muli %arg1, %mul3A_101 : i32
    %add3A_103 = arith.constant 160 : i32
    %add3A_104 = arith.addi %mul3A_102, %add3A_103 : i32
    %dma_start3A_105 = arith.constant 0 : i32
    %dma_start3A_106 = tpu.memref_slice %arg7[%add3A_104, %dma_start3A_105] : memref<10240x128xf32, #tpu.memory_space<vmem_shared>> -> memref<40x128xf32, #tpu.memory_space<vmem_shared>>
    %dma_start3A_107 = arith.constant 0 : i32
    %dma_start3A_108 = tpu.memref_slice %arg7[%add3A_104, %dma_start3A_107] : memref<10240x128xf32, #tpu.memory_space<vmem_shared>> -> memref<40x128xf32, #tpu.memory_space<vmem_shared>>
    tpu.enqueue_dma source(%arg26 : memref<40x128xf32, #tpu.memory_space<vmem>>) target(%dma_start3A_108 : memref<40x128xf32, #tpu.memory_space<vmem_shared>>) target_semaphore(%arg43 : memref<!tpu.dma_semaphore, #tpu.memory_space<semaphore_mem>>)
    %mul3A_109 = arith.constant 640 : i32
    %mul3A_110 = arith.muli %arg1, %mul3A_109 : i32
    %add3A_111 = arith.constant 200 : i32
    %add3A_112 = arith.addi %mul3A_110, %add3A_111 : i32
    %dma_start3A_113 = arith.constant 0 : i32
    %dma_start3A_114 = tpu.memref_slice %arg7[%add3A_112, %dma_start3A_113] : memref<10240x128xf32, #tpu.memory_space<vmem_shared>> -> memref<40x128xf32, #tpu.memory_space<vmem_shared>>
    %dma_start3A_115 = arith.constant 0 : i32
    %dma_start3A_116 = tpu.memref_slice %arg7[%add3A_112, %dma_start3A_115] : memref<10240x128xf32, #tpu.memory_space<vmem_shared>> -> memref<40x128xf32, #tpu.memory_space<vmem_shared>>
    tpu.enqueue_dma source(%arg26 : memref<40x128xf32, #tpu.memory_space<vmem>>) target(%dma_start3A_116 : memref<40x128xf32, #tpu.memory_space<vmem_shared>>) target_semaphore(%arg43 : memref<!tpu.dma_semaphore, #tpu.memory_space<semaphore_mem>>)
    %mul3A_117 = arith.constant 640 : i32
    %mul3A_118 = arith.muli %arg1, %mul3A_117 : i32
    %add3A_119 = arith.constant 240 : i32
    %add3A_120 = arith.addi %mul3A_118, %add3A_119 : i32
    %dma_start3A_121 = arith.constant 0 : i32
    %dma_start3A_122 = tpu.memref_slice %arg7[%add3A_120, %dma_start3A_121] : memref<10240x128xf32, #tpu.memory_space<vmem_shared>> -> memref<40x128xf32, #tpu.memory_space<vmem_shared>>
    %dma_start3A_123 = arith.constant 0 : i32
    %dma_start3A_124 = tpu.memref_slice %arg7[%add3A_120, %dma_start3A_123] : memref<10240x128xf32, #tpu.memory_space<vmem_shared>> -> memref<40x128xf32, #tpu.memory_space<vmem_shared>>
    tpu.enqueue_dma source(%arg26 : memref<40x128xf32, #tpu.memory_space<vmem>>) target(%dma_start3A_124 : memref<40x128xf32, #tpu.memory_space<vmem_shared>>) target_semaphore(%arg43 : memref<!tpu.dma_semaphore, #tpu.memory_space<semaphore_mem>>)
    %mul3A_125 = arith.constant 640 : i32
    %mul3A_126 = arith.muli %arg1, %mul3A_125 : i32
    %add3A_127 = arith.constant 280 : i32
    %add3A_128 = arith.addi %mul3A_126, %add3A_127 : i32
    %dma_start3A_129 = arith.constant 0 : i32
    %dma_start3A_130 = tpu.memref_slice %arg7[%add3A_128, %dma_start3A_129] : memref<10240x128xf32, #tpu.memory_space<vmem_shared>> -> memref<40x128xf32, #tpu.memory_space<vmem_shared>>
    %dma_start3A_131 = arith.constant 0 : i32
    %dma_start3A_132 = tpu.memref_slice %arg7[%add3A_128, %dma_start3A_131] : memref<10240x128xf32, #tpu.memory_space<vmem_shared>> -> memref<40x128xf32, #tpu.memory_space<vmem_shared>>
    tpu.enqueue_dma source(%arg26 : memref<40x128xf32, #tpu.memory_space<vmem>>) target(%dma_start3A_132 : memref<40x128xf32, #tpu.memory_space<vmem_shared>>) target_semaphore(%arg43 : memref<!tpu.dma_semaphore, #tpu.memory_space<semaphore_mem>>)
    %mul3A_133 = arith.constant 640 : i32
    %mul3A_134 = arith.muli %arg1, %mul3A_133 : i32
    %add3A_135 = arith.constant 320 : i32
    %add3A_136 = arith.addi %mul3A_134, %add3A_135 : i32
    %dma_start3A_137 = arith.constant 0 : i32
    %dma_start3A_138 = tpu.memref_slice %arg7[%add3A_136, %dma_start3A_137] : memref<10240x128xf32, #tpu.memory_space<vmem_shared>> -> memref<40x128xf32, #tpu.memory_space<vmem_shared>>
    %dma_start3A_139 = arith.constant 0 : i32
    %dma_start3A_140 = tpu.memref_slice %arg7[%add3A_136, %dma_start3A_139] : memref<10240x128xf32, #tpu.memory_space<vmem_shared>> -> memref<40x128xf32, #tpu.memory_space<vmem_shared>>
    tpu.enqueue_dma source(%arg26 : memref<40x128xf32, #tpu.memory_space<vmem>>) target(%dma_start3A_140 : memref<40x128xf32, #tpu.memory_space<vmem_shared>>) target_semaphore(%arg43 : memref<!tpu.dma_semaphore, #tpu.memory_space<semaphore_mem>>)
    %mul3A_141 = arith.constant 640 : i32
    %mul3A_142 = arith.muli %arg1, %mul3A_141 : i32
    %add3A_143 = arith.constant 360 : i32
    %add3A_144 = arith.addi %mul3A_142, %add3A_143 : i32
    %dma_start3A_145 = arith.constant 0 : i32
    %dma_start3A_146 = tpu.memref_slice %arg7[%add3A_144, %dma_start3A_145] : memref<10240x128xf32, #tpu.memory_space<vmem_shared>> -> memref<40x128xf32, #tpu.memory_space<vmem_shared>>
    %dma_start3A_147 = arith.constant 0 : i32
    %dma_start3A_148 = tpu.memref_slice %arg7[%add3A_144, %dma_start3A_147] : memref<10240x128xf32, #tpu.memory_space<vmem_shared>> -> memref<40x128xf32, #tpu.memory_space<vmem_shared>>
    tpu.enqueue_dma source(%arg26 : memref<40x128xf32, #tpu.memory_space<vmem>>) target(%dma_start3A_148 : memref<40x128xf32, #tpu.memory_space<vmem_shared>>) target_semaphore(%arg43 : memref<!tpu.dma_semaphore, #tpu.memory_space<semaphore_mem>>)
    %mul3A_149 = arith.constant 640 : i32
    %mul3A_150 = arith.muli %arg1, %mul3A_149 : i32
    %add3A_151 = arith.constant 400 : i32
    %add3A_152 = arith.addi %mul3A_150, %add3A_151 : i32
    %dma_start3A_153 = arith.constant 0 : i32
    %dma_start3A_154 = tpu.memref_slice %arg7[%add3A_152, %dma_start3A_153] : memref<10240x128xf32, #tpu.memory_space<vmem_shared>> -> memref<40x128xf32, #tpu.memory_space<vmem_shared>>
    %dma_start3A_155 = arith.constant 0 : i32
    %dma_start3A_156 = tpu.memref_slice %arg7[%add3A_152, %dma_start3A_155] : memref<10240x128xf32, #tpu.memory_space<vmem_shared>> -> memref<40x128xf32, #tpu.memory_space<vmem_shared>>
    tpu.enqueue_dma source(%arg26 : memref<40x128xf32, #tpu.memory_space<vmem>>) target(%dma_start3A_156 : memref<40x128xf32, #tpu.memory_space<vmem_shared>>) target_semaphore(%arg43 : memref<!tpu.dma_semaphore, #tpu.memory_space<semaphore_mem>>)
    %mul3A_157 = arith.constant 640 : i32
    %mul3A_158 = arith.muli %arg1, %mul3A_157 : i32
    %add3A_159 = arith.constant 440 : i32
    %add3A_160 = arith.addi %mul3A_158, %add3A_159 : i32
    %dma_start3A_161 = arith.constant 0 : i32
    %dma_start3A_162 = tpu.memref_slice %arg7[%add3A_160, %dma_start3A_161] : memref<10240x128xf32, #tpu.memory_space<vmem_shared>> -> memref<40x128xf32, #tpu.memory_space<vmem_shared>>
    %dma_start3A_163 = arith.constant 0 : i32
    %dma_start3A_164 = tpu.memref_slice %arg7[%add3A_160, %dma_start3A_163] : memref<10240x128xf32, #tpu.memory_space<vmem_shared>> -> memref<40x128xf32, #tpu.memory_space<vmem_shared>>
    tpu.enqueue_dma source(%arg26 : memref<40x128xf32, #tpu.memory_space<vmem>>) target(%dma_start3A_164 : memref<40x128xf32, #tpu.memory_space<vmem_shared>>) target_semaphore(%arg43 : memref<!tpu.dma_semaphore, #tpu.memory_space<semaphore_mem>>)
    %mul3A_165 = arith.constant 640 : i32
    %mul3A_166 = arith.muli %arg1, %mul3A_165 : i32
    %add3A_167 = arith.constant 480 : i32
    %add3A_168 = arith.addi %mul3A_166, %add3A_167 : i32
    %dma_start3A_169 = arith.constant 0 : i32
    %dma_start3A_170 = tpu.memref_slice %arg7[%add3A_168, %dma_start3A_169] : memref<10240x128xf32, #tpu.memory_space<vmem_shared>> -> memref<40x128xf32, #tpu.memory_space<vmem_shared>>
    %dma_start3A_171 = arith.constant 0 : i32
    %dma_start3A_172 = tpu.memref_slice %arg7[%add3A_168, %dma_start3A_171] : memref<10240x128xf32, #tpu.memory_space<vmem_shared>> -> memref<40x128xf32, #tpu.memory_space<vmem_shared>>
    tpu.enqueue_dma source(%arg26 : memref<40x128xf32, #tpu.memory_space<vmem>>) target(%dma_start3A_172 : memref<40x128xf32, #tpu.memory_space<vmem_shared>>) target_semaphore(%arg43 : memref<!tpu.dma_semaphore, #tpu.memory_space<semaphore_mem>>)
    %mul3A_173 = arith.constant 640 : i32
    %mul3A_174 = arith.muli %arg1, %mul3A_173 : i32
    %add3A_175 = arith.constant 520 : i32
    %add3A_176 = arith.addi %mul3A_174, %add3A_175 : i32
    %dma_start3A_177 = arith.constant 0 : i32
    %dma_start3A_178 = tpu.memref_slice %arg7[%add3A_176, %dma_start3A_177] : memref<10240x128xf32, #tpu.memory_space<vmem_shared>> -> memref<40x128xf32, #tpu.memory_space<vmem_shared>>
    %dma_start3A_179 = arith.constant 0 : i32
    %dma_start3A_180 = tpu.memref_slice %arg7[%add3A_176, %dma_start3A_179] : memref<10240x128xf32, #tpu.memory_space<vmem_shared>> -> memref<40x128xf32, #tpu.memory_space<vmem_shared>>
    tpu.enqueue_dma source(%arg26 : memref<40x128xf32, #tpu.memory_space<vmem>>) target(%dma_start3A_180 : memref<40x128xf32, #tpu.memory_space<vmem_shared>>) target_semaphore(%arg43 : memref<!tpu.dma_semaphore, #tpu.memory_space<semaphore_mem>>)
    %mul3A_181 = arith.constant 640 : i32
    %mul3A_182 = arith.muli %arg1, %mul3A_181 : i32
    %add3A_183 = arith.constant 560 : i32
    %add3A_184 = arith.addi %mul3A_182, %add3A_183 : i32
    %dma_start3A_185 = arith.constant 0 : i32
    %dma_start3A_186 = tpu.memref_slice %arg7[%add3A_184, %dma_start3A_185] : memref<10240x128xf32, #tpu.memory_space<vmem_shared>> -> memref<40x128xf32, #tpu.memory_space<vmem_shared>>
    %dma_start3A_187 = arith.constant 0 : i32
    %dma_start3A_188 = tpu.memref_slice %arg7[%add3A_184, %dma_start3A_187] : memref<10240x128xf32, #tpu.memory_space<vmem_shared>> -> memref<40x128xf32, #tpu.memory_space<vmem_shared>>
    tpu.enqueue_dma source(%arg26 : memref<40x128xf32, #tpu.memory_space<vmem>>) target(%dma_start3A_188 : memref<40x128xf32, #tpu.memory_space<vmem_shared>>) target_semaphore(%arg43 : memref<!tpu.dma_semaphore, #tpu.memory_space<semaphore_mem>>)
    %mul3A_189 = arith.constant 640 : i32
    %mul3A_190 = arith.muli %arg1, %mul3A_189 : i32
    %add3A_191 = arith.constant 600 : i32
    %add3A_192 = arith.addi %mul3A_190, %add3A_191 : i32
    %dma_start3A_193 = arith.constant 0 : i32
    %dma_start3A_194 = tpu.memref_slice %arg7[%add3A_192, %dma_start3A_193] : memref<10240x128xf32, #tpu.memory_space<vmem_shared>> -> memref<40x128xf32, #tpu.memory_space<vmem_shared>>
    %dma_start3A_195 = arith.constant 0 : i32
    %dma_start3A_196 = tpu.memref_slice %arg7[%add3A_192, %dma_start3A_195] : memref<10240x128xf32, #tpu.memory_space<vmem_shared>> -> memref<40x128xf32, #tpu.memory_space<vmem_shared>>
    tpu.enqueue_dma source(%arg26 : memref<40x128xf32, #tpu.memory_space<vmem>>) target(%dma_start3A_196 : memref<40x128xf32, #tpu.memory_space<vmem_shared>>) target_semaphore(%arg43 : memref<!tpu.dma_semaphore, #tpu.memory_space<semaphore_mem>>)
    %lt3A = arith.constant 10 : i32
    %lt3A_197 = arith.cmpi slt, %arg1, %lt3A : i32
    %convert_element_type3A = arith.extui %lt3A_197 : i1 to i32
    %cond3A = arith.constant 0 : i32
    %cond3A_198 = arith.cmpi ne, %convert_element_type3A, %cond3A : i32
    scf.if %cond3A_198 {
      %mul3A_480 = arith.constant 1024 : i32
      %mul3A_481 = arith.muli %arg1, %mul3A_480 : i32
      %dma_start3A_482 = tpu.memref_slice %arg8[%mul3A_481] : memref<10240xf32, #tpu.memory_space<vmem_shared>> -> memref<1024xf32, #tpu.memory_space<vmem_shared>>
      %dma_start3A_483 = tpu.memref_slice %arg8[%mul3A_481] : memref<10240xf32, #tpu.memory_space<vmem_shared>> -> memref<1024xf32, #tpu.memory_space<vmem_shared>>
      tpu.enqueue_dma source(%arg27 : memref<1024xf32, #tpu.memory_space<vmem>>) target(%dma_start3A_483 : memref<1024xf32, #tpu.memory_space<vmem_shared>>) target_semaphore(%arg43 : memref<!tpu.dma_semaphore, #tpu.memory_space<semaphore_mem>>)
      %mul3A_484 = arith.constant 1024 : i32
      %mul3A_485 = arith.muli %arg1, %mul3A_484 : i32
      %dma_start3A_486 = tpu.memref_slice %arg9[%mul3A_485] : memref<10240xf32, #tpu.memory_space<vmem_shared>> -> memref<1024xf32, #tpu.memory_space<vmem_shared>>
      %dma_start3A_487 = tpu.memref_slice %arg9[%mul3A_485] : memref<10240xf32, #tpu.memory_space<vmem_shared>> -> memref<1024xf32, #tpu.memory_space<vmem_shared>>
      tpu.enqueue_dma source(%arg27 : memref<1024xf32, #tpu.memory_space<vmem>>) target(%dma_start3A_487 : memref<1024xf32, #tpu.memory_space<vmem_shared>>) target_semaphore(%arg43 : memref<!tpu.dma_semaphore, #tpu.memory_space<semaphore_mem>>)
    } else {
    }
    %dma_wait3A = arith.constant 0 : i32
    %dma_wait3A_199 = tpu.memref_slice %arg3[%dma_wait3A] : memref<640000xi32, #tpu.memory_space<hbm>> -> memref<40xi32, #tpu.memory_space<hbm>>
    %dma_wait3A_200 = arith.constant 0 : i32
    %dma_wait3A_201 = tpu.memref_slice %arg3[%dma_wait3A_200] : memref<640000xi32, #tpu.memory_space<hbm>> -> memref<40xi32, #tpu.memory_space<hbm>>
    tpu.wait_dma2 semaphore(%arg28 : memref<!tpu.dma_semaphore, #tpu.memory_space<semaphore_mem>>) src(%dma_wait3A_201 : memref<40xi32, #tpu.memory_space<hbm>>) dst(%arg10 : memref<40xi32, #tpu.memory_space<vmem>>)
    %dma_wait3A_202 = arith.constant 0 : i32
    %dma_wait3A_203 = tpu.memref_slice %arg3[%dma_wait3A_202] : memref<640000xi32, #tpu.memory_space<hbm>> -> memref<40xi32, #tpu.memory_space<hbm>>
    %dma_wait3A_204 = arith.constant 0 : i32
    %dma_wait3A_205 = tpu.memref_slice %arg3[%dma_wait3A_204] : memref<640000xi32, #tpu.memory_space<hbm>> -> memref<40xi32, #tpu.memory_space<hbm>>
    tpu.wait_dma2 semaphore(%arg28 : memref<!tpu.dma_semaphore, #tpu.memory_space<semaphore_mem>>) src(%dma_wait3A_205 : memref<40xi32, #tpu.memory_space<hbm>>) dst(%arg10 : memref<40xi32, #tpu.memory_space<vmem>>)
    %dma_start3A_206 = arith.constant 0 : i32
    %dma_start3A_207 = arith.constant 0 : i32
    %dma_start3A_208 = tpu.memref_slice %arg2[%dma_start3A_206, %dma_start3A_207] : memref<10000x128xf32, #tpu.memory_space<hbm>> -> memref<10000x128xf32, #tpu.memory_space<hbm>>
    tpu.enqueue_indirect_dma source(%dma_start3A_208 : memref<10000x128xf32, #tpu.memory_space<hbm>>) target(%arg20 : memref<40x128xf32, #tpu.memory_space<vmem>>) offsets(%arg10 : memref<40xi32, #tpu.memory_space<vmem>>) semaphore(%arg33 : memref<!tpu.dma_semaphore, #tpu.memory_space<semaphore_mem>>)
    %dma_wait3A_209 = arith.constant 0 : i32
    %dma_wait3A_210 = tpu.memref_slice %arg3[%dma_wait3A_209] : memref<640000xi32, #tpu.memory_space<hbm>> -> memref<40xi32, #tpu.memory_space<hbm>>
    %dma_wait3A_211 = arith.constant 0 : i32
    %dma_wait3A_212 = tpu.memref_slice %arg3[%dma_wait3A_211] : memref<640000xi32, #tpu.memory_space<hbm>> -> memref<40xi32, #tpu.memory_space<hbm>>
    tpu.wait_dma2 semaphore(%arg29 : memref<!tpu.dma_semaphore, #tpu.memory_space<semaphore_mem>>) src(%dma_wait3A_212 : memref<40xi32, #tpu.memory_space<hbm>>) dst(%arg11 : memref<40xi32, #tpu.memory_space<vmem>>)
    %dma_wait3A_213 = arith.constant 0 : i32
    %dma_wait3A_214 = tpu.memref_slice %arg3[%dma_wait3A_213] : memref<640000xi32, #tpu.memory_space<hbm>> -> memref<40xi32, #tpu.memory_space<hbm>>
    %dma_wait3A_215 = arith.constant 0 : i32
    %dma_wait3A_216 = tpu.memref_slice %arg3[%dma_wait3A_215] : memref<640000xi32, #tpu.memory_space<hbm>> -> memref<40xi32, #tpu.memory_space<hbm>>
    tpu.wait_dma2 semaphore(%arg29 : memref<!tpu.dma_semaphore, #tpu.memory_space<semaphore_mem>>) src(%dma_wait3A_216 : memref<40xi32, #tpu.memory_space<hbm>>) dst(%arg11 : memref<40xi32, #tpu.memory_space<vmem>>)
    %dma_start3A_217 = arith.constant 0 : i32
    %dma_start3A_218 = arith.constant 0 : i32
    %dma_start3A_219 = tpu.memref_slice %arg2[%dma_start3A_217, %dma_start3A_218] : memref<10000x128xf32, #tpu.memory_space<hbm>> -> memref<10000x128xf32, #tpu.memory_space<hbm>>
    tpu.enqueue_indirect_dma source(%dma_start3A_219 : memref<10000x128xf32, #tpu.memory_space<hbm>>) target(%arg21 : memref<40x128xf32, #tpu.memory_space<vmem>>) offsets(%arg11 : memref<40xi32, #tpu.memory_space<vmem>>) semaphore(%arg34 : memref<!tpu.dma_semaphore, #tpu.memory_space<semaphore_mem>>)
    %dma_wait3A_220 = arith.constant 0 : i32
    %dma_wait3A_221 = tpu.memref_slice %arg3[%dma_wait3A_220] : memref<640000xi32, #tpu.memory_space<hbm>> -> memref<40xi32, #tpu.memory_space<hbm>>
    %dma_wait3A_222 = arith.constant 0 : i32
    %dma_wait3A_223 = tpu.memref_slice %arg3[%dma_wait3A_222] : memref<640000xi32, #tpu.memory_space<hbm>> -> memref<40xi32, #tpu.memory_space<hbm>>
    tpu.wait_dma2 semaphore(%arg30 : memref<!tpu.dma_semaphore, #tpu.memory_space<semaphore_mem>>) src(%dma_wait3A_223 : memref<40xi32, #tpu.memory_space<hbm>>) dst(%arg12 : memref<40xi32, #tpu.memory_space<vmem>>)
    %dma_wait3A_224 = arith.constant 0 : i32
    %dma_wait3A_225 = tpu.memref_slice %arg3[%dma_wait3A_224] : memref<640000xi32, #tpu.memory_space<hbm>> -> memref<40xi32, #tpu.memory_space<hbm>>
    %dma_wait3A_226 = arith.constant 0 : i32
    %dma_wait3A_227 = tpu.memref_slice %arg3[%dma_wait3A_226] : memref<640000xi32, #tpu.memory_space<hbm>> -> memref<40xi32, #tpu.memory_space<hbm>>
    tpu.wait_dma2 semaphore(%arg30 : memref<!tpu.dma_semaphore, #tpu.memory_space<semaphore_mem>>) src(%dma_wait3A_227 : memref<40xi32, #tpu.memory_space<hbm>>) dst(%arg12 : memref<40xi32, #tpu.memory_space<vmem>>)
    %dma_start3A_228 = arith.constant 0 : i32
    %dma_start3A_229 = arith.constant 0 : i32
    %dma_start3A_230 = tpu.memref_slice %arg2[%dma_start3A_228, %dma_start3A_229] : memref<10000x128xf32, #tpu.memory_space<hbm>> -> memref<10000x128xf32, #tpu.memory_space<hbm>>
    tpu.enqueue_indirect_dma source(%dma_start3A_230 : memref<10000x128xf32, #tpu.memory_space<hbm>>) target(%arg22 : memref<40x128xf32, #tpu.memory_space<vmem>>) offsets(%arg12 : memref<40xi32, #tpu.memory_space<vmem>>) semaphore(%arg35 : memref<!tpu.dma_semaphore, #tpu.memory_space<semaphore_mem>>)
    %dma_wait3A_231 = arith.constant 0 : i32
    %dma_wait3A_232 = tpu.memref_slice %arg3[%dma_wait3A_231] : memref<640000xi32, #tpu.memory_space<hbm>> -> memref<40xi32, #tpu.memory_space<hbm>>
    %dma_wait3A_233 = arith.constant 0 : i32
    %dma_wait3A_234 = tpu.memref_slice %arg3[%dma_wait3A_233] : memref<640000xi32, #tpu.memory_space<hbm>> -> memref<40xi32, #tpu.memory_space<hbm>>
    tpu.wait_dma2 semaphore(%arg31 : memref<!tpu.dma_semaphore, #tpu.memory_space<semaphore_mem>>) src(%dma_wait3A_234 : memref<40xi32, #tpu.memory_space<hbm>>) dst(%arg13 : memref<40xi32, #tpu.memory_space<vmem>>)
    %dma_wait3A_235 = arith.constant 0 : i32
    %dma_wait3A_236 = tpu.memref_slice %arg3[%dma_wait3A_235] : memref<640000xi32, #tpu.memory_space<hbm>> -> memref<40xi32, #tpu.memory_space<hbm>>
    %dma_wait3A_237 = arith.constant 0 : i32
    %dma_wait3A_238 = tpu.memref_slice %arg3[%dma_wait3A_237] : memref<640000xi32, #tpu.memory_space<hbm>> -> memref<40xi32, #tpu.memory_space<hbm>>
    tpu.wait_dma2 semaphore(%arg31 : memref<!tpu.dma_semaphore, #tpu.memory_space<semaphore_mem>>) src(%dma_wait3A_238 : memref<40xi32, #tpu.memory_space<hbm>>) dst(%arg13 : memref<40xi32, #tpu.memory_space<vmem>>)
    %dma_start3A_239 = arith.constant 0 : i32
    %dma_start3A_240 = arith.constant 0 : i32
    %dma_start3A_241 = tpu.memref_slice %arg2[%dma_start3A_239, %dma_start3A_240] : memref<10000x128xf32, #tpu.memory_space<hbm>> -> memref<10000x128xf32, #tpu.memory_space<hbm>>
    tpu.enqueue_indirect_dma source(%dma_start3A_241 : memref<10000x128xf32, #tpu.memory_space<hbm>>) target(%arg23 : memref<40x128xf32, #tpu.memory_space<vmem>>) offsets(%arg13 : memref<40xi32, #tpu.memory_space<vmem>>) semaphore(%arg36 : memref<!tpu.dma_semaphore, #tpu.memory_space<semaphore_mem>>)
    %dma_wait3A_242 = arith.constant 0 : i32
    %dma_wait3A_243 = tpu.memref_slice %arg3[%dma_wait3A_242] : memref<640000xi32, #tpu.memory_space<hbm>> -> memref<40xi32, #tpu.memory_space<hbm>>
    %dma_wait3A_244 = arith.constant 0 : i32
    %dma_wait3A_245 = tpu.memref_slice %arg3[%dma_wait3A_244] : memref<640000xi32, #tpu.memory_space<hbm>> -> memref<40xi32, #tpu.memory_space<hbm>>
    tpu.wait_dma2 semaphore(%arg32 : memref<!tpu.dma_semaphore, #tpu.memory_space<semaphore_mem>>) src(%dma_wait3A_245 : memref<40xi32, #tpu.memory_space<hbm>>) dst(%arg14 : memref<40xi32, #tpu.memory_space<vmem>>)
    %dma_wait3A_246 = arith.constant 0 : i32
    %dma_wait3A_247 = tpu.memref_slice %arg3[%dma_wait3A_246] : memref<640000xi32, #tpu.memory_space<hbm>> -> memref<40xi32, #tpu.memory_space<hbm>>
    %dma_wait3A_248 = arith.constant 0 : i32
    %dma_wait3A_249 = tpu.memref_slice %arg3[%dma_wait3A_248] : memref<640000xi32, #tpu.memory_space<hbm>> -> memref<40xi32, #tpu.memory_space<hbm>>
    tpu.wait_dma2 semaphore(%arg32 : memref<!tpu.dma_semaphore, #tpu.memory_space<semaphore_mem>>) src(%dma_wait3A_249 : memref<40xi32, #tpu.memory_space<hbm>>) dst(%arg14 : memref<40xi32, #tpu.memory_space<vmem>>)
    %dma_start3A_250 = arith.constant 0 : i32
    %dma_start3A_251 = arith.constant 0 : i32
    %dma_start3A_252 = tpu.memref_slice %arg2[%dma_start3A_250, %dma_start3A_251] : memref<10000x128xf32, #tpu.memory_space<hbm>> -> memref<10000x128xf32, #tpu.memory_space<hbm>>
    tpu.enqueue_indirect_dma source(%dma_start3A_252 : memref<10000x128xf32, #tpu.memory_space<hbm>>) target(%arg24 : memref<40x128xf32, #tpu.memory_space<vmem>>) offsets(%arg14 : memref<40xi32, #tpu.memory_space<vmem>>) semaphore(%arg37 : memref<!tpu.dma_semaphore, #tpu.memory_space<semaphore_mem>>)
    %dma_wait3A_253 = arith.constant 0 : i32
    %dma_wait3A_254 = arith.constant 0 : i32
    %dma_wait3A_255 = tpu.memref_slice %arg2[%dma_wait3A_253, %dma_wait3A_254] : memref<10000x128xf32, #tpu.memory_space<hbm>> -> memref<40x128xf32, #tpu.memory_space<hbm>>
    %dma_wait3A_256 = arith.constant 0 : i32
    %dma_wait3A_257 = arith.constant 0 : i32
    %dma_wait3A_258 = tpu.memref_slice %arg2[%dma_wait3A_256, %dma_wait3A_257] : memref<10000x128xf32, #tpu.memory_space<hbm>> -> memref<40x128xf32, #tpu.memory_space<hbm>>
    tpu.wait_dma2 semaphore(%arg43 : memref<!tpu.dma_semaphore, #tpu.memory_space<semaphore_mem>>) src(%dma_wait3A_258 : memref<40x128xf32, #tpu.memory_space<hbm>>) dst(%arg26 : memref<40x128xf32, #tpu.memory_space<vmem>>)
    %dma_wait3A_259 = arith.constant 0 : i32
    %dma_wait3A_260 = arith.constant 0 : i32
    %dma_wait3A_261 = tpu.memref_slice %arg2[%dma_wait3A_259, %dma_wait3A_260] : memref<10000x128xf32, #tpu.memory_space<hbm>> -> memref<40x128xf32, #tpu.memory_space<hbm>>
    %dma_wait3A_262 = arith.constant 0 : i32
    %dma_wait3A_263 = arith.constant 0 : i32
    %dma_wait3A_264 = tpu.memref_slice %arg2[%dma_wait3A_262, %dma_wait3A_263] : memref<10000x128xf32, #tpu.memory_space<hbm>> -> memref<40x128xf32, #tpu.memory_space<hbm>>
    tpu.wait_dma2 semaphore(%arg43 : memref<!tpu.dma_semaphore, #tpu.memory_space<semaphore_mem>>) src(%dma_wait3A_264 : memref<40x128xf32, #tpu.memory_space<hbm>>) dst(%arg26 : memref<40x128xf32, #tpu.memory_space<vmem>>)
    %dma_wait3A_265 = arith.constant 0 : i32
    %dma_wait3A_266 = arith.constant 0 : i32
    %dma_wait3A_267 = tpu.memref_slice %arg2[%dma_wait3A_265, %dma_wait3A_266] : memref<10000x128xf32, #tpu.memory_space<hbm>> -> memref<40x128xf32, #tpu.memory_space<hbm>>
    %dma_wait3A_268 = arith.constant 0 : i32
    %dma_wait3A_269 = arith.constant 0 : i32
    %dma_wait3A_270 = tpu.memref_slice %arg2[%dma_wait3A_268, %dma_wait3A_269] : memref<10000x128xf32, #tpu.memory_space<hbm>> -> memref<40x128xf32, #tpu.memory_space<hbm>>
    tpu.wait_dma2 semaphore(%arg43 : memref<!tpu.dma_semaphore, #tpu.memory_space<semaphore_mem>>) src(%dma_wait3A_270 : memref<40x128xf32, #tpu.memory_space<hbm>>) dst(%arg26 : memref<40x128xf32, #tpu.memory_space<vmem>>)
    %dma_wait3A_271 = arith.constant 0 : i32
    %dma_wait3A_272 = arith.constant 0 : i32
    %dma_wait3A_273 = tpu.memref_slice %arg2[%dma_wait3A_271, %dma_wait3A_272] : memref<10000x128xf32, #tpu.memory_space<hbm>> -> memref<40x128xf32, #tpu.memory_space<hbm>>
    %dma_wait3A_274 = arith.constant 0 : i32
    %dma_wait3A_275 = arith.constant 0 : i32
    %dma_wait3A_276 = tpu.memref_slice %arg2[%dma_wait3A_274, %dma_wait3A_275] : memref<10000x128xf32, #tpu.memory_space<hbm>> -> memref<40x128xf32, #tpu.memory_space<hbm>>
    tpu.wait_dma2 semaphore(%arg43 : memref<!tpu.dma_semaphore, #tpu.memory_space<semaphore_mem>>) src(%dma_wait3A_276 : memref<40x128xf32, #tpu.memory_space<hbm>>) dst(%arg26 : memref<40x128xf32, #tpu.memory_space<vmem>>)
    %dma_wait3A_277 = arith.constant 0 : i32
    %dma_wait3A_278 = arith.constant 0 : i32
    %dma_wait3A_279 = tpu.memref_slice %arg2[%dma_wait3A_277, %dma_wait3A_278] : memref<10000x128xf32, #tpu.memory_space<hbm>> -> memref<40x128xf32, #tpu.memory_space<hbm>>
    %dma_wait3A_280 = arith.constant 0 : i32
    %dma_wait3A_281 = arith.constant 0 : i32
    %dma_wait3A_282 = tpu.memref_slice %arg2[%dma_wait3A_280, %dma_wait3A_281] : memref<10000x128xf32, #tpu.memory_space<hbm>> -> memref<40x128xf32, #tpu.memory_space<hbm>>
    tpu.wait_dma2 semaphore(%arg43 : memref<!tpu.dma_semaphore, #tpu.memory_space<semaphore_mem>>) src(%dma_wait3A_282 : memref<40x128xf32, #tpu.memory_space<hbm>>) dst(%arg26 : memref<40x128xf32, #tpu.memory_space<vmem>>)
    %dma_wait3A_283 = arith.constant 0 : i32
    %dma_wait3A_284 = arith.constant 0 : i32
    %dma_wait3A_285 = tpu.memref_slice %arg2[%dma_wait3A_283, %dma_wait3A_284] : memref<10000x128xf32, #tpu.memory_space<hbm>> -> memref<40x128xf32, #tpu.memory_space<hbm>>
    %dma_wait3A_286 = arith.constant 0 : i32
    %dma_wait3A_287 = arith.constant 0 : i32
    %dma_wait3A_288 = tpu.memref_slice %arg2[%dma_wait3A_286, %dma_wait3A_287] : memref<10000x128xf32, #tpu.memory_space<hbm>> -> memref<40x128xf32, #tpu.memory_space<hbm>>
    tpu.wait_dma2 semaphore(%arg43 : memref<!tpu.dma_semaphore, #tpu.memory_space<semaphore_mem>>) src(%dma_wait3A_288 : memref<40x128xf32, #tpu.memory_space<hbm>>) dst(%arg26 : memref<40x128xf32, #tpu.memory_space<vmem>>)
    %dma_wait3A_289 = arith.constant 0 : i32
    %dma_wait3A_290 = arith.constant 0 : i32
    %dma_wait3A_291 = tpu.memref_slice %arg2[%dma_wait3A_289, %dma_wait3A_290] : memref<10000x128xf32, #tpu.memory_space<hbm>> -> memref<40x128xf32, #tpu.memory_space<hbm>>
    %dma_wait3A_292 = arith.constant 0 : i32
    %dma_wait3A_293 = arith.constant 0 : i32
    %dma_wait3A_294 = tpu.memref_slice %arg2[%dma_wait3A_292, %dma_wait3A_293] : memref<10000x128xf32, #tpu.memory_space<hbm>> -> memref<40x128xf32, #tpu.memory_space<hbm>>
    tpu.wait_dma2 semaphore(%arg43 : memref<!tpu.dma_semaphore, #tpu.memory_space<semaphore_mem>>) src(%dma_wait3A_294 : memref<40x128xf32, #tpu.memory_space<hbm>>) dst(%arg26 : memref<40x128xf32, #tpu.memory_space<vmem>>)
    %dma_wait3A_295 = arith.constant 0 : i32
    %dma_wait3A_296 = arith.constant 0 : i32
    %dma_wait3A_297 = tpu.memref_slice %arg2[%dma_wait3A_295, %dma_wait3A_296] : memref<10000x128xf32, #tpu.memory_space<hbm>> -> memref<40x128xf32, #tpu.memory_space<hbm>>
    %dma_wait3A_298 = arith.constant 0 : i32
    %dma_wait3A_299 = arith.constant 0 : i32
    %dma_wait3A_300 = tpu.memref_slice %arg2[%dma_wait3A_298, %dma_wait3A_299] : memref<10000x128xf32, #tpu.memory_space<hbm>> -> memref<40x128xf32, #tpu.memory_space<hbm>>
    tpu.wait_dma2 semaphore(%arg43 : memref<!tpu.dma_semaphore, #tpu.memory_space<semaphore_mem>>) src(%dma_wait3A_300 : memref<40x128xf32, #tpu.memory_space<hbm>>) dst(%arg26 : memref<40x128xf32, #tpu.memory_space<vmem>>)
    %dma_wait3A_301 = arith.constant 0 : i32
    %dma_wait3A_302 = arith.constant 0 : i32
    %dma_wait3A_303 = tpu.memref_slice %arg2[%dma_wait3A_301, %dma_wait3A_302] : memref<10000x128xf32, #tpu.memory_space<hbm>> -> memref<40x128xf32, #tpu.memory_space<hbm>>
    %dma_wait3A_304 = arith.constant 0 : i32
    %dma_wait3A_305 = arith.constant 0 : i32
    %dma_wait3A_306 = tpu.memref_slice %arg2[%dma_wait3A_304, %dma_wait3A_305] : memref<10000x128xf32, #tpu.memory_space<hbm>> -> memref<40x128xf32, #tpu.memory_space<hbm>>
    tpu.wait_dma2 semaphore(%arg43 : memref<!tpu.dma_semaphore, #tpu.memory_space<semaphore_mem>>) src(%dma_wait3A_306 : memref<40x128xf32, #tpu.memory_space<hbm>>) dst(%arg26 : memref<40x128xf32, #tpu.memory_space<vmem>>)
    %dma_wait3A_307 = arith.constant 0 : i32
    %dma_wait3A_308 = arith.constant 0 : i32
    %dma_wait3A_309 = tpu.memref_slice %arg2[%dma_wait3A_307, %dma_wait3A_308] : memref<10000x128xf32, #tpu.memory_space<hbm>> -> memref<40x128xf32, #tpu.memory_space<hbm>>
    %dma_wait3A_310 = arith.constant 0 : i32
    %dma_wait3A_311 = arith.constant 0 : i32
    %dma_wait3A_312 = tpu.memref_slice %arg2[%dma_wait3A_310, %dma_wait3A_311] : memref<10000x128xf32, #tpu.memory_space<hbm>> -> memref<40x128xf32, #tpu.memory_space<hbm>>
    tpu.wait_dma2 semaphore(%arg43 : memref<!tpu.dma_semaphore, #tpu.memory_space<semaphore_mem>>) src(%dma_wait3A_312 : memref<40x128xf32, #tpu.memory_space<hbm>>) dst(%arg26 : memref<40x128xf32, #tpu.memory_space<vmem>>)
    %dma_wait3A_313 = arith.constant 0 : i32
    %dma_wait3A_314 = arith.constant 0 : i32
    %dma_wait3A_315 = tpu.memref_slice %arg2[%dma_wait3A_313, %dma_wait3A_314] : memref<10000x128xf32, #tpu.memory_space<hbm>> -> memref<40x128xf32, #tpu.memory_space<hbm>>
    %dma_wait3A_316 = arith.constant 0 : i32
    %dma_wait3A_317 = arith.constant 0 : i32
    %dma_wait3A_318 = tpu.memref_slice %arg2[%dma_wait3A_316, %dma_wait3A_317] : memref<10000x128xf32, #tpu.memory_space<hbm>> -> memref<40x128xf32, #tpu.memory_space<hbm>>
    tpu.wait_dma2 semaphore(%arg43 : memref<!tpu.dma_semaphore, #tpu.memory_space<semaphore_mem>>) src(%dma_wait3A_318 : memref<40x128xf32, #tpu.memory_space<hbm>>) dst(%arg26 : memref<40x128xf32, #tpu.memory_space<vmem>>)
    %dma_wait3A_319 = arith.constant 0 : i32
    %dma_wait3A_320 = arith.constant 0 : i32
    %dma_wait3A_321 = tpu.memref_slice %arg2[%dma_wait3A_319, %dma_wait3A_320] : memref<10000x128xf32, #tpu.memory_space<hbm>> -> memref<40x128xf32, #tpu.memory_space<hbm>>
    %dma_wait3A_322 = arith.constant 0 : i32
    %dma_wait3A_323 = arith.constant 0 : i32
    %dma_wait3A_324 = tpu.memref_slice %arg2[%dma_wait3A_322, %dma_wait3A_323] : memref<10000x128xf32, #tpu.memory_space<hbm>> -> memref<40x128xf32, #tpu.memory_space<hbm>>
    tpu.wait_dma2 semaphore(%arg43 : memref<!tpu.dma_semaphore, #tpu.memory_space<semaphore_mem>>) src(%dma_wait3A_324 : memref<40x128xf32, #tpu.memory_space<hbm>>) dst(%arg26 : memref<40x128xf32, #tpu.memory_space<vmem>>)
    %dma_wait3A_325 = arith.constant 0 : i32
    %dma_wait3A_326 = arith.constant 0 : i32
    %dma_wait3A_327 = tpu.memref_slice %arg2[%dma_wait3A_325, %dma_wait3A_326] : memref<10000x128xf32, #tpu.memory_space<hbm>> -> memref<40x128xf32, #tpu.memory_space<hbm>>
    %dma_wait3A_328 = arith.constant 0 : i32
    %dma_wait3A_329 = arith.constant 0 : i32
    %dma_wait3A_330 = tpu.memref_slice %arg2[%dma_wait3A_328, %dma_wait3A_329] : memref<10000x128xf32, #tpu.memory_space<hbm>> -> memref<40x128xf32, #tpu.memory_space<hbm>>
    tpu.wait_dma2 semaphore(%arg43 : memref<!tpu.dma_semaphore, #tpu.memory_space<semaphore_mem>>) src(%dma_wait3A_330 : memref<40x128xf32, #tpu.memory_space<hbm>>) dst(%arg26 : memref<40x128xf32, #tpu.memory_space<vmem>>)
    %dma_wait3A_331 = arith.constant 0 : i32
    %dma_wait3A_332 = arith.constant 0 : i32
    %dma_wait3A_333 = tpu.memref_slice %arg2[%dma_wait3A_331, %dma_wait3A_332] : memref<10000x128xf32, #tpu.memory_space<hbm>> -> memref<40x128xf32, #tpu.memory_space<hbm>>
    %dma_wait3A_334 = arith.constant 0 : i32
    %dma_wait3A_335 = arith.constant 0 : i32
    %dma_wait3A_336 = tpu.memref_slice %arg2[%dma_wait3A_334, %dma_wait3A_335] : memref<10000x128xf32, #tpu.memory_space<hbm>> -> memref<40x128xf32, #tpu.memory_space<hbm>>
    tpu.wait_dma2 semaphore(%arg43 : memref<!tpu.dma_semaphore, #tpu.memory_space<semaphore_mem>>) src(%dma_wait3A_336 : memref<40x128xf32, #tpu.memory_space<hbm>>) dst(%arg26 : memref<40x128xf32, #tpu.memory_space<vmem>>)
    %dma_wait3A_337 = arith.constant 0 : i32
    %dma_wait3A_338 = arith.constant 0 : i32
    %dma_wait3A_339 = tpu.memref_slice %arg2[%dma_wait3A_337, %dma_wait3A_338] : memref<10000x128xf32, #tpu.memory_space<hbm>> -> memref<40x128xf32, #tpu.memory_space<hbm>>
    %dma_wait3A_340 = arith.constant 0 : i32
    %dma_wait3A_341 = arith.constant 0 : i32
    %dma_wait3A_342 = tpu.memref_slice %arg2[%dma_wait3A_340, %dma_wait3A_341] : memref<10000x128xf32, #tpu.memory_space<hbm>> -> memref<40x128xf32, #tpu.memory_space<hbm>>
    tpu.wait_dma2 semaphore(%arg43 : memref<!tpu.dma_semaphore, #tpu.memory_space<semaphore_mem>>) src(%dma_wait3A_342 : memref<40x128xf32, #tpu.memory_space<hbm>>) dst(%arg26 : memref<40x128xf32, #tpu.memory_space<vmem>>)
    %dma_wait3A_343 = arith.constant 0 : i32
    %dma_wait3A_344 = arith.constant 0 : i32
    %dma_wait3A_345 = tpu.memref_slice %arg2[%dma_wait3A_343, %dma_wait3A_344] : memref<10000x128xf32, #tpu.memory_space<hbm>> -> memref<40x128xf32, #tpu.memory_space<hbm>>
    %dma_wait3A_346 = arith.constant 0 : i32
    %dma_wait3A_347 = arith.constant 0 : i32
    %dma_wait3A_348 = tpu.memref_slice %arg2[%dma_wait3A_346, %dma_wait3A_347] : memref<10000x128xf32, #tpu.memory_space<hbm>> -> memref<40x128xf32, #tpu.memory_space<hbm>>
    tpu.wait_dma2 semaphore(%arg43 : memref<!tpu.dma_semaphore, #tpu.memory_space<semaphore_mem>>) src(%dma_wait3A_348 : memref<40x128xf32, #tpu.memory_space<hbm>>) dst(%arg26 : memref<40x128xf32, #tpu.memory_space<vmem>>)
    %lt3A_349 = arith.constant 10 : i32
    %lt3A_350 = arith.cmpi slt, %arg1, %lt3A_349 : i32
    %convert_element_type3A_351 = arith.extui %lt3A_350 : i1 to i32
    %cond3A_352 = arith.constant 0 : i32
    %cond3A_353 = arith.cmpi ne, %convert_element_type3A_351, %cond3A_352 : i32
    scf.if %cond3A_353 {
      %dma_wait3A_480 = arith.constant 0 : i32
      %dma_wait3A_481 = tpu.memref_slice %arg5[%dma_wait3A_480] : memref<20480xf32, #tpu.memory_space<hbm>> -> memref<1024xf32, #tpu.memory_space<hbm>>
      %dma_wait3A_482 = arith.constant 0 : i32
      %dma_wait3A_483 = tpu.memref_slice %arg5[%dma_wait3A_482] : memref<20480xf32, #tpu.memory_space<hbm>> -> memref<1024xf32, #tpu.memory_space<hbm>>
      tpu.wait_dma2 semaphore(%arg43 : memref<!tpu.dma_semaphore, #tpu.memory_space<semaphore_mem>>) src(%dma_wait3A_483 : memref<1024xf32, #tpu.memory_space<hbm>>) dst(%arg27 : memref<1024xf32, #tpu.memory_space<vmem>>)
      %dma_wait3A_484 = arith.constant 0 : i32
      %dma_wait3A_485 = tpu.memref_slice %arg5[%dma_wait3A_484] : memref<20480xf32, #tpu.memory_space<hbm>> -> memref<1024xf32, #tpu.memory_space<hbm>>
      %dma_wait3A_486 = arith.constant 0 : i32
      %dma_wait3A_487 = tpu.memref_slice %arg5[%dma_wait3A_486] : memref<20480xf32, #tpu.memory_space<hbm>> -> memref<1024xf32, #tpu.memory_space<hbm>>
      tpu.wait_dma2 semaphore(%arg43 : memref<!tpu.dma_semaphore, #tpu.memory_space<semaphore_mem>>) src(%dma_wait3A_487 : memref<1024xf32, #tpu.memory_space<hbm>>) dst(%arg27 : memref<1024xf32, #tpu.memory_space<vmem>>)
    } else {
    }
    %barrier3A = arith.constant 0 : index
    tpu.barrier barrier_id(%barrier3A)
    %scan3A_354 = arith.constant 0 : i32
    %scan3A_355 = arith.constant 0 : i32
    %scan3A_356 = arith.constant 50 : i32
    %scan3A_357 = arith.addi %scan3A_355, %scan3A_356 : i32
    %scan3A_358 = arith.constant 1 : i32
    scf.for %scan3A_480 = %scan3A_355 to %scan3A_357 step %scan3A_358  : i32 {
      %dma_wait3A_481 = arith.constant 0 : i32
      %dma_wait3A_482 = arith.constant 0 : i32
      %dma_wait3A_483 = tpu.memref_slice %arg2[%dma_wait3A_481, %dma_wait3A_482] : memref<10000x128xf32, #tpu.memory_space<hbm>> -> memref<40x128xf32, #tpu.memory_space<hbm>>
      %dma_wait3A_484 = arith.constant 0 : i32
      %dma_wait3A_485 = arith.constant 0 : i32
      %dma_wait3A_486 = tpu.memref_slice %arg2[%dma_wait3A_484, %dma_wait3A_485] : memref<10000x128xf32, #tpu.memory_space<hbm>> -> memref<40x128xf32, #tpu.memory_space<hbm>>
      tpu.wait_dma2 semaphore(%arg33 : memref<!tpu.dma_semaphore, #tpu.memory_space<semaphore_mem>>) src(%dma_wait3A_486 : memref<40x128xf32, #tpu.memory_space<hbm>>) dst(%arg20 : memref<40x128xf32, #tpu.memory_space<vmem>>)
      %dma_start3A_487 = arith.constant 0 : i32
      %dma_start3A_488 = tpu.memref_slice %arg25[%dma_start3A_487] : memref<48xf32, #tpu.memory_space<vmem>> -> memref<40xf32, #tpu.memory_space<vmem>>
      %dma_start3A_489 = arith.constant 0 : i32
      %dma_start3A_490 = tpu.memref_slice %arg8[%dma_start3A_489] : memref<10240xf32, #tpu.memory_space<vmem_shared>> -> memref<10240xf32, #tpu.memory_space<vmem_shared>>
      tpu.enqueue_indirect_dma source(%dma_start3A_488 : memref<40xf32, #tpu.memory_space<vmem>>) target(%dma_start3A_490 : memref<10240xf32, #tpu.memory_space<vmem_shared>>) offsets(%arg15 : memref<40xi32, #tpu.memory_space<vmem>>) semaphore(%arg38 : memref<!tpu.dma_semaphore, #tpu.memory_space<semaphore_mem>>) {add = true}
      %dma_start3A_491 = arith.constant 0 : i32
      %dma_start3A_492 = tpu.memref_slice %arg25[%dma_start3A_491] : memref<48xf32, #tpu.memory_space<vmem>> -> memref<40xf32, #tpu.memory_space<vmem>>
      %dma_start3A_493 = arith.constant 0 : i32
      %dma_start3A_494 = tpu.memref_slice %arg9[%dma_start3A_493] : memref<10240xf32, #tpu.memory_space<vmem_shared>> -> memref<10240xf32, #tpu.memory_space<vmem_shared>>
      tpu.enqueue_indirect_dma source(%dma_start3A_492 : memref<40xf32, #tpu.memory_space<vmem>>) target(%dma_start3A_494 : memref<10240xf32, #tpu.memory_space<vmem_shared>>) offsets(%arg10 : memref<40xi32, #tpu.memory_space<vmem>>) semaphore(%arg38 : memref<!tpu.dma_semaphore, #tpu.memory_space<semaphore_mem>>) {add = true}
      %dma_start3A_495 = arith.constant 0 : i32
      %dma_start3A_496 = arith.constant 0 : i32
      %dma_start3A_497 = tpu.memref_slice %arg7[%dma_start3A_495, %dma_start3A_496] : memref<10240x128xf32, #tpu.memory_space<vmem_shared>> -> memref<10240x128xf32, #tpu.memory_space<vmem_shared>>
      tpu.enqueue_indirect_dma source(%arg20 : memref<40x128xf32, #tpu.memory_space<vmem>>) target(%dma_start3A_497 : memref<10240x128xf32, #tpu.memory_space<vmem_shared>>) offsets(%arg15 : memref<40xi32, #tpu.memory_space<vmem>>) semaphore(%arg38 : memref<!tpu.dma_semaphore, #tpu.memory_space<semaphore_mem>>) {add = true}
      %dma_wait3A_498 = arith.constant 0 : i32
      %dma_wait3A_499 = arith.constant 0 : i32
      %dma_wait3A_500 = tpu.memref_slice %arg2[%dma_wait3A_498, %dma_wait3A_499] : memref<10000x128xf32, #tpu.memory_space<hbm>> -> memref<40x128xf32, #tpu.memory_space<hbm>>
      %dma_wait3A_501 = arith.constant 0 : i32
      %dma_wait3A_502 = arith.constant 0 : i32
      %dma_wait3A_503 = tpu.memref_slice %arg2[%dma_wait3A_501, %dma_wait3A_502] : memref<10000x128xf32, #tpu.memory_space<hbm>> -> memref<40x128xf32, #tpu.memory_space<hbm>>
      tpu.wait_dma2 semaphore(%arg34 : memref<!tpu.dma_semaphore, #tpu.memory_space<semaphore_mem>>) src(%dma_wait3A_503 : memref<40x128xf32, #tpu.memory_space<hbm>>) dst(%arg21 : memref<40x128xf32, #tpu.memory_space<vmem>>)
      %dma_start3A_504 = arith.constant 0 : i32
      %dma_start3A_505 = tpu.memref_slice %arg25[%dma_start3A_504] : memref<48xf32, #tpu.memory_space<vmem>> -> memref<40xf32, #tpu.memory_space<vmem>>
      %dma_start3A_506 = arith.constant 0 : i32
      %dma_start3A_507 = tpu.memref_slice %arg8[%dma_start3A_506] : memref<10240xf32, #tpu.memory_space<vmem_shared>> -> memref<10240xf32, #tpu.memory_space<vmem_shared>>
      tpu.enqueue_indirect_dma source(%dma_start3A_505 : memref<40xf32, #tpu.memory_space<vmem>>) target(%dma_start3A_507 : memref<10240xf32, #tpu.memory_space<vmem_shared>>) offsets(%arg16 : memref<40xi32, #tpu.memory_space<vmem>>) semaphore(%arg39 : memref<!tpu.dma_semaphore, #tpu.memory_space<semaphore_mem>>) {add = true}
      %dma_start3A_508 = arith.constant 0 : i32
      %dma_start3A_509 = tpu.memref_slice %arg25[%dma_start3A_508] : memref<48xf32, #tpu.memory_space<vmem>> -> memref<40xf32, #tpu.memory_space<vmem>>
      %dma_start3A_510 = arith.constant 0 : i32
      %dma_start3A_511 = tpu.memref_slice %arg9[%dma_start3A_510] : memref<10240xf32, #tpu.memory_space<vmem_shared>> -> memref<10240xf32, #tpu.memory_space<vmem_shared>>
      tpu.enqueue_indirect_dma source(%dma_start3A_509 : memref<40xf32, #tpu.memory_space<vmem>>) target(%dma_start3A_511 : memref<10240xf32, #tpu.memory_space<vmem_shared>>) offsets(%arg11 : memref<40xi32, #tpu.memory_space<vmem>>) semaphore(%arg39 : memref<!tpu.dma_semaphore, #tpu.memory_space<semaphore_mem>>) {add = true}
      %dma_start3A_512 = arith.constant 0 : i32
      %dma_start3A_513 = arith.constant 0 : i32
      %dma_start3A_514 = tpu.memref_slice %arg7[%dma_start3A_512, %dma_start3A_513] : memref<10240x128xf32, #tpu.memory_space<vmem_shared>> -> memref<10240x128xf32, #tpu.memory_space<vmem_shared>>
      tpu.enqueue_indirect_dma source(%arg21 : memref<40x128xf32, #tpu.memory_space<vmem>>) target(%dma_start3A_514 : memref<10240x128xf32, #tpu.memory_space<vmem_shared>>) offsets(%arg16 : memref<40xi32, #tpu.memory_space<vmem>>) semaphore(%arg39 : memref<!tpu.dma_semaphore, #tpu.memory_space<semaphore_mem>>) {add = true}
      %dma_wait3A_515 = arith.constant 0 : i32
      %dma_wait3A_516 = arith.constant 0 : i32
      %dma_wait3A_517 = tpu.memref_slice %arg2[%dma_wait3A_515, %dma_wait3A_516] : memref<10000x128xf32, #tpu.memory_space<hbm>> -> memref<40x128xf32, #tpu.memory_space<hbm>>
      %dma_wait3A_518 = arith.constant 0 : i32
      %dma_wait3A_519 = arith.constant 0 : i32
      %dma_wait3A_520 = tpu.memref_slice %arg2[%dma_wait3A_518, %dma_wait3A_519] : memref<10000x128xf32, #tpu.memory_space<hbm>> -> memref<40x128xf32, #tpu.memory_space<hbm>>
      tpu.wait_dma2 semaphore(%arg35 : memref<!tpu.dma_semaphore, #tpu.memory_space<semaphore_mem>>) src(%dma_wait3A_520 : memref<40x128xf32, #tpu.memory_space<hbm>>) dst(%arg22 : memref<40x128xf32, #tpu.memory_space<vmem>>)
      %dma_start3A_521 = arith.constant 0 : i32
      %dma_start3A_522 = tpu.memref_slice %arg25[%dma_start3A_521] : memref<48xf32, #tpu.memory_space<vmem>> -> memref<40xf32, #tpu.memory_space<vmem>>
      %dma_start3A_523 = arith.constant 0 : i32
      %dma_start3A_524 = tpu.memref_slice %arg8[%dma_start3A_523] : memref<10240xf32, #tpu.memory_space<vmem_shared>> -> memref<10240xf32, #tpu.memory_space<vmem_shared>>
      tpu.enqueue_indirect_dma source(%dma_start3A_522 : memref<40xf32, #tpu.memory_space<vmem>>) target(%dma_start3A_524 : memref<10240xf32, #tpu.memory_space<vmem_shared>>) offsets(%arg17 : memref<40xi32, #tpu.memory_space<vmem>>) semaphore(%arg40 : memref<!tpu.dma_semaphore, #tpu.memory_space<semaphore_mem>>) {add = true}
      %dma_start3A_525 = arith.constant 0 : i32
      %dma_start3A_526 = tpu.memref_slice %arg25[%dma_start3A_525] : memref<48xf32, #tpu.memory_space<vmem>> -> memref<40xf32, #tpu.memory_space<vmem>>
      %dma_start3A_527 = arith.constant 0 : i32
      %dma_start3A_528 = tpu.memref_slice %arg9[%dma_start3A_527] : memref<10240xf32, #tpu.memory_space<vmem_shared>> -> memref<10240xf32, #tpu.memory_space<vmem_shared>>
      tpu.enqueue_indirect_dma source(%dma_start3A_526 : memref<40xf32, #tpu.memory_space<vmem>>) target(%dma_start3A_528 : memref<10240xf32, #tpu.memory_space<vmem_shared>>) offsets(%arg12 : memref<40xi32, #tpu.memory_space<vmem>>) semaphore(%arg40 : memref<!tpu.dma_semaphore, #tpu.memory_space<semaphore_mem>>) {add = true}
      %dma_start3A_529 = arith.constant 0 : i32
      %dma_start3A_530 = arith.constant 0 : i32
      %dma_start3A_531 = tpu.memref_slice %arg7[%dma_start3A_529, %dma_start3A_530] : memref<10240x128xf32, #tpu.memory_space<vmem_shared>> -> memref<10240x128xf32, #tpu.memory_space<vmem_shared>>
      tpu.enqueue_indirect_dma source(%arg22 : memref<40x128xf32, #tpu.memory_space<vmem>>) target(%dma_start3A_531 : memref<10240x128xf32, #tpu.memory_space<vmem_shared>>) offsets(%arg17 : memref<40xi32, #tpu.memory_space<vmem>>) semaphore(%arg40 : memref<!tpu.dma_semaphore, #tpu.memory_space<semaphore_mem>>) {add = true}
      %dma_wait3A_532 = arith.constant 0 : i32
      %dma_wait3A_533 = arith.constant 0 : i32
      %dma_wait3A_534 = tpu.memref_slice %arg2[%dma_wait3A_532, %dma_wait3A_533] : memref<10000x128xf32, #tpu.memory_space<hbm>> -> memref<40x128xf32, #tpu.memory_space<hbm>>
      %dma_wait3A_535 = arith.constant 0 : i32
      %dma_wait3A_536 = arith.constant 0 : i32
      %dma_wait3A_537 = tpu.memref_slice %arg2[%dma_wait3A_535, %dma_wait3A_536] : memref<10000x128xf32, #tpu.memory_space<hbm>> -> memref<40x128xf32, #tpu.memory_space<hbm>>
      tpu.wait_dma2 semaphore(%arg36 : memref<!tpu.dma_semaphore, #tpu.memory_space<semaphore_mem>>) src(%dma_wait3A_537 : memref<40x128xf32, #tpu.memory_space<hbm>>) dst(%arg23 : memref<40x128xf32, #tpu.memory_space<vmem>>)
      %dma_start3A_538 = arith.constant 0 : i32
      %dma_start3A_539 = tpu.memref_slice %arg25[%dma_start3A_538] : memref<48xf32, #tpu.memory_space<vmem>> -> memref<40xf32, #tpu.memory_space<vmem>>
      %dma_start3A_540 = arith.constant 0 : i32
      %dma_start3A_541 = tpu.memref_slice %arg8[%dma_start3A_540] : memref<10240xf32, #tpu.memory_space<vmem_shared>> -> memref<10240xf32, #tpu.memory_space<vmem_shared>>
      tpu.enqueue_indirect_dma source(%dma_start3A_539 : memref<40xf32, #tpu.memory_space<vmem>>) target(%dma_start3A_541 : memref<10240xf32, #tpu.memory_space<vmem_shared>>) offsets(%arg18 : memref<40xi32, #tpu.memory_space<vmem>>) semaphore(%arg41 : memref<!tpu.dma_semaphore, #tpu.memory_space<semaphore_mem>>) {add = true}
      %dma_start3A_542 = arith.constant 0 : i32
      %dma_start3A_543 = tpu.memref_slice %arg25[%dma_start3A_542] : memref<48xf32, #tpu.memory_space<vmem>> -> memref<40xf32, #tpu.memory_space<vmem>>
      %dma_start3A_544 = arith.constant 0 : i32
      %dma_start3A_545 = tpu.memref_slice %arg9[%dma_start3A_544] : memref<10240xf32, #tpu.memory_space<vmem_shared>> -> memref<10240xf32, #tpu.memory_space<vmem_shared>>
      tpu.enqueue_indirect_dma source(%dma_start3A_543 : memref<40xf32, #tpu.memory_space<vmem>>) target(%dma_start3A_545 : memref<10240xf32, #tpu.memory_space<vmem_shared>>) offsets(%arg13 : memref<40xi32, #tpu.memory_space<vmem>>) semaphore(%arg41 : memref<!tpu.dma_semaphore, #tpu.memory_space<semaphore_mem>>) {add = true}
      %dma_start3A_546 = arith.constant 0 : i32
      %dma_start3A_547 = arith.constant 0 : i32
      %dma_start3A_548 = tpu.memref_slice %arg7[%dma_start3A_546, %dma_start3A_547] : memref<10240x128xf32, #tpu.memory_space<vmem_shared>> -> memref<10240x128xf32, #tpu.memory_space<vmem_shared>>
      tpu.enqueue_indirect_dma source(%arg23 : memref<40x128xf32, #tpu.memory_space<vmem>>) target(%dma_start3A_548 : memref<10240x128xf32, #tpu.memory_space<vmem_shared>>) offsets(%arg18 : memref<40xi32, #tpu.memory_space<vmem>>) semaphore(%arg41 : memref<!tpu.dma_semaphore, #tpu.memory_space<semaphore_mem>>) {add = true}
      %dma_wait3A_549 = arith.constant 0 : i32
      %dma_wait3A_550 = arith.constant 0 : i32
      %dma_wait3A_551 = tpu.memref_slice %arg2[%dma_wait3A_549, %dma_wait3A_550] : memref<10000x128xf32, #tpu.memory_space<hbm>> -> memref<40x128xf32, #tpu.memory_space<hbm>>
      %dma_wait3A_552 = arith.constant 0 : i32
      %dma_wait3A_553 = arith.constant 0 : i32
      %dma_wait3A_554 = tpu.memref_slice %arg2[%dma_wait3A_552, %dma_wait3A_553] : memref<10000x128xf32, #tpu.memory_space<hbm>> -> memref<40x128xf32, #tpu.memory_space<hbm>>
      tpu.wait_dma2 semaphore(%arg37 : memref<!tpu.dma_semaphore, #tpu.memory_space<semaphore_mem>>) src(%dma_wait3A_554 : memref<40x128xf32, #tpu.memory_space<hbm>>) dst(%arg24 : memref<40x128xf32, #tpu.memory_space<vmem>>)
      %dma_start3A_555 = arith.constant 0 : i32
      %dma_start3A_556 = tpu.memref_slice %arg25[%dma_start3A_555] : memref<48xf32, #tpu.memory_space<vmem>> -> memref<40xf32, #tpu.memory_space<vmem>>
      %dma_start3A_557 = arith.constant 0 : i32
      %dma_start3A_558 = tpu.memref_slice %arg8[%dma_start3A_557] : memref<10240xf32, #tpu.memory_space<vmem_shared>> -> memref<10240xf32, #tpu.memory_space<vmem_shared>>
      tpu.enqueue_indirect_dma source(%dma_start3A_556 : memref<40xf32, #tpu.memory_space<vmem>>) target(%dma_start3A_558 : memref<10240xf32, #tpu.memory_space<vmem_shared>>) offsets(%arg19 : memref<40xi32, #tpu.memory_space<vmem>>) semaphore(%arg42 : memref<!tpu.dma_semaphore, #tpu.memory_space<semaphore_mem>>) {add = true}
      %dma_start3A_559 = arith.constant 0 : i32
      %dma_start3A_560 = tpu.memref_slice %arg25[%dma_start3A_559] : memref<48xf32, #tpu.memory_space<vmem>> -> memref<40xf32, #tpu.memory_space<vmem>>
      %dma_start3A_561 = arith.constant 0 : i32
      %dma_start3A_562 = tpu.memref_slice %arg9[%dma_start3A_561] : memref<10240xf32, #tpu.memory_space<vmem_shared>> -> memref<10240xf32, #tpu.memory_space<vmem_shared>>
      tpu.enqueue_indirect_dma source(%dma_start3A_560 : memref<40xf32, #tpu.memory_space<vmem>>) target(%dma_start3A_562 : memref<10240xf32, #tpu.memory_space<vmem_shared>>) offsets(%arg14 : memref<40xi32, #tpu.memory_space<vmem>>) semaphore(%arg42 : memref<!tpu.dma_semaphore, #tpu.memory_space<semaphore_mem>>) {add = true}
      %dma_start3A_563 = arith.constant 0 : i32
      %dma_start3A_564 = arith.constant 0 : i32
      %dma_start3A_565 = tpu.memref_slice %arg7[%dma_start3A_563, %dma_start3A_564] : memref<10240x128xf32, #tpu.memory_space<vmem_shared>> -> memref<10240x128xf32, #tpu.memory_space<vmem_shared>>
      tpu.enqueue_indirect_dma source(%arg24 : memref<40x128xf32, #tpu.memory_space<vmem>>) target(%dma_start3A_565 : memref<10240x128xf32, #tpu.memory_space<vmem_shared>>) offsets(%arg19 : memref<40xi32, #tpu.memory_space<vmem>>) semaphore(%arg42 : memref<!tpu.dma_semaphore, #tpu.memory_space<semaphore_mem>>) {add = true}
      %lt3A_566 = arith.constant 49 : i32
      %lt3A_567 = arith.cmpi slt, %scan3A_480, %lt3A_566 : i32
      %convert_element_type3A_568 = arith.extui %lt3A_567 : i1 to i32
      %cond3A_569 = arith.constant 0 : i32
      %cond3A_570 = arith.cmpi ne, %convert_element_type3A_568, %cond3A_569 : i32
      scf.if %cond3A_570 {
        %dma_wait3A_571 = arith.constant 0 : i32
        %dma_wait3A_572 = tpu.memref_slice %arg25[%dma_wait3A_571] : memref<48xf32, #tpu.memory_space<vmem>> -> memref<40xf32, #tpu.memory_space<vmem>>
        %dma_wait3A_573 = arith.constant 0 : i32
        %dma_wait3A_574 = tpu.memref_slice %arg5[%dma_wait3A_573] : memref<20480xf32, #tpu.memory_space<hbm>> -> memref<40xf32, #tpu.memory_space<hbm>>
        %dma_wait3A_575 = arith.constant 0 : i32
        %dma_wait3A_576 = tpu.memref_slice %arg25[%dma_wait3A_575] : memref<48xf32, #tpu.memory_space<vmem>> -> memref<40xf32, #tpu.memory_space<vmem>>
        %dma_wait3A_577 = arith.constant 0 : i32
        %dma_wait3A_578 = tpu.memref_slice %arg5[%dma_wait3A_577] : memref<20480xf32, #tpu.memory_space<hbm>> -> memref<40xf32, #tpu.memory_space<hbm>>
        tpu.wait_dma2 semaphore(%arg38 : memref<!tpu.dma_semaphore, #tpu.memory_space<semaphore_mem>>) src(%dma_wait3A_578 : memref<40xf32, #tpu.memory_space<hbm>>) dst(%dma_wait3A_576 : memref<40xf32, #tpu.memory_space<vmem>>)
        %dma_wait3A_579 = arith.constant 0 : i32
        %dma_wait3A_580 = tpu.memref_slice %arg25[%dma_wait3A_579] : memref<48xf32, #tpu.memory_space<vmem>> -> memref<40xf32, #tpu.memory_space<vmem>>
        %dma_wait3A_581 = arith.constant 0 : i32
        %dma_wait3A_582 = tpu.memref_slice %arg5[%dma_wait3A_581] : memref<20480xf32, #tpu.memory_space<hbm>> -> memref<40xf32, #tpu.memory_space<hbm>>
        %dma_wait3A_583 = arith.constant 0 : i32
        %dma_wait3A_584 = tpu.memref_slice %arg25[%dma_wait3A_583] : memref<48xf32, #tpu.memory_space<vmem>> -> memref<40xf32, #tpu.memory_space<vmem>>
        %dma_wait3A_585 = arith.constant 0 : i32
        %dma_wait3A_586 = tpu.memref_slice %arg5[%dma_wait3A_585] : memref<20480xf32, #tpu.memory_space<hbm>> -> memref<40xf32, #tpu.memory_space<hbm>>
        tpu.wait_dma2 semaphore(%arg38 : memref<!tpu.dma_semaphore, #tpu.memory_space<semaphore_mem>>) src(%dma_wait3A_586 : memref<40xf32, #tpu.memory_space<hbm>>) dst(%dma_wait3A_584 : memref<40xf32, #tpu.memory_space<vmem>>)
        %dma_wait3A_587 = arith.constant 0 : i32
        %dma_wait3A_588 = arith.constant 0 : i32
        %dma_wait3A_589 = tpu.memref_slice %arg2[%dma_wait3A_587, %dma_wait3A_588] : memref<10000x128xf32, #tpu.memory_space<hbm>> -> memref<40x128xf32, #tpu.memory_space<hbm>>
        %dma_wait3A_590 = arith.constant 0 : i32
        %dma_wait3A_591 = arith.constant 0 : i32
        %dma_wait3A_592 = tpu.memref_slice %arg2[%dma_wait3A_590, %dma_wait3A_591] : memref<10000x128xf32, #tpu.memory_space<hbm>> -> memref<40x128xf32, #tpu.memory_space<hbm>>
        tpu.wait_dma2 semaphore(%arg38 : memref<!tpu.dma_semaphore, #tpu.memory_space<semaphore_mem>>) src(%dma_wait3A_592 : memref<40x128xf32, #tpu.memory_space<hbm>>) dst(%arg20 : memref<40x128xf32, #tpu.memory_space<vmem>>)
        %add3A_593 = arith.constant 1 : i32
        %add3A_594 = arith.addi %scan3A_480, %add3A_593 : i32
        %mul3A_595 = arith.constant 5 : i32
        %mul3A_596 = arith.muli %add3A_594, %mul3A_595 : i32
        %add3A_597 = arith.constant 0 : i32
        %add3A_598 = arith.addi %mul3A_596, %add3A_597 : i32
        %mul3A_599 = arith.constant 40 : i32
        %mul3A_600 = arith.muli %add3A_598, %mul3A_599 : i32
        %add3A_601 = arith.addi %mul3A_2, %mul3A_600 : i32
        %dma_start3A_602 = tpu.memref_slice %arg3[%add3A_601] : memref<640000xi32, #tpu.memory_space<hbm>> -> memref<40xi32, #tpu.memory_space<hbm>>
        %dma_start3A_603 = tpu.memref_slice %arg3[%add3A_601] : memref<640000xi32, #tpu.memory_space<hbm>> -> memref<40xi32, #tpu.memory_space<hbm>>
        tpu.enqueue_dma source(%dma_start3A_603 : memref<40xi32, #tpu.memory_space<hbm>>) target(%arg10 : memref<40xi32, #tpu.memory_space<vmem>>) target_semaphore(%arg28 : memref<!tpu.dma_semaphore, #tpu.memory_space<semaphore_mem>>)
        %add3A_604 = arith.constant 320000 : i32
        %add3A_605 = arith.addi %add3A_604, %add3A_601 : i32
        %dma_start3A_606 = tpu.memref_slice %arg3[%add3A_605] : memref<640000xi32, #tpu.memory_space<hbm>> -> memref<40xi32, #tpu.memory_space<hbm>>
        %dma_start3A_607 = tpu.memref_slice %arg3[%add3A_605] : memref<640000xi32, #tpu.memory_space<hbm>> -> memref<40xi32, #tpu.memory_space<hbm>>
        tpu.enqueue_dma source(%dma_start3A_607 : memref<40xi32, #tpu.memory_space<hbm>>) target(%arg15 : memref<40xi32, #tpu.memory_space<vmem>>) target_semaphore(%arg28 : memref<!tpu.dma_semaphore, #tpu.memory_space<semaphore_mem>>)
        %dma_wait3A_608 = arith.constant 0 : i32
        %dma_wait3A_609 = tpu.memref_slice %arg25[%dma_wait3A_608] : memref<48xf32, #tpu.memory_space<vmem>> -> memref<40xf32, #tpu.memory_space<vmem>>
        %dma_wait3A_610 = arith.constant 0 : i32
        %dma_wait3A_611 = tpu.memref_slice %arg5[%dma_wait3A_610] : memref<20480xf32, #tpu.memory_space<hbm>> -> memref<40xf32, #tpu.memory_space<hbm>>
        %dma_wait3A_612 = arith.constant 0 : i32
        %dma_wait3A_613 = tpu.memref_slice %arg25[%dma_wait3A_612] : memref<48xf32, #tpu.memory_space<vmem>> -> memref<40xf32, #tpu.memory_space<vmem>>
        %dma_wait3A_614 = arith.constant 0 : i32
        %dma_wait3A_615 = tpu.memref_slice %arg5[%dma_wait3A_614] : memref<20480xf32, #tpu.memory_space<hbm>> -> memref<40xf32, #tpu.memory_space<hbm>>
        tpu.wait_dma2 semaphore(%arg39 : memref<!tpu.dma_semaphore, #tpu.memory_space<semaphore_mem>>) src(%dma_wait3A_615 : memref<40xf32, #tpu.memory_space<hbm>>) dst(%dma_wait3A_613 : memref<40xf32, #tpu.memory_space<vmem>>)
        %dma_wait3A_616 = arith.constant 0 : i32
        %dma_wait3A_617 = tpu.memref_slice %arg25[%dma_wait3A_616] : memref<48xf32, #tpu.memory_space<vmem>> -> memref<40xf32, #tpu.memory_space<vmem>>
        %dma_wait3A_618 = arith.constant 0 : i32
        %dma_wait3A_619 = tpu.memref_slice %arg5[%dma_wait3A_618] : memref<20480xf32, #tpu.memory_space<hbm>> -> memref<40xf32, #tpu.memory_space<hbm>>
        %dma_wait3A_620 = arith.constant 0 : i32
        %dma_wait3A_621 = tpu.memref_slice %arg25[%dma_wait3A_620] : memref<48xf32, #tpu.memory_space<vmem>> -> memref<40xf32, #tpu.memory_space<vmem>>
        %dma_wait3A_622 = arith.constant 0 : i32
        %dma_wait3A_623 = tpu.memref_slice %arg5[%dma_wait3A_622] : memref<20480xf32, #tpu.memory_space<hbm>> -> memref<40xf32, #tpu.memory_space<hbm>>
        tpu.wait_dma2 semaphore(%arg39 : memref<!tpu.dma_semaphore, #tpu.memory_space<semaphore_mem>>) src(%dma_wait3A_623 : memref<40xf32, #tpu.memory_space<hbm>>) dst(%dma_wait3A_621 : memref<40xf32, #tpu.memory_space<vmem>>)
        %dma_wait3A_624 = arith.constant 0 : i32
        %dma_wait3A_625 = arith.constant 0 : i32
        %dma_wait3A_626 = tpu.memref_slice %arg2[%dma_wait3A_624, %dma_wait3A_625] : memref<10000x128xf32, #tpu.memory_space<hbm>> -> memref<40x128xf32, #tpu.memory_space<hbm>>
        %dma_wait3A_627 = arith.constant 0 : i32
        %dma_wait3A_628 = arith.constant 0 : i32
        %dma_wait3A_629 = tpu.memref_slice %arg2[%dma_wait3A_627, %dma_wait3A_628] : memref<10000x128xf32, #tpu.memory_space<hbm>> -> memref<40x128xf32, #tpu.memory_space<hbm>>
        tpu.wait_dma2 semaphore(%arg39 : memref<!tpu.dma_semaphore, #tpu.memory_space<semaphore_mem>>) src(%dma_wait3A_629 : memref<40x128xf32, #tpu.memory_space<hbm>>) dst(%arg21 : memref<40x128xf32, #tpu.memory_space<vmem>>)
        %add3A_630 = arith.constant 1 : i32
        %add3A_631 = arith.addi %scan3A_480, %add3A_630 : i32
        %mul3A_632 = arith.constant 5 : i32
        %mul3A_633 = arith.muli %add3A_631, %mul3A_632 : i32
        %add3A_634 = arith.constant 1 : i32
        %add3A_635 = arith.addi %mul3A_633, %add3A_634 : i32
        %mul3A_636 = arith.constant 40 : i32
        %mul3A_637 = arith.muli %add3A_635, %mul3A_636 : i32
        %add3A_638 = arith.addi %mul3A_2, %mul3A_637 : i32
        %dma_start3A_639 = tpu.memref_slice %arg3[%add3A_638] : memref<640000xi32, #tpu.memory_space<hbm>> -> memref<40xi32, #tpu.memory_space<hbm>>
        %dma_start3A_640 = tpu.memref_slice %arg3[%add3A_638] : memref<640000xi32, #tpu.memory_space<hbm>> -> memref<40xi32, #tpu.memory_space<hbm>>
        tpu.enqueue_dma source(%dma_start3A_640 : memref<40xi32, #tpu.memory_space<hbm>>) target(%arg11 : memref<40xi32, #tpu.memory_space<vmem>>) target_semaphore(%arg29 : memref<!tpu.dma_semaphore, #tpu.memory_space<semaphore_mem>>)
        %add3A_641 = arith.constant 320000 : i32
        %add3A_642 = arith.addi %add3A_641, %add3A_638 : i32
        %dma_start3A_643 = tpu.memref_slice %arg3[%add3A_642] : memref<640000xi32, #tpu.memory_space<hbm>> -> memref<40xi32, #tpu.memory_space<hbm>>
        %dma_start3A_644 = tpu.memref_slice %arg3[%add3A_642] : memref<640000xi32, #tpu.memory_space<hbm>> -> memref<40xi32, #tpu.memory_space<hbm>>
        tpu.enqueue_dma source(%dma_start3A_644 : memref<40xi32, #tpu.memory_space<hbm>>) target(%arg16 : memref<40xi32, #tpu.memory_space<vmem>>) target_semaphore(%arg29 : memref<!tpu.dma_semaphore, #tpu.memory_space<semaphore_mem>>)
        %dma_wait3A_645 = arith.constant 0 : i32
        %dma_wait3A_646 = tpu.memref_slice %arg25[%dma_wait3A_645] : memref<48xf32, #tpu.memory_space<vmem>> -> memref<40xf32, #tpu.memory_space<vmem>>
        %dma_wait3A_647 = arith.constant 0 : i32
        %dma_wait3A_648 = tpu.memref_slice %arg5[%dma_wait3A_647] : memref<20480xf32, #tpu.memory_space<hbm>> -> memref<40xf32, #tpu.memory_space<hbm>>
        %dma_wait3A_649 = arith.constant 0 : i32
        %dma_wait3A_650 = tpu.memref_slice %arg25[%dma_wait3A_649] : memref<48xf32, #tpu.memory_space<vmem>> -> memref<40xf32, #tpu.memory_space<vmem>>
        %dma_wait3A_651 = arith.constant 0 : i32
        %dma_wait3A_652 = tpu.memref_slice %arg5[%dma_wait3A_651] : memref<20480xf32, #tpu.memory_space<hbm>> -> memref<40xf32, #tpu.memory_space<hbm>>
        tpu.wait_dma2 semaphore(%arg40 : memref<!tpu.dma_semaphore, #tpu.memory_space<semaphore_mem>>) src(%dma_wait3A_652 : memref<40xf32, #tpu.memory_space<hbm>>) dst(%dma_wait3A_650 : memref<40xf32, #tpu.memory_space<vmem>>)
        %dma_wait3A_653 = arith.constant 0 : i32
        %dma_wait3A_654 = tpu.memref_slice %arg25[%dma_wait3A_653] : memref<48xf32, #tpu.memory_space<vmem>> -> memref<40xf32, #tpu.memory_space<vmem>>
        %dma_wait3A_655 = arith.constant 0 : i32
        %dma_wait3A_656 = tpu.memref_slice %arg5[%dma_wait3A_655] : memref<20480xf32, #tpu.memory_space<hbm>> -> memref<40xf32, #tpu.memory_space<hbm>>
        %dma_wait3A_657 = arith.constant 0 : i32
        %dma_wait3A_658 = tpu.memref_slice %arg25[%dma_wait3A_657] : memref<48xf32, #tpu.memory_space<vmem>> -> memref<40xf32, #tpu.memory_space<vmem>>
        %dma_wait3A_659 = arith.constant 0 : i32
        %dma_wait3A_660 = tpu.memref_slice %arg5[%dma_wait3A_659] : memref<20480xf32, #tpu.memory_space<hbm>> -> memref<40xf32, #tpu.memory_space<hbm>>
        tpu.wait_dma2 semaphore(%arg40 : memref<!tpu.dma_semaphore, #tpu.memory_space<semaphore_mem>>) src(%dma_wait3A_660 : memref<40xf32, #tpu.memory_space<hbm>>) dst(%dma_wait3A_658 : memref<40xf32, #tpu.memory_space<vmem>>)
        %dma_wait3A_661 = arith.constant 0 : i32
        %dma_wait3A_662 = arith.constant 0 : i32
        %dma_wait3A_663 = tpu.memref_slice %arg2[%dma_wait3A_661, %dma_wait3A_662] : memref<10000x128xf32, #tpu.memory_space<hbm>> -> memref<40x128xf32, #tpu.memory_space<hbm>>
        %dma_wait3A_664 = arith.constant 0 : i32
        %dma_wait3A_665 = arith.constant 0 : i32
        %dma_wait3A_666 = tpu.memref_slice %arg2[%dma_wait3A_664, %dma_wait3A_665] : memref<10000x128xf32, #tpu.memory_space<hbm>> -> memref<40x128xf32, #tpu.memory_space<hbm>>
        tpu.wait_dma2 semaphore(%arg40 : memref<!tpu.dma_semaphore, #tpu.memory_space<semaphore_mem>>) src(%dma_wait3A_666 : memref<40x128xf32, #tpu.memory_space<hbm>>) dst(%arg22 : memref<40x128xf32, #tpu.memory_space<vmem>>)
        %add3A_667 = arith.constant 1 : i32
        %add3A_668 = arith.addi %scan3A_480, %add3A_667 : i32
        %mul3A_669 = arith.constant 5 : i32
        %mul3A_670 = arith.muli %add3A_668, %mul3A_669 : i32
        %add3A_671 = arith.constant 2 : i32
        %add3A_672 = arith.addi %mul3A_670, %add3A_671 : i32
        %mul3A_673 = arith.constant 40 : i32
        %mul3A_674 = arith.muli %add3A_672, %mul3A_673 : i32
        %add3A_675 = arith.addi %mul3A_2, %mul3A_674 : i32
        %dma_start3A_676 = tpu.memref_slice %arg3[%add3A_675] : memref<640000xi32, #tpu.memory_space<hbm>> -> memref<40xi32, #tpu.memory_space<hbm>>
        %dma_start3A_677 = tpu.memref_slice %arg3[%add3A_675] : memref<640000xi32, #tpu.memory_space<hbm>> -> memref<40xi32, #tpu.memory_space<hbm>>
        tpu.enqueue_dma source(%dma_start3A_677 : memref<40xi32, #tpu.memory_space<hbm>>) target(%arg12 : memref<40xi32, #tpu.memory_space<vmem>>) target_semaphore(%arg30 : memref<!tpu.dma_semaphore, #tpu.memory_space<semaphore_mem>>)
        %add3A_678 = arith.constant 320000 : i32
        %add3A_679 = arith.addi %add3A_678, %add3A_675 : i32
        %dma_start3A_680 = tpu.memref_slice %arg3[%add3A_679] : memref<640000xi32, #tpu.memory_space<hbm>> -> memref<40xi32, #tpu.memory_space<hbm>>
        %dma_start3A_681 = tpu.memref_slice %arg3[%add3A_679] : memref<640000xi32, #tpu.memory_space<hbm>> -> memref<40xi32, #tpu.memory_space<hbm>>
        tpu.enqueue_dma source(%dma_start3A_681 : memref<40xi32, #tpu.memory_space<hbm>>) target(%arg17 : memref<40xi32, #tpu.memory_space<vmem>>) target_semaphore(%arg30 : memref<!tpu.dma_semaphore, #tpu.memory_space<semaphore_mem>>)
        %dma_wait3A_682 = arith.constant 0 : i32
        %dma_wait3A_683 = tpu.memref_slice %arg25[%dma_wait3A_682] : memref<48xf32, #tpu.memory_space<vmem>> -> memref<40xf32, #tpu.memory_space<vmem>>
        %dma_wait3A_684 = arith.constant 0 : i32
        %dma_wait3A_685 = tpu.memref_slice %arg5[%dma_wait3A_684] : memref<20480xf32, #tpu.memory_space<hbm>> -> memref<40xf32, #tpu.memory_space<hbm>>
        %dma_wait3A_686 = arith.constant 0 : i32
        %dma_wait3A_687 = tpu.memref_slice %arg25[%dma_wait3A_686] : memref<48xf32, #tpu.memory_space<vmem>> -> memref<40xf32, #tpu.memory_space<vmem>>
        %dma_wait3A_688 = arith.constant 0 : i32
        %dma_wait3A_689 = tpu.memref_slice %arg5[%dma_wait3A_688] : memref<20480xf32, #tpu.memory_space<hbm>> -> memref<40xf32, #tpu.memory_space<hbm>>
        tpu.wait_dma2 semaphore(%arg41 : memref<!tpu.dma_semaphore, #tpu.memory_space<semaphore_mem>>) src(%dma_wait3A_689 : memref<40xf32, #tpu.memory_space<hbm>>) dst(%dma_wait3A_687 : memref<40xf32, #tpu.memory_space<vmem>>)
        %dma_wait3A_690 = arith.constant 0 : i32
        %dma_wait3A_691 = tpu.memref_slice %arg25[%dma_wait3A_690] : memref<48xf32, #tpu.memory_space<vmem>> -> memref<40xf32, #tpu.memory_space<vmem>>
        %dma_wait3A_692 = arith.constant 0 : i32
        %dma_wait3A_693 = tpu.memref_slice %arg5[%dma_wait3A_692] : memref<20480xf32, #tpu.memory_space<hbm>> -> memref<40xf32, #tpu.memory_space<hbm>>
        %dma_wait3A_694 = arith.constant 0 : i32
        %dma_wait3A_695 = tpu.memref_slice %arg25[%dma_wait3A_694] : memref<48xf32, #tpu.memory_space<vmem>> -> memref<40xf32, #tpu.memory_space<vmem>>
        %dma_wait3A_696 = arith.constant 0 : i32
        %dma_wait3A_697 = tpu.memref_slice %arg5[%dma_wait3A_696] : memref<20480xf32, #tpu.memory_space<hbm>> -> memref<40xf32, #tpu.memory_space<hbm>>
        tpu.wait_dma2 semaphore(%arg41 : memref<!tpu.dma_semaphore, #tpu.memory_space<semaphore_mem>>) src(%dma_wait3A_697 : memref<40xf32, #tpu.memory_space<hbm>>) dst(%dma_wait3A_695 : memref<40xf32, #tpu.memory_space<vmem>>)
        %dma_wait3A_698 = arith.constant 0 : i32
        %dma_wait3A_699 = arith.constant 0 : i32
        %dma_wait3A_700 = tpu.memref_slice %arg2[%dma_wait3A_698, %dma_wait3A_699] : memref<10000x128xf32, #tpu.memory_space<hbm>> -> memref<40x128xf32, #tpu.memory_space<hbm>>
        %dma_wait3A_701 = arith.constant 0 : i32
        %dma_wait3A_702 = arith.constant 0 : i32
        %dma_wait3A_703 = tpu.memref_slice %arg2[%dma_wait3A_701, %dma_wait3A_702] : memref<10000x128xf32, #tpu.memory_space<hbm>> -> memref<40x128xf32, #tpu.memory_space<hbm>>
        tpu.wait_dma2 semaphore(%arg41 : memref<!tpu.dma_semaphore, #tpu.memory_space<semaphore_mem>>) src(%dma_wait3A_703 : memref<40x128xf32, #tpu.memory_space<hbm>>) dst(%arg23 : memref<40x128xf32, #tpu.memory_space<vmem>>)
        %add3A_704 = arith.constant 1 : i32
        %add3A_705 = arith.addi %scan3A_480, %add3A_704 : i32
        %mul3A_706 = arith.constant 5 : i32
        %mul3A_707 = arith.muli %add3A_705, %mul3A_706 : i32
        %add3A_708 = arith.constant 3 : i32
        %add3A_709 = arith.addi %mul3A_707, %add3A_708 : i32
        %mul3A_710 = arith.constant 40 : i32
        %mul3A_711 = arith.muli %add3A_709, %mul3A_710 : i32
        %add3A_712 = arith.addi %mul3A_2, %mul3A_711 : i32
        %dma_start3A_713 = tpu.memref_slice %arg3[%add3A_712] : memref<640000xi32, #tpu.memory_space<hbm>> -> memref<40xi32, #tpu.memory_space<hbm>>
        %dma_start3A_714 = tpu.memref_slice %arg3[%add3A_712] : memref<640000xi32, #tpu.memory_space<hbm>> -> memref<40xi32, #tpu.memory_space<hbm>>
        tpu.enqueue_dma source(%dma_start3A_714 : memref<40xi32, #tpu.memory_space<hbm>>) target(%arg13 : memref<40xi32, #tpu.memory_space<vmem>>) target_semaphore(%arg31 : memref<!tpu.dma_semaphore, #tpu.memory_space<semaphore_mem>>)
        %add3A_715 = arith.constant 320000 : i32
        %add3A_716 = arith.addi %add3A_715, %add3A_712 : i32
        %dma_start3A_717 = tpu.memref_slice %arg3[%add3A_716] : memref<640000xi32, #tpu.memory_space<hbm>> -> memref<40xi32, #tpu.memory_space<hbm>>
        %dma_start3A_718 = tpu.memref_slice %arg3[%add3A_716] : memref<640000xi32, #tpu.memory_space<hbm>> -> memref<40xi32, #tpu.memory_space<hbm>>
        tpu.enqueue_dma source(%dma_start3A_718 : memref<40xi32, #tpu.memory_space<hbm>>) target(%arg18 : memref<40xi32, #tpu.memory_space<vmem>>) target_semaphore(%arg31 : memref<!tpu.dma_semaphore, #tpu.memory_space<semaphore_mem>>)
        %dma_wait3A_719 = arith.constant 0 : i32
        %dma_wait3A_720 = tpu.memref_slice %arg25[%dma_wait3A_719] : memref<48xf32, #tpu.memory_space<vmem>> -> memref<40xf32, #tpu.memory_space<vmem>>
        %dma_wait3A_721 = arith.constant 0 : i32
        %dma_wait3A_722 = tpu.memref_slice %arg5[%dma_wait3A_721] : memref<20480xf32, #tpu.memory_space<hbm>> -> memref<40xf32, #tpu.memory_space<hbm>>
        %dma_wait3A_723 = arith.constant 0 : i32
        %dma_wait3A_724 = tpu.memref_slice %arg25[%dma_wait3A_723] : memref<48xf32, #tpu.memory_space<vmem>> -> memref<40xf32, #tpu.memory_space<vmem>>
        %dma_wait3A_725 = arith.constant 0 : i32
        %dma_wait3A_726 = tpu.memref_slice %arg5[%dma_wait3A_725] : memref<20480xf32, #tpu.memory_space<hbm>> -> memref<40xf32, #tpu.memory_space<hbm>>
        tpu.wait_dma2 semaphore(%arg42 : memref<!tpu.dma_semaphore, #tpu.memory_space<semaphore_mem>>) src(%dma_wait3A_726 : memref<40xf32, #tpu.memory_space<hbm>>) dst(%dma_wait3A_724 : memref<40xf32, #tpu.memory_space<vmem>>)
        %dma_wait3A_727 = arith.constant 0 : i32
        %dma_wait3A_728 = tpu.memref_slice %arg25[%dma_wait3A_727] : memref<48xf32, #tpu.memory_space<vmem>> -> memref<40xf32, #tpu.memory_space<vmem>>
        %dma_wait3A_729 = arith.constant 0 : i32
        %dma_wait3A_730 = tpu.memref_slice %arg5[%dma_wait3A_729] : memref<20480xf32, #tpu.memory_space<hbm>> -> memref<40xf32, #tpu.memory_space<hbm>>
        %dma_wait3A_731 = arith.constant 0 : i32
        %dma_wait3A_732 = tpu.memref_slice %arg25[%dma_wait3A_731] : memref<48xf32, #tpu.memory_space<vmem>> -> memref<40xf32, #tpu.memory_space<vmem>>
        %dma_wait3A_733 = arith.constant 0 : i32
        %dma_wait3A_734 = tpu.memref_slice %arg5[%dma_wait3A_733] : memref<20480xf32, #tpu.memory_space<hbm>> -> memref<40xf32, #tpu.memory_space<hbm>>
        tpu.wait_dma2 semaphore(%arg42 : memref<!tpu.dma_semaphore, #tpu.memory_space<semaphore_mem>>) src(%dma_wait3A_734 : memref<40xf32, #tpu.memory_space<hbm>>) dst(%dma_wait3A_732 : memref<40xf32, #tpu.memory_space<vmem>>)
        %dma_wait3A_735 = arith.constant 0 : i32
        %dma_wait3A_736 = arith.constant 0 : i32
        %dma_wait3A_737 = tpu.memref_slice %arg2[%dma_wait3A_735, %dma_wait3A_736] : memref<10000x128xf32, #tpu.memory_space<hbm>> -> memref<40x128xf32, #tpu.memory_space<hbm>>
        %dma_wait3A_738 = arith.constant 0 : i32
        %dma_wait3A_739 = arith.constant 0 : i32
        %dma_wait3A_740 = tpu.memref_slice %arg2[%dma_wait3A_738, %dma_wait3A_739] : memref<10000x128xf32, #tpu.memory_space<hbm>> -> memref<40x128xf32, #tpu.memory_space<hbm>>
        tpu.wait_dma2 semaphore(%arg42 : memref<!tpu.dma_semaphore, #tpu.memory_space<semaphore_mem>>) src(%dma_wait3A_740 : memref<40x128xf32, #tpu.memory_space<hbm>>) dst(%arg24 : memref<40x128xf32, #tpu.memory_space<vmem>>)
        %add3A_741 = arith.constant 1 : i32
        %add3A_742 = arith.addi %scan3A_480, %add3A_741 : i32
        %mul3A_743 = arith.constant 5 : i32
        %mul3A_744 = arith.muli %add3A_742, %mul3A_743 : i32
        %add3A_745 = arith.constant 4 : i32
        %add3A_746 = arith.addi %mul3A_744, %add3A_745 : i32
        %mul3A_747 = arith.constant 40 : i32
        %mul3A_748 = arith.muli %add3A_746, %mul3A_747 : i32
        %add3A_749 = arith.addi %mul3A_2, %mul3A_748 : i32
        %dma_start3A_750 = tpu.memref_slice %arg3[%add3A_749] : memref<640000xi32, #tpu.memory_space<hbm>> -> memref<40xi32, #tpu.memory_space<hbm>>
        %dma_start3A_751 = tpu.memref_slice %arg3[%add3A_749] : memref<640000xi32, #tpu.memory_space<hbm>> -> memref<40xi32, #tpu.memory_space<hbm>>
        tpu.enqueue_dma source(%dma_start3A_751 : memref<40xi32, #tpu.memory_space<hbm>>) target(%arg14 : memref<40xi32, #tpu.memory_space<vmem>>) target_semaphore(%arg32 : memref<!tpu.dma_semaphore, #tpu.memory_space<semaphore_mem>>)
        %add3A_752 = arith.constant 320000 : i32
        %add3A_753 = arith.addi %add3A_752, %add3A_749 : i32
        %dma_start3A_754 = tpu.memref_slice %arg3[%add3A_753] : memref<640000xi32, #tpu.memory_space<hbm>> -> memref<40xi32, #tpu.memory_space<hbm>>
        %dma_start3A_755 = tpu.memref_slice %arg3[%add3A_753] : memref<640000xi32, #tpu.memory_space<hbm>> -> memref<40xi32, #tpu.memory_space<hbm>>
        tpu.enqueue_dma source(%dma_start3A_755 : memref<40xi32, #tpu.memory_space<hbm>>) target(%arg19 : memref<40xi32, #tpu.memory_space<vmem>>) target_semaphore(%arg32 : memref<!tpu.dma_semaphore, #tpu.memory_space<semaphore_mem>>)
        %dma_wait3A_756 = arith.constant 0 : i32
        %dma_wait3A_757 = tpu.memref_slice %arg3[%dma_wait3A_756] : memref<640000xi32, #tpu.memory_space<hbm>> -> memref<40xi32, #tpu.memory_space<hbm>>
        %dma_wait3A_758 = arith.constant 0 : i32
        %dma_wait3A_759 = tpu.memref_slice %arg3[%dma_wait3A_758] : memref<640000xi32, #tpu.memory_space<hbm>> -> memref<40xi32, #tpu.memory_space<hbm>>
        tpu.wait_dma2 semaphore(%arg28 : memref<!tpu.dma_semaphore, #tpu.memory_space<semaphore_mem>>) src(%dma_wait3A_759 : memref<40xi32, #tpu.memory_space<hbm>>) dst(%arg10 : memref<40xi32, #tpu.memory_space<vmem>>)
        %dma_wait3A_760 = arith.constant 0 : i32
        %dma_wait3A_761 = tpu.memref_slice %arg3[%dma_wait3A_760] : memref<640000xi32, #tpu.memory_space<hbm>> -> memref<40xi32, #tpu.memory_space<hbm>>
        %dma_wait3A_762 = arith.constant 0 : i32
        %dma_wait3A_763 = tpu.memref_slice %arg3[%dma_wait3A_762] : memref<640000xi32, #tpu.memory_space<hbm>> -> memref<40xi32, #tpu.memory_space<hbm>>
        tpu.wait_dma2 semaphore(%arg28 : memref<!tpu.dma_semaphore, #tpu.memory_space<semaphore_mem>>) src(%dma_wait3A_763 : memref<40xi32, #tpu.memory_space<hbm>>) dst(%arg10 : memref<40xi32, #tpu.memory_space<vmem>>)
        %dma_start3A_764 = arith.constant 0 : i32
        %dma_start3A_765 = arith.constant 0 : i32
        %dma_start3A_766 = tpu.memref_slice %arg2[%dma_start3A_764, %dma_start3A_765] : memref<10000x128xf32, #tpu.memory_space<hbm>> -> memref<10000x128xf32, #tpu.memory_space<hbm>>
        tpu.enqueue_indirect_dma source(%dma_start3A_766 : memref<10000x128xf32, #tpu.memory_space<hbm>>) target(%arg20 : memref<40x128xf32, #tpu.memory_space<vmem>>) offsets(%arg10 : memref<40xi32, #tpu.memory_space<vmem>>) semaphore(%arg33 : memref<!tpu.dma_semaphore, #tpu.memory_space<semaphore_mem>>)
        %dma_wait3A_767 = arith.constant 0 : i32
        %dma_wait3A_768 = tpu.memref_slice %arg3[%dma_wait3A_767] : memref<640000xi32, #tpu.memory_space<hbm>> -> memref<40xi32, #tpu.memory_space<hbm>>
        %dma_wait3A_769 = arith.constant 0 : i32
        %dma_wait3A_770 = tpu.memref_slice %arg3[%dma_wait3A_769] : memref<640000xi32, #tpu.memory_space<hbm>> -> memref<40xi32, #tpu.memory_space<hbm>>
        tpu.wait_dma2 semaphore(%arg29 : memref<!tpu.dma_semaphore, #tpu.memory_space<semaphore_mem>>) src(%dma_wait3A_770 : memref<40xi32, #tpu.memory_space<hbm>>) dst(%arg11 : memref<40xi32, #tpu.memory_space<vmem>>)
        %dma_wait3A_771 = arith.constant 0 : i32
        %dma_wait3A_772 = tpu.memref_slice %arg3[%dma_wait3A_771] : memref<640000xi32, #tpu.memory_space<hbm>> -> memref<40xi32, #tpu.memory_space<hbm>>
        %dma_wait3A_773 = arith.constant 0 : i32
        %dma_wait3A_774 = tpu.memref_slice %arg3[%dma_wait3A_773] : memref<640000xi32, #tpu.memory_space<hbm>> -> memref<40xi32, #tpu.memory_space<hbm>>
        tpu.wait_dma2 semaphore(%arg29 : memref<!tpu.dma_semaphore, #tpu.memory_space<semaphore_mem>>) src(%dma_wait3A_774 : memref<40xi32, #tpu.memory_space<hbm>>) dst(%arg11 : memref<40xi32, #tpu.memory_space<vmem>>)
        %dma_start3A_775 = arith.constant 0 : i32
        %dma_start3A_776 = arith.constant 0 : i32
        %dma_start3A_777 = tpu.memref_slice %arg2[%dma_start3A_775, %dma_start3A_776] : memref<10000x128xf32, #tpu.memory_space<hbm>> -> memref<10000x128xf32, #tpu.memory_space<hbm>>
        tpu.enqueue_indirect_dma source(%dma_start3A_777 : memref<10000x128xf32, #tpu.memory_space<hbm>>) target(%arg21 : memref<40x128xf32, #tpu.memory_space<vmem>>) offsets(%arg11 : memref<40xi32, #tpu.memory_space<vmem>>) semaphore(%arg34 : memref<!tpu.dma_semaphore, #tpu.memory_space<semaphore_mem>>)
        %dma_wait3A_778 = arith.constant 0 : i32
        %dma_wait3A_779 = tpu.memref_slice %arg3[%dma_wait3A_778] : memref<640000xi32, #tpu.memory_space<hbm>> -> memref<40xi32, #tpu.memory_space<hbm>>
        %dma_wait3A_780 = arith.constant 0 : i32
        %dma_wait3A_781 = tpu.memref_slice %arg3[%dma_wait3A_780] : memref<640000xi32, #tpu.memory_space<hbm>> -> memref<40xi32, #tpu.memory_space<hbm>>
        tpu.wait_dma2 semaphore(%arg30 : memref<!tpu.dma_semaphore, #tpu.memory_space<semaphore_mem>>) src(%dma_wait3A_781 : memref<40xi32, #tpu.memory_space<hbm>>) dst(%arg12 : memref<40xi32, #tpu.memory_space<vmem>>)
        %dma_wait3A_782 = arith.constant 0 : i32
        %dma_wait3A_783 = tpu.memref_slice %arg3[%dma_wait3A_782] : memref<640000xi32, #tpu.memory_space<hbm>> -> memref<40xi32, #tpu.memory_space<hbm>>
        %dma_wait3A_784 = arith.constant 0 : i32
        %dma_wait3A_785 = tpu.memref_slice %arg3[%dma_wait3A_784] : memref<640000xi32, #tpu.memory_space<hbm>> -> memref<40xi32, #tpu.memory_space<hbm>>
        tpu.wait_dma2 semaphore(%arg30 : memref<!tpu.dma_semaphore, #tpu.memory_space<semaphore_mem>>) src(%dma_wait3A_785 : memref<40xi32, #tpu.memory_space<hbm>>) dst(%arg12 : memref<40xi32, #tpu.memory_space<vmem>>)
        %dma_start3A_786 = arith.constant 0 : i32
        %dma_start3A_787 = arith.constant 0 : i32
        %dma_start3A_788 = tpu.memref_slice %arg2[%dma_start3A_786, %dma_start3A_787] : memref<10000x128xf32, #tpu.memory_space<hbm>> -> memref<10000x128xf32, #tpu.memory_space<hbm>>
        tpu.enqueue_indirect_dma source(%dma_start3A_788 : memref<10000x128xf32, #tpu.memory_space<hbm>>) target(%arg22 : memref<40x128xf32, #tpu.memory_space<vmem>>) offsets(%arg12 : memref<40xi32, #tpu.memory_space<vmem>>) semaphore(%arg35 : memref<!tpu.dma_semaphore, #tpu.memory_space<semaphore_mem>>)
        %dma_wait3A_789 = arith.constant 0 : i32
        %dma_wait3A_790 = tpu.memref_slice %arg3[%dma_wait3A_789] : memref<640000xi32, #tpu.memory_space<hbm>> -> memref<40xi32, #tpu.memory_space<hbm>>
        %dma_wait3A_791 = arith.constant 0 : i32
        %dma_wait3A_792 = tpu.memref_slice %arg3[%dma_wait3A_791] : memref<640000xi32, #tpu.memory_space<hbm>> -> memref<40xi32, #tpu.memory_space<hbm>>
        tpu.wait_dma2 semaphore(%arg31 : memref<!tpu.dma_semaphore, #tpu.memory_space<semaphore_mem>>) src(%dma_wait3A_792 : memref<40xi32, #tpu.memory_space<hbm>>) dst(%arg13 : memref<40xi32, #tpu.memory_space<vmem>>)
        %dma_wait3A_793 = arith.constant 0 : i32
        %dma_wait3A_794 = tpu.memref_slice %arg3[%dma_wait3A_793] : memref<640000xi32, #tpu.memory_space<hbm>> -> memref<40xi32, #tpu.memory_space<hbm>>
        %dma_wait3A_795 = arith.constant 0 : i32
        %dma_wait3A_796 = tpu.memref_slice %arg3[%dma_wait3A_795] : memref<640000xi32, #tpu.memory_space<hbm>> -> memref<40xi32, #tpu.memory_space<hbm>>
        tpu.wait_dma2 semaphore(%arg31 : memref<!tpu.dma_semaphore, #tpu.memory_space<semaphore_mem>>) src(%dma_wait3A_796 : memref<40xi32, #tpu.memory_space<hbm>>) dst(%arg13 : memref<40xi32, #tpu.memory_space<vmem>>)
        %dma_start3A_797 = arith.constant 0 : i32
        %dma_start3A_798 = arith.constant 0 : i32
        %dma_start3A_799 = tpu.memref_slice %arg2[%dma_start3A_797, %dma_start3A_798] : memref<10000x128xf32, #tpu.memory_space<hbm>> -> memref<10000x128xf32, #tpu.memory_space<hbm>>
        tpu.enqueue_indirect_dma source(%dma_start3A_799 : memref<10000x128xf32, #tpu.memory_space<hbm>>) target(%arg23 : memref<40x128xf32, #tpu.memory_space<vmem>>) offsets(%arg13 : memref<40xi32, #tpu.memory_space<vmem>>) semaphore(%arg36 : memref<!tpu.dma_semaphore, #tpu.memory_space<semaphore_mem>>)
        %dma_wait3A_800 = arith.constant 0 : i32
        %dma_wait3A_801 = tpu.memref_slice %arg3[%dma_wait3A_800] : memref<640000xi32, #tpu.memory_space<hbm>> -> memref<40xi32, #tpu.memory_space<hbm>>
        %dma_wait3A_802 = arith.constant 0 : i32
        %dma_wait3A_803 = tpu.memref_slice %arg3[%dma_wait3A_802] : memref<640000xi32, #tpu.memory_space<hbm>> -> memref<40xi32, #tpu.memory_space<hbm>>
        tpu.wait_dma2 semaphore(%arg32 : memref<!tpu.dma_semaphore, #tpu.memory_space<semaphore_mem>>) src(%dma_wait3A_803 : memref<40xi32, #tpu.memory_space<hbm>>) dst(%arg14 : memref<40xi32, #tpu.memory_space<vmem>>)
        %dma_wait3A_804 = arith.constant 0 : i32
        %dma_wait3A_805 = tpu.memref_slice %arg3[%dma_wait3A_804] : memref<640000xi32, #tpu.memory_space<hbm>> -> memref<40xi32, #tpu.memory_space<hbm>>
        %dma_wait3A_806 = arith.constant 0 : i32
        %dma_wait3A_807 = tpu.memref_slice %arg3[%dma_wait3A_806] : memref<640000xi32, #tpu.memory_space<hbm>> -> memref<40xi32, #tpu.memory_space<hbm>>
        tpu.wait_dma2 semaphore(%arg32 : memref<!tpu.dma_semaphore, #tpu.memory_space<semaphore_mem>>) src(%dma_wait3A_807 : memref<40xi32, #tpu.memory_space<hbm>>) dst(%arg14 : memref<40xi32, #tpu.memory_space<vmem>>)
        %dma_start3A_808 = arith.constant 0 : i32
        %dma_start3A_809 = arith.constant 0 : i32
        %dma_start3A_810 = tpu.memref_slice %arg2[%dma_start3A_808, %dma_start3A_809] : memref<10000x128xf32, #tpu.memory_space<hbm>> -> memref<10000x128xf32, #tpu.memory_space<hbm>>
        tpu.enqueue_indirect_dma source(%dma_start3A_810 : memref<10000x128xf32, #tpu.memory_space<hbm>>) target(%arg24 : memref<40x128xf32, #tpu.memory_space<vmem>>) offsets(%arg14 : memref<40xi32, #tpu.memory_space<vmem>>) semaphore(%arg37 : memref<!tpu.dma_semaphore, #tpu.memory_space<semaphore_mem>>)
      } else {
      }
    }
    %scan3A_359 = arith.constant 50 : i32
    %dma_wait3A_360 = arith.constant 0 : i32
    %dma_wait3A_361 = tpu.memref_slice %arg25[%dma_wait3A_360] : memref<48xf32, #tpu.memory_space<vmem>> -> memref<40xf32, #tpu.memory_space<vmem>>
    %dma_wait3A_362 = arith.constant 0 : i32
    %dma_wait3A_363 = tpu.memref_slice %arg5[%dma_wait3A_362] : memref<20480xf32, #tpu.memory_space<hbm>> -> memref<40xf32, #tpu.memory_space<hbm>>
    %dma_wait3A_364 = arith.constant 0 : i32
    %dma_wait3A_365 = tpu.memref_slice %arg25[%dma_wait3A_364] : memref<48xf32, #tpu.memory_space<vmem>> -> memref<40xf32, #tpu.memory_space<vmem>>
    %dma_wait3A_366 = arith.constant 0 : i32
    %dma_wait3A_367 = tpu.memref_slice %arg5[%dma_wait3A_366] : memref<20480xf32, #tpu.memory_space<hbm>> -> memref<40xf32, #tpu.memory_space<hbm>>
    tpu.wait_dma2 semaphore(%arg38 : memref<!tpu.dma_semaphore, #tpu.memory_space<semaphore_mem>>) src(%dma_wait3A_367 : memref<40xf32, #tpu.memory_space<hbm>>) dst(%dma_wait3A_365 : memref<40xf32, #tpu.memory_space<vmem>>)
    %dma_wait3A_368 = arith.constant 0 : i32
    %dma_wait3A_369 = tpu.memref_slice %arg25[%dma_wait3A_368] : memref<48xf32, #tpu.memory_space<vmem>> -> memref<40xf32, #tpu.memory_space<vmem>>
    %dma_wait3A_370 = arith.constant 0 : i32
    %dma_wait3A_371 = tpu.memref_slice %arg5[%dma_wait3A_370] : memref<20480xf32, #tpu.memory_space<hbm>> -> memref<40xf32, #tpu.memory_space<hbm>>
    %dma_wait3A_372 = arith.constant 0 : i32
    %dma_wait3A_373 = tpu.memref_slice %arg25[%dma_wait3A_372] : memref<48xf32, #tpu.memory_space<vmem>> -> memref<40xf32, #tpu.memory_space<vmem>>
    %dma_wait3A_374 = arith.constant 0 : i32
    %dma_wait3A_375 = tpu.memref_slice %arg5[%dma_wait3A_374] : memref<20480xf32, #tpu.memory_space<hbm>> -> memref<40xf32, #tpu.memory_space<hbm>>
    tpu.wait_dma2 semaphore(%arg38 : memref<!tpu.dma_semaphore, #tpu.memory_space<semaphore_mem>>) src(%dma_wait3A_375 : memref<40xf32, #tpu.memory_space<hbm>>) dst(%dma_wait3A_373 : memref<40xf32, #tpu.memory_space<vmem>>)
    %dma_wait3A_376 = arith.constant 0 : i32
    %dma_wait3A_377 = arith.constant 0 : i32
    %dma_wait3A_378 = tpu.memref_slice %arg2[%dma_wait3A_376, %dma_wait3A_377] : memref<10000x128xf32, #tpu.memory_space<hbm>> -> memref<40x128xf32, #tpu.memory_space<hbm>>
    %dma_wait3A_379 = arith.constant 0 : i32
    %dma_wait3A_380 = arith.constant 0 : i32
    %dma_wait3A_381 = tpu.memref_slice %arg2[%dma_wait3A_379, %dma_wait3A_380] : memref<10000x128xf32, #tpu.memory_space<hbm>> -> memref<40x128xf32, #tpu.memory_space<hbm>>
    tpu.wait_dma2 semaphore(%arg38 : memref<!tpu.dma_semaphore, #tpu.memory_space<semaphore_mem>>) src(%dma_wait3A_381 : memref<40x128xf32, #tpu.memory_space<hbm>>) dst(%arg20 : memref<40x128xf32, #tpu.memory_space<vmem>>)
    %dma_wait3A_382 = arith.constant 0 : i32
    %dma_wait3A_383 = tpu.memref_slice %arg25[%dma_wait3A_382] : memref<48xf32, #tpu.memory_space<vmem>> -> memref<40xf32, #tpu.memory_space<vmem>>
    %dma_wait3A_384 = arith.constant 0 : i32
    %dma_wait3A_385 = tpu.memref_slice %arg5[%dma_wait3A_384] : memref<20480xf32, #tpu.memory_space<hbm>> -> memref<40xf32, #tpu.memory_space<hbm>>
    %dma_wait3A_386 = arith.constant 0 : i32
    %dma_wait3A_387 = tpu.memref_slice %arg25[%dma_wait3A_386] : memref<48xf32, #tpu.memory_space<vmem>> -> memref<40xf32, #tpu.memory_space<vmem>>
    %dma_wait3A_388 = arith.constant 0 : i32
    %dma_wait3A_389 = tpu.memref_slice %arg5[%dma_wait3A_388] : memref<20480xf32, #tpu.memory_space<hbm>> -> memref<40xf32, #tpu.memory_space<hbm>>
    tpu.wait_dma2 semaphore(%arg39 : memref<!tpu.dma_semaphore, #tpu.memory_space<semaphore_mem>>) src(%dma_wait3A_389 : memref<40xf32, #tpu.memory_space<hbm>>) dst(%dma_wait3A_387 : memref<40xf32, #tpu.memory_space<vmem>>)
    %dma_wait3A_390 = arith.constant 0 : i32
    %dma_wait3A_391 = tpu.memref_slice %arg25[%dma_wait3A_390] : memref<48xf32, #tpu.memory_space<vmem>> -> memref<40xf32, #tpu.memory_space<vmem>>
    %dma_wait3A_392 = arith.constant 0 : i32
    %dma_wait3A_393 = tpu.memref_slice %arg5[%dma_wait3A_392] : memref<20480xf32, #tpu.memory_space<hbm>> -> memref<40xf32, #tpu.memory_space<hbm>>
    %dma_wait3A_394 = arith.constant 0 : i32
    %dma_wait3A_395 = tpu.memref_slice %arg25[%dma_wait3A_394] : memref<48xf32, #tpu.memory_space<vmem>> -> memref<40xf32, #tpu.memory_space<vmem>>
    %dma_wait3A_396 = arith.constant 0 : i32
    %dma_wait3A_397 = tpu.memref_slice %arg5[%dma_wait3A_396] : memref<20480xf32, #tpu.memory_space<hbm>> -> memref<40xf32, #tpu.memory_space<hbm>>
    tpu.wait_dma2 semaphore(%arg39 : memref<!tpu.dma_semaphore, #tpu.memory_space<semaphore_mem>>) src(%dma_wait3A_397 : memref<40xf32, #tpu.memory_space<hbm>>) dst(%dma_wait3A_395 : memref<40xf32, #tpu.memory_space<vmem>>)
    %dma_wait3A_398 = arith.constant 0 : i32
    %dma_wait3A_399 = arith.constant 0 : i32
    %dma_wait3A_400 = tpu.memref_slice %arg2[%dma_wait3A_398, %dma_wait3A_399] : memref<10000x128xf32, #tpu.memory_space<hbm>> -> memref<40x128xf32, #tpu.memory_space<hbm>>
    %dma_wait3A_401 = arith.constant 0 : i32
    %dma_wait3A_402 = arith.constant 0 : i32
    %dma_wait3A_403 = tpu.memref_slice %arg2[%dma_wait3A_401, %dma_wait3A_402] : memref<10000x128xf32, #tpu.memory_space<hbm>> -> memref<40x128xf32, #tpu.memory_space<hbm>>
    tpu.wait_dma2 semaphore(%arg39 : memref<!tpu.dma_semaphore, #tpu.memory_space<semaphore_mem>>) src(%dma_wait3A_403 : memref<40x128xf32, #tpu.memory_space<hbm>>) dst(%arg21 : memref<40x128xf32, #tpu.memory_space<vmem>>)
    %dma_wait3A_404 = arith.constant 0 : i32
    %dma_wait3A_405 = tpu.memref_slice %arg25[%dma_wait3A_404] : memref<48xf32, #tpu.memory_space<vmem>> -> memref<40xf32, #tpu.memory_space<vmem>>
    %dma_wait3A_406 = arith.constant 0 : i32
    %dma_wait3A_407 = tpu.memref_slice %arg5[%dma_wait3A_406] : memref<20480xf32, #tpu.memory_space<hbm>> -> memref<40xf32, #tpu.memory_space<hbm>>
    %dma_wait3A_408 = arith.constant 0 : i32
    %dma_wait3A_409 = tpu.memref_slice %arg25[%dma_wait3A_408] : memref<48xf32, #tpu.memory_space<vmem>> -> memref<40xf32, #tpu.memory_space<vmem>>
    %dma_wait3A_410 = arith.constant 0 : i32
    %dma_wait3A_411 = tpu.memref_slice %arg5[%dma_wait3A_410] : memref<20480xf32, #tpu.memory_space<hbm>> -> memref<40xf32, #tpu.memory_space<hbm>>
    tpu.wait_dma2 semaphore(%arg40 : memref<!tpu.dma_semaphore, #tpu.memory_space<semaphore_mem>>) src(%dma_wait3A_411 : memref<40xf32, #tpu.memory_space<hbm>>) dst(%dma_wait3A_409 : memref<40xf32, #tpu.memory_space<vmem>>)
    %dma_wait3A_412 = arith.constant 0 : i32
    %dma_wait3A_413 = tpu.memref_slice %arg25[%dma_wait3A_412] : memref<48xf32, #tpu.memory_space<vmem>> -> memref<40xf32, #tpu.memory_space<vmem>>
    %dma_wait3A_414 = arith.constant 0 : i32
    %dma_wait3A_415 = tpu.memref_slice %arg5[%dma_wait3A_414] : memref<20480xf32, #tpu.memory_space<hbm>> -> memref<40xf32, #tpu.memory_space<hbm>>
    %dma_wait3A_416 = arith.constant 0 : i32
    %dma_wait3A_417 = tpu.memref_slice %arg25[%dma_wait3A_416] : memref<48xf32, #tpu.memory_space<vmem>> -> memref<40xf32, #tpu.memory_space<vmem>>
    %dma_wait3A_418 = arith.constant 0 : i32
    %dma_wait3A_419 = tpu.memref_slice %arg5[%dma_wait3A_418] : memref<20480xf32, #tpu.memory_space<hbm>> -> memref<40xf32, #tpu.memory_space<hbm>>
    tpu.wait_dma2 semaphore(%arg40 : memref<!tpu.dma_semaphore, #tpu.memory_space<semaphore_mem>>) src(%dma_wait3A_419 : memref<40xf32, #tpu.memory_space<hbm>>) dst(%dma_wait3A_417 : memref<40xf32, #tpu.memory_space<vmem>>)
    %dma_wait3A_420 = arith.constant 0 : i32
    %dma_wait3A_421 = arith.constant 0 : i32
    %dma_wait3A_422 = tpu.memref_slice %arg2[%dma_wait3A_420, %dma_wait3A_421] : memref<10000x128xf32, #tpu.memory_space<hbm>> -> memref<40x128xf32, #tpu.memory_space<hbm>>
    %dma_wait3A_423 = arith.constant 0 : i32
    %dma_wait3A_424 = arith.constant 0 : i32
    %dma_wait3A_425 = tpu.memref_slice %arg2[%dma_wait3A_423, %dma_wait3A_424] : memref<10000x128xf32, #tpu.memory_space<hbm>> -> memref<40x128xf32, #tpu.memory_space<hbm>>
    tpu.wait_dma2 semaphore(%arg40 : memref<!tpu.dma_semaphore, #tpu.memory_space<semaphore_mem>>) src(%dma_wait3A_425 : memref<40x128xf32, #tpu.memory_space<hbm>>) dst(%arg22 : memref<40x128xf32, #tpu.memory_space<vmem>>)
    %dma_wait3A_426 = arith.constant 0 : i32
    %dma_wait3A_427 = tpu.memref_slice %arg25[%dma_wait3A_426] : memref<48xf32, #tpu.memory_space<vmem>> -> memref<40xf32, #tpu.memory_space<vmem>>
    %dma_wait3A_428 = arith.constant 0 : i32
    %dma_wait3A_429 = tpu.memref_slice %arg5[%dma_wait3A_428] : memref<20480xf32, #tpu.memory_space<hbm>> -> memref<40xf32, #tpu.memory_space<hbm>>
    %dma_wait3A_430 = arith.constant 0 : i32
    %dma_wait3A_431 = tpu.memref_slice %arg25[%dma_wait3A_430] : memref<48xf32, #tpu.memory_space<vmem>> -> memref<40xf32, #tpu.memory_space<vmem>>
    %dma_wait3A_432 = arith.constant 0 : i32
    %dma_wait3A_433 = tpu.memref_slice %arg5[%dma_wait3A_432] : memref<20480xf32, #tpu.memory_space<hbm>> -> memref<40xf32, #tpu.memory_space<hbm>>
    tpu.wait_dma2 semaphore(%arg41 : memref<!tpu.dma_semaphore, #tpu.memory_space<semaphore_mem>>) src(%dma_wait3A_433 : memref<40xf32, #tpu.memory_space<hbm>>) dst(%dma_wait3A_431 : memref<40xf32, #tpu.memory_space<vmem>>)
    %dma_wait3A_434 = arith.constant 0 : i32
    %dma_wait3A_435 = tpu.memref_slice %arg25[%dma_wait3A_434] : memref<48xf32, #tpu.memory_space<vmem>> -> memref<40xf32, #tpu.memory_space<vmem>>
    %dma_wait3A_436 = arith.constant 0 : i32
    %dma_wait3A_437 = tpu.memref_slice %arg5[%dma_wait3A_436] : memref<20480xf32, #tpu.memory_space<hbm>> -> memref<40xf32, #tpu.memory_space<hbm>>
    %dma_wait3A_438 = arith.constant 0 : i32
    %dma_wait3A_439 = tpu.memref_slice %arg25[%dma_wait3A_438] : memref<48xf32, #tpu.memory_space<vmem>> -> memref<40xf32, #tpu.memory_space<vmem>>
    %dma_wait3A_440 = arith.constant 0 : i32
    %dma_wait3A_441 = tpu.memref_slice %arg5[%dma_wait3A_440] : memref<20480xf32, #tpu.memory_space<hbm>> -> memref<40xf32, #tpu.memory_space<hbm>>
    tpu.wait_dma2 semaphore(%arg41 : memref<!tpu.dma_semaphore, #tpu.memory_space<semaphore_mem>>) src(%dma_wait3A_441 : memref<40xf32, #tpu.memory_space<hbm>>) dst(%dma_wait3A_439 : memref<40xf32, #tpu.memory_space<vmem>>)
    %dma_wait3A_442 = arith.constant 0 : i32
    %dma_wait3A_443 = arith.constant 0 : i32
    %dma_wait3A_444 = tpu.memref_slice %arg2[%dma_wait3A_442, %dma_wait3A_443] : memref<10000x128xf32, #tpu.memory_space<hbm>> -> memref<40x128xf32, #tpu.memory_space<hbm>>
    %dma_wait3A_445 = arith.constant 0 : i32
    %dma_wait3A_446 = arith.constant 0 : i32
    %dma_wait3A_447 = tpu.memref_slice %arg2[%dma_wait3A_445, %dma_wait3A_446] : memref<10000x128xf32, #tpu.memory_space<hbm>> -> memref<40x128xf32, #tpu.memory_space<hbm>>
    tpu.wait_dma2 semaphore(%arg41 : memref<!tpu.dma_semaphore, #tpu.memory_space<semaphore_mem>>) src(%dma_wait3A_447 : memref<40x128xf32, #tpu.memory_space<hbm>>) dst(%arg23 : memref<40x128xf32, #tpu.memory_space<vmem>>)
    %dma_wait3A_448 = arith.constant 0 : i32
    %dma_wait3A_449 = tpu.memref_slice %arg25[%dma_wait3A_448] : memref<48xf32, #tpu.memory_space<vmem>> -> memref<40xf32, #tpu.memory_space<vmem>>
    %dma_wait3A_450 = arith.constant 0 : i32
    %dma_wait3A_451 = tpu.memref_slice %arg5[%dma_wait3A_450] : memref<20480xf32, #tpu.memory_space<hbm>> -> memref<40xf32, #tpu.memory_space<hbm>>
    %dma_wait3A_452 = arith.constant 0 : i32
    %dma_wait3A_453 = tpu.memref_slice %arg25[%dma_wait3A_452] : memref<48xf32, #tpu.memory_space<vmem>> -> memref<40xf32, #tpu.memory_space<vmem>>
    %dma_wait3A_454 = arith.constant 0 : i32
    %dma_wait3A_455 = tpu.memref_slice %arg5[%dma_wait3A_454] : memref<20480xf32, #tpu.memory_space<hbm>> -> memref<40xf32, #tpu.memory_space<hbm>>
    tpu.wait_dma2 semaphore(%arg42 : memref<!tpu.dma_semaphore, #tpu.memory_space<semaphore_mem>>) src(%dma_wait3A_455 : memref<40xf32, #tpu.memory_space<hbm>>) dst(%dma_wait3A_453 : memref<40xf32, #tpu.memory_space<vmem>>)
    %dma_wait3A_456 = arith.constant 0 : i32
    %dma_wait3A_457 = tpu.memref_slice %arg25[%dma_wait3A_456] : memref<48xf32, #tpu.memory_space<vmem>> -> memref<40xf32, #tpu.memory_space<vmem>>
    %dma_wait3A_458 = arith.constant 0 : i32
    %dma_wait3A_459 = tpu.memref_slice %arg5[%dma_wait3A_458] : memref<20480xf32, #tpu.memory_space<hbm>> -> memref<40xf32, #tpu.memory_space<hbm>>
    %dma_wait3A_460 = arith.constant 0 : i32
    %dma_wait3A_461 = tpu.memref_slice %arg25[%dma_wait3A_460] : memref<48xf32, #tpu.memory_space<vmem>> -> memref<40xf32, #tpu.memory_space<vmem>>
    %dma_wait3A_462 = arith.constant 0 : i32
    %dma_wait3A_463 = tpu.memref_slice %arg5[%dma_wait3A_462] : memref<20480xf32, #tpu.memory_space<hbm>> -> memref<40xf32, #tpu.memory_space<hbm>>
    tpu.wait_dma2 semaphore(%arg42 : memref<!tpu.dma_semaphore, #tpu.memory_space<semaphore_mem>>) src(%dma_wait3A_463 : memref<40xf32, #tpu.memory_space<hbm>>) dst(%dma_wait3A_461 : memref<40xf32, #tpu.memory_space<vmem>>)
    %dma_wait3A_464 = arith.constant 0 : i32
    %dma_wait3A_465 = arith.constant 0 : i32
    %dma_wait3A_466 = tpu.memref_slice %arg2[%dma_wait3A_464, %dma_wait3A_465] : memref<10000x128xf32, #tpu.memory_space<hbm>> -> memref<40x128xf32, #tpu.memory_space<hbm>>
    %dma_wait3A_467 = arith.constant 0 : i32
    %dma_wait3A_468 = arith.constant 0 : i32
    %dma_wait3A_469 = tpu.memref_slice %arg2[%dma_wait3A_467, %dma_wait3A_468] : memref<10000x128xf32, #tpu.memory_space<hbm>> -> memref<40x128xf32, #tpu.memory_space<hbm>>
    tpu.wait_dma2 semaphore(%arg42 : memref<!tpu.dma_semaphore, #tpu.memory_space<semaphore_mem>>) src(%dma_wait3A_469 : memref<40x128xf32, #tpu.memory_space<hbm>>) dst(%arg24 : memref<40x128xf32, #tpu.memory_space<vmem>>)
    %barrier3A_470 = arith.constant 0 : index
    tpu.barrier barrier_id(%barrier3A_470)
    %mul3A_471 = arith.constant 640 : i32
    %mul3A_472 = arith.muli %arg1, %mul3A_471 : i32
    %mul3A_473 = arith.constant 640 : i32
    %mul3A_474 = arith.muli %arg1, %mul3A_473 : i32
    "tpu.region"() ({
      %run_scoped3A = tpu.sem_alloc : memref<!tpu.dma_semaphore, #tpu.memory_space<semaphore_mem>>
      %dma_start3A_480 = arith.constant 0 : i32
      %dma_start3A_481 = tpu.memref_slice %arg4[%arg0, %mul3A_474, %dma_start3A_480] : memref<2x10240x128xf32, #tpu.memory_space<hbm>> -> memref<1x640x128xf32, #tpu.memory_space<hbm>>
      %dma_start3A_482 = tpu.memref_squeeze %dma_start3A_481 : memref<1x640x128xf32, #tpu.memory_space<hbm>> -> memref<640x128xf32, #tpu.memory_space<hbm>>
      %dma_start3A_483 = arith.constant 0 : i32
      %dma_start3A_484 = tpu.memref_slice %arg7[%mul3A_472, %dma_start3A_483] : memref<10240x128xf32, #tpu.memory_space<vmem_shared>> -> memref<640x128xf32, #tpu.memory_space<vmem_shared>>
      tpu.enqueue_dma source(%dma_start3A_484 : memref<640x128xf32, #tpu.memory_space<vmem_shared>>) target(%dma_start3A_482 : memref<640x128xf32, #tpu.memory_space<hbm>>) target_semaphore(%run_scoped3A : memref<!tpu.dma_semaphore, #tpu.memory_space<semaphore_mem>>)
      %dma_wait3A_485 = arith.constant 0 : i32
      %dma_wait3A_486 = tpu.memref_slice %arg4[%arg0, %mul3A_474, %dma_wait3A_485] : memref<2x10240x128xf32, #tpu.memory_space<hbm>> -> memref<1x640x128xf32, #tpu.memory_space<hbm>>
      %dma_wait3A_487 = tpu.memref_squeeze %dma_wait3A_486 : memref<1x640x128xf32, #tpu.memory_space<hbm>> -> memref<640x128xf32, #tpu.memory_space<hbm>>
      %dma_wait3A_488 = arith.constant 0 : i32
      %dma_wait3A_489 = tpu.memref_slice %arg7[%mul3A_472, %dma_wait3A_488] : memref<10240x128xf32, #tpu.memory_space<vmem_shared>> -> memref<640x128xf32, #tpu.memory_space<vmem_shared>>
      tpu.wait_dma2 semaphore(%run_scoped3A : memref<!tpu.dma_semaphore, #tpu.memory_space<semaphore_mem>>) src(%dma_wait3A_489 : memref<640x128xf32, #tpu.memory_space<vmem_shared>>) dst(%dma_wait3A_487 : memref<640x128xf32, #tpu.memory_space<hbm>>)
      tpu.yield
    }) : () -> ()
    %lt3A_475 = arith.constant 10 : i32
    %lt3A_476 = arith.cmpi slt, %arg1, %lt3A_475 : i32
    %convert_element_type3A_477 = arith.extui %lt3A_476 : i1 to i32
    %cond3A_478 = arith.constant 0 : i32
    %cond3A_479 = arith.cmpi ne, %convert_element_type3A_477, %cond3A_478 : i32
    scf.if %cond3A_479 {
      %mul3A_480 = arith.constant 1024 : i32
      %mul3A_481 = arith.muli %arg1, %mul3A_480 : i32
      %mul3A_482 = arith.constant 10240 : i32
      %mul3A_483 = arith.muli %arg0, %mul3A_482 : i32
      %mul3A_484 = arith.constant 1024 : i32
      %mul3A_485 = arith.muli %arg1, %mul3A_484 : i32
      %add3A_486 = arith.addi %mul3A_483, %mul3A_485 : i32
      "tpu.region"() ({
        %run_scoped3A = tpu.sem_alloc : memref<!tpu.dma_semaphore, #tpu.memory_space<semaphore_mem>>
        %dma_start3A_494 = tpu.memref_slice %arg5[%add3A_486] : memref<20480xf32, #tpu.memory_space<hbm>> -> memref<1024xf32, #tpu.memory_space<hbm>>
        %dma_start3A_495 = tpu.memref_slice %arg8[%mul3A_481] : memref<10240xf32, #tpu.memory_space<vmem_shared>> -> memref<1024xf32, #tpu.memory_space<vmem_shared>>
        tpu.enqueue_dma source(%dma_start3A_495 : memref<1024xf32, #tpu.memory_space<vmem_shared>>) target(%dma_start3A_494 : memref<1024xf32, #tpu.memory_space<hbm>>) target_semaphore(%run_scoped3A : memref<!tpu.dma_semaphore, #tpu.memory_space<semaphore_mem>>)
        %dma_wait3A_496 = tpu.memref_slice %arg5[%add3A_486] : memref<20480xf32, #tpu.memory_space<hbm>> -> memref<1024xf32, #tpu.memory_space<hbm>>
        %dma_wait3A_497 = tpu.memref_slice %arg8[%mul3A_481] : memref<10240xf32, #tpu.memory_space<vmem_shared>> -> memref<1024xf32, #tpu.memory_space<vmem_shared>>
        tpu.wait_dma2 semaphore(%run_scoped3A : memref<!tpu.dma_semaphore, #tpu.memory_space<semaphore_mem>>) src(%dma_wait3A_497 : memref<1024xf32, #tpu.memory_space<vmem_shared>>) dst(%dma_wait3A_496 : memref<1024xf32, #tpu.memory_space<hbm>>)
        tpu.yield
      }) : () -> ()
      %mul3A_487 = arith.constant 1024 : i32
      %mul3A_488 = arith.muli %arg1, %mul3A_487 : i32
      %mul3A_489 = arith.constant 10240 : i32
      %mul3A_490 = arith.muli %arg0, %mul3A_489 : i32
      %mul3A_491 = arith.constant 1024 : i32
      %mul3A_492 = arith.muli %arg1, %mul3A_491 : i32
      %add3A_493 = arith.addi %mul3A_490, %mul3A_492 : i32
      "tpu.region"() ({
        %run_scoped3A = tpu.sem_alloc : memref<!tpu.dma_semaphore, #tpu.memory_space<semaphore_mem>>
        %dma_start3A_494 = tpu.memref_slice %arg6[%add3A_493] : memref<20480xf32, #tpu.memory_space<hbm>> -> memref<1024xf32, #tpu.memory_space<hbm>>
        %dma_start3A_495 = tpu.memref_slice %arg9[%mul3A_488] : memref<10240xf32, #tpu.memory_space<vmem_shared>> -> memref<1024xf32, #tpu.memory_space<vmem_shared>>
        tpu.enqueue_dma source(%dma_start3A_495 : memref<1024xf32, #tpu.memory_space<vmem_shared>>) target(%dma_start3A_494 : memref<1024xf32, #tpu.memory_space<hbm>>) target_semaphore(%run_scoped3A : memref<!tpu.dma_semaphore, #tpu.memory_space<semaphore_mem>>)
        %dma_wait3A_496 = tpu.memref_slice %arg6[%add3A_493] : memref<20480xf32, #tpu.memory_space<hbm>> -> memref<1024xf32, #tpu.memory_space<hbm>>
        %dma_wait3A_497 = tpu.memref_slice %arg9[%mul3A_488] : memref<10240xf32, #tpu.memory_space<vmem_shared>> -> memref<1024xf32, #tpu.memory_space<vmem_shared>>
        tpu.wait_dma2 semaphore(%run_scoped3A : memref<!tpu.dma_semaphore, #tpu.memory_space<semaphore_mem>>) src(%dma_wait3A_497 : memref<1024xf32, #tpu.memory_space<vmem_shared>>) dst(%dma_wait3A_496 : memref<1024xf32, #tpu.memory_space<hbm>>)
        tpu.yield
      }) : () -> ()
    } else {
    }
    return
  }
}

module attributes {stable_mosaic.version = 14 : i64} {
  func.func @_comb_body(%arg0: i32, %arg1: memref<1xf32, #tpu.memory_space<smem>>, %arg2: memref<2x5000x128xf32, #tpu.memory_space<vmem>>, %arg3: memref<2x5000x1xf32, #tpu.memory_space<vmem>>, %arg4: memref<5000x128xf32, #tpu.memory_space<vmem>>) attributes {dimension_semantics = [#tpu.dimension_semantics<arbitrary>], iteration_bounds = array<i64: 2>, scalar_prefetch = 0 : i64, scratch_operands = 0 : i64, tpu.core_type = #tpu.core_type<tc>, window_params = [{transform_indices = @transform_0, window_bounds = array<i64: 1>}, {transform_indices = @transform_1, window_bounds = array<i64: 2, 5000, 128>}, {transform_indices = @transform_2, window_bounds = array<i64: 2, 5000, 1>}, {transform_indices = @transform_3, window_bounds = array<i64: 5000, 128>}]} {
    %get3A = arith.constant 0 : index
    %get3A_0 = arith.constant 0 : index
    %get3A_1 = arith.constant 0 : index
    %get3A_2 = vector.load %arg2[%get3A, %get3A_0, %get3A_1] : memref<2x5000x128xf32, #tpu.memory_space<vmem>>, vector<1x5000x128xf32>
    %get3A_3 = vector.shape_cast %get3A_2 : vector<1x5000x128xf32> to vector<5000x128xf32>
    %get3A_4 = arith.constant 1 : index
    %get3A_5 = arith.constant 0 : index
    %get3A_6 = arith.constant 0 : index
    %get3A_7 = vector.load %arg2[%get3A_4, %get3A_5, %get3A_6] : memref<2x5000x128xf32, #tpu.memory_space<vmem>>, vector<1x5000x128xf32>
    %get3A_8 = vector.shape_cast %get3A_7 : vector<1x5000x128xf32> to vector<5000x128xf32>
    %add3A = arith.addf %get3A_3, %get3A_8 : vector<5000x128xf32>
    %get3A_9 = arith.constant 0 : index
    %get3A_10 = arith.constant 0 : index
    %get3A_11 = arith.constant 0 : index
    %get3A_12 = vector.load %arg3[%get3A_9, %get3A_10, %get3A_11] : memref<2x5000x1xf32, #tpu.memory_space<vmem>>, vector<1x5000x1xf32>
    %get3A_13 = vector.shape_cast %get3A_12 : vector<1x5000x1xf32> to vector<5000x1xf32>
    %get3A_14 = arith.constant 1 : index
    %get3A_15 = arith.constant 0 : index
    %get3A_16 = arith.constant 0 : index
    %get3A_17 = vector.load %arg3[%get3A_14, %get3A_15, %get3A_16] : memref<2x5000x1xf32, #tpu.memory_space<vmem>>, vector<1x5000x1xf32>
    %get3A_18 = vector.shape_cast %get3A_17 : vector<1x5000x1xf32> to vector<5000x1xf32>
    %add3A_19 = arith.addf %get3A_13, %get3A_18 : vector<5000x1xf32>
    %jit3A = arith.constant 1.000000e+00 : f32
    %max3A = vector.broadcast %jit3A : f32 to vector<5000x1xf32>
    %max3A_20 = arith.maximumf %max3A, %add3A_19 : vector<5000x1xf32>
    %get3A_21 = arith.constant 0 : index
    %get3A_22 = memref.load %arg1[%get3A_21] : memref<1xf32, #tpu.memory_space<smem>>
    %pow3A = vector.broadcast %get3A_22 : f32 to vector<5000x1xf32>
    %pow3A_23 = math.powf %max3A_20, %pow3A : vector<5000x1xf32>
    %mul3A = vector.broadcast %pow3A_23 : vector<5000x1xf32> to vector<5000x128xf32>
    %mul3A_24 = arith.mulf %add3A, %mul3A : vector<5000x128xf32>
    %swap3A = arith.constant 0 : index
    %swap3A_25 = arith.constant 0 : index
    %swap3A_26 = vector.load %arg4[%swap3A, %swap3A_25] : memref<5000x128xf32, #tpu.memory_space<vmem>>, vector<5000x128xf32>
    tpu.vector_store %arg4[%swap3A, %swap3A_25], %mul3A_24 {strides = array<i32>} : memref<5000x128xf32, #tpu.memory_space<vmem>>, vector<5000x128xf32>,
    return
  }
  func.func @transform_0(%arg0: i32) -> i32 {
    %c0_i32 = arith.constant 0 : i32
    %c0_i32_0 = arith.constant 0 : i32
    return %c0_i32 : i32
  }
  func.func @transform_1(%arg0: i32) -> (i32, i32, i32) {
    %c0_i32 = arith.constant 0 : i32
    %c0_i32_0 = arith.constant 0 : i32
    %c0_i32_1 = arith.constant 0 : i32
    return %c0_i32, %arg0, %c0_i32_0 : i32, i32, i32
  }
  func.func @transform_2(%arg0: i32) -> (i32, i32, i32) {
    %c0_i32 = arith.constant 0 : i32
    %c0_i32_0 = arith.constant 0 : i32
    %c0_i32_1 = arith.constant 0 : i32
    return %c0_i32, %arg0, %c0_i32_0 : i32, i32, i32
  }
  func.func @transform_3(%arg0: i32) -> (i32, i32) {
    %c0_i32 = arith.constant 0 : i32
    %c0_i32_0 = arith.constant 0 : i32
    return %arg0, %c0_i32 : i32, i32
  }
}

</mosaic_0001>

<sc_bundles>
// kernel: kernel.6.cloned.1.call-start
scs
__scs_entry_jumppad:
0x0: {  	(pc) =	sbr.rel $0x88, $3  }
0x1: {  	(tag) =	ssettag $0x0;
	lr =	simm.s32 $0x1  }
0x2: {  	[smem:$0x3F9E] =	sst lr;
	_ =	strace $0xD0000000  }
0x3: {  	_ = 	snop  }
0x4: {  	_ = 	snop  }
0x5: {  	_ = 	snop  }
0x6: {  	_ = 	snop  }
0x7: {  	_ = 	snop  }
__scs_overlays_trampoline_lowered:
0x8: {  	[smem:$0x3FAD] =	sst s0  }
0x9: {  	[smem:$0x3FAE] =	sst s1  }
0xa: {  	[smem:$0x3FAF] =	sst s2  }
0xb: {  	[smem:$0x3FB0] =	sst s3  }
0xc: {  	[smem:$0x3FB1] =	sst s4  }
0xd: {  	[smem:$0x3FB2] =	sst s5  }
0xe: {  	[smem:$0x3FB3] =	sst s6  }
0xf: {  	[smem:$0x3FB4] =	sst s7  }
0x10: {  	[smem:$0x3FB5] =	sst s8  }
0x11: {  	[smem:$0x3FB6] =	sst s9;
	s0 =	simm.s32 @!p0 $0x0  }
0x12: {  	s1 =	sld [smem:$0x3F9C];
	s0 =	simm.s32 @p0 $0x1  }
0x13: {  	[smem:$0x3FB7] =	sst s0;
	s0 =	simm.s32 @!p1 $0x0  }
0x14: {  	s2 =	sld [smem:$0x3F9B];
	s0 =	simm.s32 @p1 $0x1  }
0x15: {  	[smem:$0x3FB8] =	sst s0;
	s0 =	simm.s32 @!p2 $0x0  }
0x16: {  	s3 =	sld [smem:$0x3FDB];
	s0 =	simm.s32 @p2 $0x1  }
0x17: {  	s4 =	simm.s32 $0x1BF5;
	[smem:$0x3FBA] =	sst s0  }
0x18: {  	s0 =	sld [smem:$0x3F9D];
	_ =	swait.ge [sflag:s4], $0x0  }
0x19: {  	s7 =	sld [smem:$0x3F9E]  }
0x1a: {  	s8 =	sadd.s32 $0xFFFFE003, lr  }
0x1b: {  	s9 =	sadd.s32 $0xFFFFFEF7, lr;
	s5 =	simm.s32 $0xFFFFFFFF;
	p2 =	slt.u32 s8, $0xFFFFF086  }
0x1c: {  	p1 =	slt.u32 s9, $0xF7A;
	s5 =	simm.s32 @!p2 $0x0  }
0x1d: {  	s5 =	simm.s32 @p1 $0x1;
	p0 =	seq.s32 s7, s2  }
0x1e: {  	s7 =	smul.u32 @!p0 $0xF7A, s2;
	p2 =	seq.s32 @!p0 s5, $0x0  }
0x1f: {  	s9 =	smul.u32 $0xF7A, s1;
	s8 =	simm.s32 @!p0 $0x1BF5;
	p2 =	por !p2, p0  }
0x20: {  	[sflag:s8] =	ssyncset.s32 @!p0 $0xFFFFF086;
	s6 =	sadd.s32 @!p0 s3, s7;
	s7 =	simm.s32 @!p0 $0x108  }
0x21: {  	s3 =	sadd.s32 s3, s9;
	s6 =	sadd.s32 @!p0 $0x88, s6;
	s7 =	simm.s32 @p2 $0x1082  }
0x22: {  	[simem:s7], [sflag:s8] =	dma.local @!p0 [hbm:s6], $0xF7A  }
0x23: {  	s9 =	sor.u32 $0xD0000000, s2;
	s6 =	simm.s32 $0x108;
	_ =	swait.ge @!p0 [sflag:s8], $0x0  }
0x24: {  	s3 =	sadd.s32 $0x88, s3;
	s6 =	simm.s32 @!p1 $0x1082;
	[sflag:s4] =	ssyncset.s32 $0xFFFFF086  }
0x25: {  	[simem:s6], [sflag:s4] =	dma.local [hbm:s3], $0xF7A  }
0x26: {  	[smem:$0x3F9E] =	sst s1;
	(tag) =	ssettag s2;
	_ =	strace s9  }
0x27: {  	s1 =	sld [smem:$0x3FAE]  }
0x28: {  	s2 =	sld [smem:$0x3FAF]  }
0x29: {  	s4 =	sld [smem:$0x3FB1]  }
0x2a: {  	p0 =	seq.s32 s5, $0x0;
	s5 =	sld [smem:$0x3FB2]  }
0x2b: {  	s6 =	sld [smem:$0x3FB3]  }
0x2c: {  	s7 =	sld [smem:$0x3FB4]  }
0x2d: {  	s3 =	simm.s32 $0x108;
	s8 =	sld [smem:$0x3FB5]  }
0x2e: {  	s3 =	simm.s32 @!p0 $0x1082;
	s9 =	sld [smem:$0x3FB6]  }
0x2f: {  	lr =	sadd.s32 s0, s3;
	s0 =	sld [smem:$0x3FAD]  }
0x30: {  	s3 =	sld [smem:$0x3FB0]  }
0x31: {  	[smem:$0x3FB9] =	sst s10  }
0x32: {  	s10 =	sld [smem:$0x3FB7];
	_ =	sdelay $0x3  }
0x33: {  	p0 =	seq.s32 s10, $0x1;
	s10 =	sld [smem:$0x3FB9];
	_ =	sdelay $0x3  }
0x34: {  	[smem:$0x3FB9] =	sst s10  }
0x35: {  	s10 =	sld [smem:$0x3FB8];
	_ =	sdelay $0x3  }
0x36: {  	p1 =	seq.s32 s10, $0x1;
	s10 =	sld [smem:$0x3FB9];
	_ =	sdelay $0x3  }
0x37: {  	[smem:$0x3FB9] =	sst s10  }
0x38: {  	s10 =	sld [smem:$0x3FBA]  }
0x39: {  	_ = 	snop;
	(pc) =	sbr.ind lr, $3  }
0x3a: {  	_ = 	snop  }
0x3b: {  	_ = 	snop  }
0x3c: {  	p2 =	seq.s32 s10, $0x1;
	s10 =	sld [smem:$0x3FB9]  }
0x3d: {  	_ =	shalt  }
0x3e: {  	_ =	shalt  }
0x3f: {  	_ =	shalt  }
0x40: {  	_ =	shalt  }
0x41: {  	_ =	shalt  }
0x42: {  	_ =	shalt  }
0x43: {  	_ =	shalt  }
0x44: {  	_ =	shalt  }
0x45: {  	_ =	shalt  }
0x46: {  	_ =	shalt  }
0x47: {  	_ =	shalt  }
0x48: {  	_ =	shalt  }
0x49: {  	_ =	shalt  }
0x4a: {  	_ =	shalt  }
0x4b: {  	_ =	shalt  }
0x4c: {  	_ =	shalt  }
0x4d: {  	_ =	shalt  }
0x4e: {  	_ =	shalt  }
0x4f: {  	_ =	shalt  }
0x50: {  	_ =	shalt  }
0x51: {  	_ =	shalt  }
0x52: {  	_ =	shalt  }
0x53: {  	_ =	shalt  }
0x54: {  	_ =	shalt  }
0x55: {  	_ =	shalt  }
0x56: {  	_ =	shalt  }
0x57: {  	_ =	shalt  }
0x58: {  	_ =	shalt  }
0x59: {  	_ =	shalt  }
0x5a: {  	_ =	shalt  }
0x5b: {  	_ =	shalt  }
0x5c: {  	_ =	shalt  }
0x5d: {  	_ =	shalt  }
0x5e: {  	_ =	shalt  }
0x5f: {  	_ =	shalt  }
0x60: {  	_ =	shalt  }
0x61: {  	_ =	shalt  }
0x62: {  	_ =	shalt  }
0x63: {  	_ =	shalt  }
0x64: {  	_ =	shalt  }
0x65: {  	_ =	shalt  }
0x66: {  	_ =	shalt  }
0x67: {  	_ =	shalt  }
0x68: {  	_ =	shalt  }
0x69: {  	_ =	shalt  }
0x6a: {  	_ =	shalt  }
0x6b: {  	_ =	shalt  }
0x6c: {  	_ =	shalt  }
0x6d: {  	_ =	shalt  }
0x6e: {  	_ =	shalt  }
0x6f: {  	_ =	shalt  }
0x70: {  	_ =	shalt  }
0x71: {  	_ =	shalt  }
0x72: {  	_ =	shalt  }
0x73: {  	_ =	shalt  }
0x74: {  	_ =	shalt  }
0x75: {  	_ =	shalt  }
0x76: {  	_ =	shalt  }
0x77: {  	_ =	shalt  }
0x78: {  	_ =	shalt  }
0x79: {  	_ =	shalt  }
0x7a: {  	_ =	shalt  }
0x7b: {  	_ =	shalt  }
0x7c: {  	_ =	shalt  }
0x7d: {  	_ =	shalt  }
0x7e: {  	_ =	shalt  }
0x7f: {  	_ =	shalt  }
0x80: {  	_ =	shalt  }
0x81: {  	_ =	shalt  }
0x82: {  	_ =	shalt  }
0x83: {  	_ =	shalt  }
0x84: {  	_ =	shalt  }
0x85: {  	_ =	shalt  }
0x86: {  	_ =	shalt  }
0x87: {  	_ =	shalt  }
.Lfunc_end0:
.L_simem_size_0:
called_computation_lowered:
.L_overlay_start_0:
0x88: {  	s2 =	sld [smem:$0x3FD9]  }
0x89: {  	s3 =	sld [smem:$0x3FFE];
	_ =	sdelay $0x1  }
0x8a: {  	s1 =	srdreg.scid  }
0x8b: {  	s0 =	sand.u32 $0x1, s1  }
0x8c: {  	s14 =	sshll.u32 s0, $0xA;
	s2 =	sadd.s32 s3, s2  }
0x8d: {  	s2 =	sadd.s32 s2, s14  }
0x8e: {  	[smem:$0x3FC5] =	sst s2  }
0x8f: {  	_ = 	snop  }
0x90: {  	s2 =	sld [smem:$0x3FD0];
	_ =	sdelay $0x2  }
0x91: {  	s4 =	simm.s32 $0xA;
	s5 =	simm.s32 $0x10;
	s15 =	sld [smem:$0x3FC9]  }
0x92: {  	[smem:s5], [sflag:s4] =	dma.local [hbm:s2], $0x1  }
0x93: {  	_ =	swait.eq [sflag:s4], $0x1  }
0x94: {  	[sflag:s4] =	ssyncset.done $0x0  }
0x95: {  	s16 =	sld [smem:$0x10];
	[sflag:s4] =	ssyncadd.s32 $0xFFFFFFFF  }
0x96: {  	s17 =	sld [smem:$0x11];
	(tm) =	ssettm $0x1  }
0x97: {  	s18 =	sld [smem:$0x3FFB];
	_ =	sdelay $0x3  }
0x98: {  	_ =	strace s18  }
0x99: {  	s5 =	sld [smem:$0x3FFC];
	_ =	sdelay $0x3  }
0x9a: {  	_ =	strace s5  }
0x9b: {  	s5 =	sld [smem:$0x3FFD];
	_ =	sdelay $0x3  }
0x9c: {  	_ =	strace s5  }
0x9d: {  	_ =	strace $0x8FFFFFFF  }
0x9e: {  	s19 =	sld [smem:$0x3FDB];
	_ =	sdelay $0x1  }
0x9f: {  	s6 =	simm.s32 $_scs_section_size  }
0xa0: {  	s7 =	simm.s32 $_size__tile_overlayer_lowered;
	s8 =	simm.s32 $_tile_overlayer_lowered  }
0xa1: {  	s22 =	simm.s32 $0x1BFF;
	s21 =	sshll.u32 s8, $0x1;
	s5 =	sadd.s32 s6, s19  }
0xa2: {  	s9 =	simm.s32 $0x0;
	s20 =	sshll.u32 s7, $0x1;
	s7 =	sadd.s32 s21, s5  }
0xa3: {  	[timem:s9], [sflag:s22] =	dma.local [hbm:s7], s20  }
0xa4: {  	_ =	swait.ge [sflag:s22], s20  }
0xa5: {  	s6 =	ssub.s32 $0x0, s20;
	[sflag:s22] =	ssyncset.done $0x0  }
0xa6: {  	[sflag:s22] =	ssyncadd.s32 s6;
	_ =	sdelay $0x1  }
0xa7: {  	s23 =	simm.s32 $0x1B8B  }
0xa8: {  	_ =	swait.ge [sflag:s23], $0x1  }
0xa9: {  	[sflag:s23] =	ssyncset.done $0x0  }
0xaa: {  	s25 =	simm.s32 $0x1B8E;
	s24 =	sld [smem:$0x3FFE];
	[sflag:s23] =	ssyncadd.s32 $0xFFFFFFFF  }
0xab: {  	s26 =	simm.s32 $execute0_lowered;
	[smem:$0x3FD2] =	sst s25  }
0xac: {  	s7 =	sshll.u32 s26, $0x1;
	_ =	strace $0x80000046;
	[dreg:$0x1] =	wrdreg $0xFFFFFFFF  }
0xad: {  	s28 =	simm.s32 $_size_execute0_lowered;
	s5 =	sadd.s32 s5, s7;
	[dreg:$0x0] =	wrdreg $0x0  }
0xae: {  	s7 =	sshll.u32 s28, $0x1;
	[dreg:$0x2] =	wrdreg s5  }
0xaf: {  	[dreg:$0x3] =	wrdreg s7  }
0xb0: {  	[dreg:$0x4] =	wrdreg $0xC0  }
0xb1: {  	_ =	task [dreg:s9], $0x5FFFF  }
0xb2: {  	[dreg:$0x1] =	wrdreg $0xFFFFFFFF  }
0xb3: {  	[dreg:$0x0] =	wrdreg $0x60  }
0xb4: {  	[dreg:$0x2] =	wrdreg s15  }
0xb5: {  	[dreg:$0x3] =	wrdreg s16  }
0xb6: {  	[dreg:$0x4] =	wrdreg s24  }
0xb7: {  	[dreg:$0x5] =	wrdreg s17  }
0xb8: {  	[dreg:$0x6] =	wrdreg $0x0  }
0xb9: {  	[dreg:$0x7] =	wrdreg $0x140000  }
0xba: {  	[dreg:$0x8] =	wrdreg $0x142800  }
0xbb: {  	[dreg:$0x9] =	wrdreg $0x9  }
0xbc: {  	_ =	task.clear_ibuf [dreg:s9], $0xAFFFF;
	_ =	strace $0x90000046  }
0xbd: {  	s29 =	simm.s32 $0x9;
	_ =	strace $0x80000048  }
0xbe: {  	_ =	swait.ge [sflag:s29], $0x1  }
0xbf: {  	[sflag:s29] =	ssyncadd.s32 $0xFFFFFFFF  }
0xc0: {  	_ =	strace $0x90000048  }
0xc1: {  	_ =	sfence  }
0xc2: {  	s30 =	sld [smem:$0x0];
	_ =	sdelay $0x2  }
0xc3: {  	s31 =	sshll.u32 s1, $0xD;
	s1 =	sshrl.u32 s1, $0x2  }
0xc4: {  	s3 =	sand.u32 $0x4000, s31;
	s1 =	sadd.s32 s1, s30  }
0xc5: {  	s0 =	sor.u32 s3, s0;
	s1 =	sshll.u32 s1, $0x11  }
0xc6: {  	s0 =	sor.u32 s1, s0  }
0xc7: {  	s0 =	sadd.s32 $0x8F2B, s0  }
0xc8: {  	[sflag:s0] =	ssyncadd.remote.s32 $0x1  }
0xc9: {  	_ =	sfence.sel $0xFFFF  }
0xca: {  	[dreg:$0x0] =	wrdreg $0xFFFFFFFF;
	(pc) =	sbr.abs _section_cstart, $3  }
0xcb: {  	[dreg:$0x1] =	wrdreg $0xFFFFFFFF  }
0xcc: {  	_ =	task.clear_ibuf [dreg:s9], $0x2FFFF;
	_ =	strace $0x9FFFFFFF  }
0xcd: {  	(tm) =	ssettm $0x7FFFFFFF  }
tec
execute0_lowered:
.L_overlay_start_1:
0x0: {  	(tag) =	ssettag $0x1  }
0x1: {  	s16 =	rddreg [dreg:$0x1]  }
0x2: {  	s1 =	rddreg [dreg:$0x2]  }
0x3: {  	s3 =	rddreg [dreg:$0x3]  }
0x4: {  	s0 =	rddreg [dreg:$0x4]  }
0x5: {  	s2 =	rddreg [dreg:$0x5];
	s17 =	stileid.u32  }
0x6: {  	s4 =	srdreg.scid;
	s9 =	smul.u32 $0x14000, s17  }
0x7: {  	s5 =	rddreg [dreg:$0x6];
	s7 =	simm.s32 $0x0;
	s24 =	smul.u32 $0x50000, s17  }
0x8: {  	s31 =	simm.s32 $0x14500;
	s4 =	sand.u32 $0x1, s4;
	s25 =	smul.u32 $0x4E20, s17  }
0x9: {  	[smem:$0x7FF] =	sst s7;
	s10 =	sshll.u32 s17, $0xA;
	s8 =	smul.u32 $0x140000, s4  }
0xa: {  	s11 =	sshll.u32 s17, $0x1;
	_ =	strace $0x80000047;
	s18 =	smul.u32 $0x2800, s4  }
0xb: {  	s12 =	ssub.s32 $0x2, s4;
	s11 =	sor.u32 s4, s11;
	s4 =	smul.u32 $0x2710, s4  }
0xc: {  	s2 =	sadd.s32 s10, s2;
	s13 =	sshrl.u32 s12, $0x1;
	s11 =	smul.u32 $0x2710, s11  }
0xd: {  	s26 =	sshrl.u32 s24, $0x2;
	[dreg:$0xe] =	wrdreg s2;
	s8 =	sadd.s32 s9, s8  }
0xe: {  	s9 =	sadd.s32 s10, s18;
	s12 =	ssub.s32 s12, s13;
	s10 =	sadd.s32 s10, s5  }
0xf: {  	s6 =	sadd.s32 s4, s25;
	s8 =	sshrl.u32 s8, $0x3;
	s9 =	sshrl.u32 s9, $0x3  }
0x10: {  	s19 =	sshrl.u32 s11, $0x3;
	s14 =	sadd.s32 $0x28, s11;
	s15 =	sadd.s32 $0x4E228, s11  }
0x11: {  	s23 =	sadd.s32 $0x78, s11;
	s11 =	sadd.s32 $0x4E278, s11;
	[dreg:$0xf] =	wrdreg s10  }
0x12: {  	s4 =	sadd.s32 $0x4E368, s6;
	s10 =	sadd.s32 $0x140, s6;
	s24 =	sadd.s32 $0xF0, s6  }
0x13: {  	s25 =	sadd.s32 $0x4E2F0, s6;
	s8 =	sadd.s32 s8, s1;
	s3 =	sadd.s32 s3, s9  }
0x14: {  	s18 =	sadd.s32 s16, s19;
	s20 =	sshrl.u32 s14, $0x3;
	[dreg:$0x11] =	wrdreg s3  }
0x15: {  	s21 =	sshrl.u32 s15, $0x3;
	s13 =	sadd.s32 s16, s20;
	[dreg:$0x8] =	wrdreg s18  }
0x16: {  	s11 =	sshrl.u32 s11, $0x3;
	s22 =	sadd.s32 s16, s21;
	[dreg:$0x9] =	wrdreg s13  }
0x17: {  	s1 =	sadd.s32 s9, s1;
	s11 =	sadd.s32 s16, s11;
	[dreg:$0xa] =	wrdreg s22  }
0x18: {  	s9 =	sadd.s32 $0x168, s6;
	s8 =	sadd.s32 $0x1200, s8;
	[dreg:$0xc] =	wrdreg s11  }
0x19: {  	s15 =	sadd.s32 $0x4E340, s6;
	s1 =	sadd.s32 $0x51200, s1;
	[dreg:$0x10] =	wrdreg s8  }
0x1a: {  	s19 =	sadd.s32 $0x118, s6;
	s3 =	sadd.s32 $0xC8, s6;
	[dreg:$0x12] =	wrdreg s1  }
0x1b: {  	s20 =	sadd.s32 $0x4E318, s6;
	s5 =	sadd.s32 $0x9C40, s18;
	[dreg:$0x1c] =	wrdreg s3  }
0x1c: {  	s11 =	sadd.s32 s26, s0;
	s8 =	smax.u32 s12, $0x1;
	[dreg:$0x1e] =	wrdreg s5  }
0x1d: {  	s26 =	sadd.s32 $0x4E2C8, s6;
	s6 =	sadd.s32 $0xA, s18;
	[dreg:$0x13] =	wrdreg s8  }
0x1e: {  	s1 =	sshrl.u32 s9, $0x3;
	s9 =	sadd.s32 $0x14, s18;
	[dreg:$0x1f] =	wrdreg s6  }
0x1f: {  	s29 =	simm.s32 $0x14780;
	s13 =	sshrl.u32 s23, $0x3;
	[smem:$0x7ED] =	sst s9  }
0x20: {  	s28 =	simm.s32 $0x14700;
	s13 =	sadd.s32 s16, s13;
	[dreg:$0xd] =	wrdreg s11  }
0x21: {  	s22 =	sshrl.u32 s20, $0x3;
	s1 =	sadd.s32 s1, s16;
	[dreg:$0xb] =	wrdreg s13  }
0x22: {  	s30 =	simm.s32 $0x17200;
	s23 =	sadd.s32 s22, s16;
	[dreg:$0x14] =	wrdreg s1  }
0x23: {  	p0 =	sgt.u32 s17, $0x9;
	s8 =	sadd.s32 $0x9C4A, s18;
	[dreg:$0x19] =	wrdreg s23  }
0x24: {  	s21 =	sshrl.u32 s19, $0x3;
	s17 =	sadd.s32 $0x7800, s11;
	[smem:$0x7EC] =	sst s8  }
0x25: {  	s12 =	sshrl.u32 s4, $0x3;
	s19 =	sadd.s32 $0xA000, s11;
	[smem:$0x7F4] =	sst s17  }
0x26: {  	s0 =	sshrl.u32 s25, $0x3;
	s20 =	sadd.s32 $0xB400, s11;
	[smem:$0x7F6] =	sst s19  }
0x27: {  	s5 =	simm.s32 $0x18600;
	s22 =	sadd.s32 $0xDC00, s11;
	[smem:$0x7F7] =	sst s20  }
0x28: {  	s2 =	sshrl.u32 s26, $0x3;
	s25 =	sadd.s32 $0x11800, s11;
	[smem:$0x7F9] =	sst s22  }
0x29: {  	s26 =	sadd.s32 $0x12C00, s11;
	s9 =	simm.s32 $0x14800;
	[smem:$0x7FC] =	sst s25  }
0x2a: {  	s6 =	simm.s32 $0x19A00;
	s1 =	sadd.s32 s12, s16;
	[smem:$0x7FD] =	sst s26  }
0x2b: {  	s13 =	sshrl.u32 s10, $0x3;
	s4 =	sadd.s32 s2, s16;
	[dreg:$0x15] =	wrdreg s1  }
0x2c: {  	s10 =	sadd.s32 $0x9C54, s18;
	s12 =	sadd.s32 $0x1400, s11;
	[dreg:$0x1d] =	wrdreg s4  }
0x2d: {  	s18 =	sadd.s32 $0x8C00, s11;
	s23 =	sadd.s32 $0xF000, s11;
	[smem:$0x7EE] =	sst s10  }
0x2e: {  	s8 =	simm.s32 $0x14600;
	s26 =	simm.s32 $0x14900;
	[smem:$0x7EF] =	sst s12  }
0x2f: {  	s20 =	simm.s32 $0x4;
	s22 =	simm.s32 $0x5;
	[smem:$0x7F5] =	sst s18  }
0x30: {  	s25 =	simm.s32 $0x1AE00;
	s14 =	sadd.s32 s13, s16;
	[smem:$0x7FA] =	sst s23  }
0x31: {  	s17 =	simm.s32 $0xF;
	s13 =	sadd.s32 $0x2800, s11;
	[dreg:$0x16] =	wrdreg s14  }
0x32: {  	s1 =	sshrl.u32 s15, $0x3;
	s15 =	sadd.s32 $0x5000, s11;
	[smem:$0x7F0] =	sst s13  }
0x33: {  	s4 =	simm.s32 $0x14580;
	s1 =	sadd.s32 s1, s16;
	[smem:$0x7F2] =	sst s15  }
0x34: {  	s10 =	simm.s32 $0x14880;
	s14 =	sadd.s32 $0x3C00, s11;
	[dreg:$0x17] =	wrdreg s1  }
0x35: {  	s23 =	simm.s32 $0xE;
	s1 =	sadd.s32 s21, s16;
	[smem:$0x7F1] =	sst s14  }
0x36: {  	s15 =	simm.s32 $0x2;
	s21 =	sadd.s32 $0xC800, s11;
	[dreg:$0x18] =	wrdreg s1  }
0x37: {  	s13 =	simm.s32 $0xB;
	s1 =	sshrl.u32 s24, $0x3;
	[smem:$0x7F8] =	sst s21  }
.Ltmp0:
0x38: {  	s24 =	sadd.s32 $0x10400, s11;
	s21 =	simm.s32 $0xD;
	(pc) =	sbr.rel .LBB2_1-.Ltmp0, $4  }
0x39: {  	s1 =	sadd.s32 s1, s16;
	[smem:$0x7FB] =	sst s24;
	s24 =	simm.s32 $0x14680  }
0x3a: {  	[dreg:$0x1a] =	wrdreg s1;
	s1 =	sadd.s32 s0, s16;
	s16 =	sadd.s32 $0x6400, s11  }
0x3b: {  	s11 =	simm.s32 $0x3;
	s0 =	simm.s32 $0x0;
	[dreg:$0x1b] =	wrdreg s1  }
0x3c: {  	v0 =	vimm.f32 $0.0e+00;
	v1 =	vimm.f32 $1.000000000e+00;
	[smem:$0x7F3] =	sst s16;
	s16 =	simm.s32 $0x28;
	s1 =	simm.s32 $0xC  }
.LBB2_8:
0x3d: {  	_ =	swait.ge [sflag:s1], $0x28  }
0x3e: {  	[sflag:s1] =	ssyncset.done $0x0  }
0x3f: {  	[sflag:s1] =	ssyncadd.s32 $0xFFFFFFD8  }
0x40: {  	_ =	swait.ge [sflag:s1], $0x28  }
0x41: {  	[sflag:s1] =	ssyncset.done $0x0  }
0x42: {  	[sflag:s1] =	ssyncadd.s32 $0xFFFFFFD8  }
0x43: {  	_ =	swait.ge [sflag:s1], $0x1400  }
0x44: {  	[sflag:s1] =	ssyncset.done $0x0  }
0x45: {  	[sflag:s1] =	ssyncadd.s32 $0xFFFFEC00  }
0x46: {  	_ =	swait.ge [sflag:s21], $0x28  }
0x47: {  	[sflag:s21] =	ssyncset.done $0x0  }
0x48: {  	[sflag:s21] =	ssyncadd.s32 $0xFFFFFFD8  }
0x49: {  	_ =	swait.ge [sflag:s21], $0x28  }
0x4a: {  	[sflag:s21] =	ssyncset.done $0x0  }
0x4b: {  	[sflag:s21] =	ssyncadd.s32 $0xFFFFFFD8  }
0x4c: {  	_ =	swait.ge [sflag:s21], $0x1400  }
0x4d: {  	[sflag:s21] =	ssyncset.done $0x0  }
0x4e: {  	[sflag:s21] =	ssyncadd.s32 $0xFFFFEC00  }
0x4f: {  	_ =	swait.ge [sflag:s23], $0x28  }
0x50: {  	[sflag:s23] =	ssyncset.done $0x0  }
0x51: {  	[sflag:s23] =	ssyncadd.s32 $0xFFFFFFD8  }
0x52: {  	_ =	swait.ge [sflag:s23], $0x28  }
0x53: {  	[sflag:s23] =	ssyncset.done $0x0  }
0x54: {  	[sflag:s23] =	ssyncadd.s32 $0xFFFFFFD8  }
0x55: {  	_ =	swait.ge [sflag:s23], $0x1400  }
0x56: {  	[sflag:s23] =	ssyncset.done $0x0  }
0x57: {  	[sflag:s23] =	ssyncadd.s32 $0xFFFFEC00  }
0x58: {  	_ =	swait.ge [sflag:s17], $0x28  }
0x59: {  	[sflag:s17] =	ssyncset.done $0x0  }
0x5a: {  	[sflag:s17] =	ssyncadd.s32 $0xFFFFFFD8  }
0x5b: {  	_ =	swait.ge [sflag:s17], $0x28  }
0x5c: {  	[sflag:s17] =	ssyncset.done $0x0  }
0x5d: {  	[sflag:s17] =	ssyncadd.s32 $0xFFFFFFD8  }
0x5e: {  	_ =	swait.ge [sflag:s17], $0x1400  }
0x5f: {  	[sflag:s17] =	ssyncset.done $0x0  }
0x60: {  	[sflag:s17] =	ssyncadd.s32 $0xFFFFEC00  }
0x61: {  	s3 =	stileid.u32;
	[bflag:$0x0] =	sbarrier.arrive $0xFFFF  }
0x62: {  	s0 =	simm.s32 $0x11;
	s18 =	sshll.u32 s3, $0x6;
	s12 =	rddreg [dreg:$0xd]  }
0x63: {  	s18 =	sor.u32 $0x1C11, s18;
	s14 =	rddreg [dreg:$0x10];
	s19 =	sshrl.u32 s12, $0x3  }
0x64: {  	[hbm:s14], [sflag:s18] =	dma.local [spmem:s19], $0x2800  }
0x65: {  	_ =	swait.ge [sflag:s0], $0x2800  }
0x66: {  	[sflag:s0] =	ssyncset.done $0x0;
	s3 =	rddreg [dreg:$0xe]  }
0x67: {  	[sflag:s0] =	ssyncadd.s32 $0xFFFFD800;
	s19 =	sshrl.u32 @!p0 s3, $0x3;
	s3 =	rddreg [dreg:$0x11]  }
0x68: {  	[hbm:s3], [sflag:s18] =	dma.local @!p0 [spmem:s19], $0x80  }
0x69: {  	s19 =	simm.s32 @!p0 $0x11  }
0x6a: {  	_ =	swait.ge @!p0 [sflag:s19], $0x80  }
0x6b: {  	[sflag:s19] =	ssyncset.done @!p0 $0x0;
	s3 =	rddreg [dreg:$0xf]  }
0x6c: {  	[sflag:s19] =	ssyncadd.s32 @!p0 $0xFFFFFF80;
	s31 =	sshrl.u32 @!p0 s3, $0x3;
	s3 =	rddreg [dreg:$0x12]  }
0x6d: {  	[hbm:s3], [sflag:s18] =	dma.local @!p0 [spmem:s31], $0x80  }
0x6e: {  	_ =	swait.ge @!p0 [sflag:s19], $0x80  }
0x6f: {  	s24 =	sld [smem:$0x7EB];
	_ =	sdelay $0x2  }
0x70: {  	s26 =	rddreg [dreg:$0x13];
	s0 =	sadd.s32 $0x1, s24  }
0x71: {  	p1 =	sne.s32 s0, s26  }
.Ltmp1:
0x72: {  	s29 =	simm.s32 $0x14780;
	(pc) =	sbr.rel @!p1 .LBB2_9-.Ltmp1, $4  }
0x73: {  	s4 =	simm.s32 $0x14580;
	s9 =	simm.s32 $0x14800;
	s8 =	simm.s32 $0x14600  }
0x74: {  	s10 =	simm.s32 $0x14880;
	s28 =	simm.s32 $0x14700;
	s30 =	simm.s32 $0x17200  }
0x75: {  	s5 =	simm.s32 $0x18600;
	s31 =	simm.s32 $0x14500;
	[sflag:s19] =	ssyncset.done @!p0 $0x0  }
0x76: {  	[sflag:s19] =	ssyncadd.s32 @!p0 $0xFFFFFF80;
	s24 =	simm.s32 $0x14680;
	s26 =	simm.s32 $0x14900  }
.LBB2_1:
0x77: {  	s3 =	rddreg [dreg:$0x8]  }
0x78: {  	s12 =	rddreg [dreg:$0x1e]  }
0x79: {  	[tilespmem:s31], [sflag:$0x1] =	stream.linear.gather [hbm4b:s3+s7], $0x28, $0x38;
	[tilespmem:$0x1C680] =	vst v63  }
0x7a: {  	s14 =	rddreg [dreg:$0x9]  }
0x7b: {  	[tilespmem:s29], [sflag:$0x1] =	stream.linear.gather [hbm4b:s12+s7], $0x28, $0x38;
	[tilespmem:$0x1C680] =	vst v63  }
0x7c: {  	s18 =	rddreg [dreg:$0xa]  }
0x7d: {  	[tilespmem:s4], [sflag:$0x2] =	stream.linear.gather [hbm4b:s14+s7], $0x28, $0x38;
	[tilespmem:$0x1C680] =	vst v63  }
0x7e: {  	s19 =	rddreg [dreg:$0x1f]  }
0x7f: {  	[tilespmem:s9], [sflag:$0x2] =	stream.linear.gather [hbm4b:s18+s7], $0x28, $0x38;
	[tilespmem:$0x1C680] =	vst v63  }
0x80: {  	s2 =	sld [smem:$0x7EC]  }
0x81: {  	[tilespmem:s8], [sflag:$0x3] =	stream.linear.gather [hbm4b:s19+s7], $0x28, $0x38;
	[tilespmem:$0x1C680] =	vst v63  }
0x82: {  	s12 =	rddreg [dreg:$0xb]  }
0x83: {  	[tilespmem:s10], [sflag:$0x3] =	stream.linear.gather [hbm4b:s2+s7], $0x28, $0x38;
	[tilespmem:$0x1C680] =	vst v63  }
0x84: {  	s14 =	rddreg [dreg:$0xc]  }
0x85: {  	[tilespmem:s24], [sflag:$0x4] =	stream.linear.gather [hbm4b:s12+s7], $0x28, $0x38;
	[tilespmem:$0x1C680] =	vst v63  }
0x86: {  	s18 =	sld [smem:$0x7ED]  }
0x87: {  	[tilespmem:s26], [sflag:$0x4] =	stream.linear.gather [hbm4b:s14+s7], $0x28, $0x38;
	[tilespmem:$0x1C680] =	vst v63  }
0x88: {  	s19 =	sld [smem:$0x7EE]  }
0x89: {  	[tilespmem:s28], [sflag:$0x5] =	stream.linear.gather [hbm4b:s18+s7], $0x28, $0x38;
	[tilespmem:$0x1C680] =	vst v63  }
0x8a: {  	s14 =	simm.s32 $0x14980  }
0x8b: {  	[tilespmem:s14], [sflag:$0x5] =	stream.linear.gather [hbm4b:s19+s7], $0x28, $0x38;
	[tilespmem:$0x1C680] =	vst v63  }
0x8c: {  	s18 =	simm.s32 $0x0;
	s19 =	simm.s32 $0x200  }
.LBB2_2:
0x8d: {  	p1 =	sne.s32 s19, $0x4E00;
	[tilespmem:s18+$0x1AEF0] =	vst v0  }
0x8e: {  	[tilespmem:s18+$0x1AE80] =	vst v0  }
0x8f: {  	[tilespmem:s18+$0x1AE90] =	vst v0  }
.Ltmp2:
0x90: {  	[tilespmem:s18+$0x1AEA0] =	vst v0;
	(pc) =	sbr.rel @p1 .LBB2_2-.Ltmp2, $4  }
0x91: {  	[tilespmem:s18+$0x1AEB0] =	vst v0  }
0x92: {  	[tilespmem:s18+$0x1AEC0] =	vst v0  }
0x93: {  	[tilespmem:s18+$0x1AED0] =	vst v0  }
0x94: {  	[tilespmem:s18+$0x1AEE0] =	vst v0;
	s18 =	sshra.s32 s19, $0x2;
	s19 =	sadd.s32 $0x200, s19  }
0x95: {  	[tilespmem:s18+$0x1AEF0] =	vst v0  }
0x96: {  	[tilespmem:s18+$0x1AE80] =	vst v0  }
0x97: {  	[tilespmem:s18+$0x1AE90] =	vst v0  }
0x98: {  	[tilespmem:s18+$0x1AEA0] =	vst v0  }
0x99: {  	[tilespmem:s18+$0x1AEB0] =	vst v0  }
0x9a: {  	[tilespmem:s18+$0x1AEC0] =	vst v0  }
0x9b: {  	[tilespmem:s18+$0x1AED0] =	vst v0  }
0x9c: {  	[smem:$0x7EB] =	sst s0;
	[tilespmem:s18+$0x1AEE0] =	vst v0;
	s18 =	simm.s32 $0x40;
	s19 =	simm.s32 $0x0  }
.LBB2_4:
0x9d: {  	p1 =	sne.s32 s18, $0xFC0;
	[tilespmem:s19+$0x1C280] =	vst v0;
	s19 =	smov.u32 s18;
	s18 =	sadd.s32 $0x40, s18  }
.Ltmp3:
0x9e: {  	(pc) =	sbr.rel @p1 .LBB2_4-.Ltmp3, $2  }
0x9f: {  	_ =	sdelay $0x2  }
0xa0: {  	s19 =	sshra.s32 s19, $0x2  }
0xa1: {  	[tilespmem:s19+$0x1C280] =	vst v0  }
0xa2: {  	[tilespmem:$0x1AE00] =	vst v1  }
0xa3: {  	s3 =	rddreg [dreg:$0xd];
	[tilespmem:$0x1AE10] =	vst v1  }
0xa4: {  	s14 =	simm.s32 $0x1AE80;
	s19 =	sld [smem:$0x7EF];
	[tilespmem:$0x1AE20] =	vst v1  }
0xa5: {  	[spmem:s3] =	stream.linear.scatter [tilespmem:s14], [sflag:$0x10], $0x1400, $0x38;
	[tilespmem:$0x1C680] =	vst v63  }
0xa6: {  	s0 =	sld [smem:$0x7F0]  }
0xa7: {  	[spmem:s19] =	stream.linear.scatter [tilespmem:s14], [sflag:$0x10], $0x1400, $0x38;
	[tilespmem:$0x1C680] =	vst v63  }
0xa8: {  	s2 =	sld [smem:$0x7F1]  }
0xa9: {  	[spmem:s0] =	stream.linear.scatter [tilespmem:s14], [sflag:$0x10], $0x1400, $0x38;
	[tilespmem:$0x1C680] =	vst v63  }
0xaa: {  	s12 =	sld [smem:$0x7F2]  }
0xab: {  	[spmem:s2] =	stream.linear.scatter [tilespmem:s14], [sflag:$0x10], $0x1400, $0x38;
	[tilespmem:$0x1C680] =	vst v63  }
0xac: {  	s18 =	sld [smem:$0x7F3]  }
0xad: {  	[spmem:s12] =	stream.linear.scatter [tilespmem:s14], [sflag:$0x10], $0x1400, $0x38;
	[tilespmem:$0x1C680] =	vst v63  }
0xae: {  	s19 =	sld [smem:$0x7F4]  }
0xaf: {  	[spmem:s18] =	stream.linear.scatter [tilespmem:s14], [sflag:$0x10], $0x1400, $0x38;
	[tilespmem:$0x1C680] =	vst v63  }
0xb0: {  	s0 =	sld [smem:$0x7F5]  }
0xb1: {  	[spmem:s19] =	stream.linear.scatter [tilespmem:s14], [sflag:$0x10], $0x1400, $0x38;
	[tilespmem:$0x1C680] =	vst v63  }
0xb2: {  	s2 =	sld [smem:$0x7F6]  }
0xb3: {  	[spmem:s0] =	stream.linear.scatter [tilespmem:s14], [sflag:$0x10], $0x1400, $0x38;
	[tilespmem:$0x1C680] =	vst v63  }
0xb4: {  	s12 =	sld [smem:$0x7F7]  }
0xb5: {  	[spmem:s2] =	stream.linear.scatter [tilespmem:s14], [sflag:$0x10], $0x1400, $0x38;
	[tilespmem:$0x1C680] =	vst v63  }
0xb6: {  	s18 =	sld [smem:$0x7F8]  }
0xb7: {  	[spmem:s12] =	stream.linear.scatter [tilespmem:s14], [sflag:$0x10], $0x1400, $0x38;
	[tilespmem:$0x1C680] =	vst v63  }
0xb8: {  	s19 =	sld [smem:$0x7F9]  }
0xb9: {  	[spmem:s18] =	stream.linear.scatter [tilespmem:s14], [sflag:$0x10], $0x1400, $0x38;
	[tilespmem:$0x1C680] =	vst v63  }
0xba: {  	s0 =	sld [smem:$0x7FA]  }
0xbb: {  	[spmem:s19] =	stream.linear.scatter [tilespmem:s14], [sflag:$0x10], $0x1400, $0x38;
	[tilespmem:$0x1C680] =	vst v63  }
0xbc: {  	s2 =	sld [smem:$0x7FB]  }
0xbd: {  	[spmem:s0] =	stream.linear.scatter [tilespmem:s14], [sflag:$0x10], $0x1400, $0x38;
	[tilespmem:$0x1C680] =	vst v63  }
0xbe: {  	s12 =	sld [smem:$0x7FC]  }
0xbf: {  	[spmem:s2] =	stream.linear.scatter [tilespmem:s14], [sflag:$0x10], $0x1400, $0x38;
	[tilespmem:$0x1C680] =	vst v63  }
0xc0: {  	s18 =	sld [smem:$0x7FD]  }
0xc1: {  	[spmem:s12] =	stream.linear.scatter [tilespmem:s14], [sflag:$0x10], $0x1400, $0x38;
	[tilespmem:$0x1C680] =	vst v63  }
0xc2: {  	_ = 	snop  }
0xc3: {  	[spmem:s18] =	stream.linear.scatter [tilespmem:s14], [sflag:$0x10], $0x1400, $0x38;
	[tilespmem:$0x1C680] =	vst v63  }
0xc4: {  	s3 =	rddreg [dreg:$0xe];
	s18 =	simm.s32 @!p0 $0x1C280  }
0xc5: {  	[spmem:s3] =	stream.linear.scatter @!p0 [tilespmem:s18], [sflag:$0x10], $0x400, $0x38;
	[tilespmem:$0x1C680] =	vst v63  }
0xc6: {  	s0 =	simm.s32 $0x1;
	s3 =	rddreg [dreg:$0xf]  }
0xc7: {  	[spmem:s3] =	stream.linear.scatter @!p0 [tilespmem:s18], [sflag:$0x10], $0x400, $0x38;
	[tilespmem:$0x1C680] =	vst v63  }
0xc8: {  	_ =	swait.ge [sflag:s0], $0x28  }
0xc9: {  	[sflag:s0] =	ssyncset.done $0x0  }
0xca: {  	[sflag:s0] =	ssyncadd.s32 $0xFFFFFFD8  }
0xcb: {  	_ =	swait.ge [sflag:s0], $0x28  }
0xcc: {  	[sflag:s0] =	ssyncset.done $0x0  }
0xcd: {  	[sflag:s0] =	ssyncadd.s32 $0xFFFFFFD8  }
0xce: {  	s14 =	simm.s32 $0x14A00;
	s0 =	rddreg [dreg:$0x0]  }
0xcf: {  	[tilespmem:s14], [sflag:$0x6] =	stream.indirect.gather [hbm4b:s0+s16], $0x80, s31, s16, $0xb8;
	[tilespmem:$0x1C680] =	vst v63  }
0xd0: {  	_ =	swait.ge [sflag:s15], $0x28  }
0xd1: {  	[sflag:s15] =	ssyncset.done $0x0  }
0xd2: {  	[sflag:s15] =	ssyncadd.s32 $0xFFFFFFD8  }
0xd3: {  	_ =	swait.ge [sflag:s15], $0x28  }
0xd4: {  	[sflag:s15] =	ssyncset.done $0x0  }
0xd5: {  	s2 =	simm.s32 $0x15E00;
	[sflag:s15] =	ssyncadd.s32 $0xFFFFFFD8  }
0xd6: {  	[tilespmem:s2], [sflag:$0x7] =	stream.indirect.gather [hbm4b:s0+s16], $0x80, s4, s16, $0xb8;
	[tilespmem:$0x1C680] =	vst v63  }
0xd7: {  	_ =	swait.ge [sflag:s11], $0x28  }
0xd8: {  	[sflag:s11] =	ssyncset.done $0x0  }
0xd9: {  	[sflag:s11] =	ssyncadd.s32 $0xFFFFFFD8  }
0xda: {  	_ =	swait.ge [sflag:s11], $0x28  }
0xdb: {  	[sflag:s11] =	ssyncset.done $0x0  }
0xdc: {  	[sflag:s11] =	ssyncadd.s32 $0xFFFFFFD8  }
0xdd: {  	[tilespmem:s30], [sflag:$0x8] =	stream.indirect.gather [hbm4b:s0+s16], $0x80, s8, s16, $0xb8;
	[tilespmem:$0x1C680] =	vst v63  }
0xde: {  	_ =	swait.ge [sflag:s20], $0x28  }
0xdf: {  	[sflag:s20] =	ssyncset.done $0x0  }
0xe0: {  	[sflag:s20] =	ssyncadd.s32 $0xFFFFFFD8  }
0xe1: {  	_ =	swait.ge [sflag:s20], $0x28  }
0xe2: {  	[sflag:s20] =	ssyncset.done $0x0  }
0xe3: {  	[sflag:s20] =	ssyncadd.s32 $0xFFFFFFD8  }
0xe4: {  	[tilespmem:s5], [sflag:$0x9] =	stream.indirect.gather [hbm4b:s0+s16], $0x80, s24, s16, $0xb8;
	[tilespmem:$0x1C680] =	vst v63  }
0xe5: {  	_ =	swait.ge [sflag:s22], $0x28  }
0xe6: {  	[sflag:s22] =	ssyncset.done $0x0  }
0xe7: {  	[sflag:s22] =	ssyncadd.s32 $0xFFFFFFD8  }
0xe8: {  	_ =	swait.ge [sflag:s22], $0x28  }
0xe9: {  	[sflag:s22] =	ssyncset.done $0x0  }
0xea: {  	s19 =	simm.s32 $0x10;
	[sflag:s22] =	ssyncadd.s32 $0xFFFFFFD8  }
0xeb: {  	[tilespmem:s6], [sflag:$0xA] =	stream.indirect.gather [hbm4b:s0+s16], $0x80, s28, s16, $0xb8;
	[tilespmem:$0x1C680] =	vst v63  }
0xec: {  	_ =	swait.ge [sflag:s19], $0x1400  }
0xed: {  	[sflag:s19] =	ssyncset.done $0x0  }
0xee: {  	[sflag:s19] =	ssyncadd.s32 $0xFFFFEC00  }
0xef: {  	_ =	swait.ge [sflag:s19], $0x1400  }
0xf0: {  	[sflag:s19] =	ssyncset.done $0x0  }
0xf1: {  	[sflag:s19] =	ssyncadd.s32 $0xFFFFEC00  }
0xf2: {  	_ =	swait.ge [sflag:s19], $0x1400  }
0xf3: {  	[sflag:s19] =	ssyncset.done $0x0  }
0xf4: {  	[sflag:s19] =	ssyncadd.s32 $0xFFFFEC00  }
0xf5: {  	_ =	swait.ge [sflag:s19], $0x1400  }
0xf6: {  	[sflag:s19] =	ssyncset.done $0x0  }
0xf7: {  	[sflag:s19] =	ssyncadd.s32 $0xFFFFEC00  }
0xf8: {  	_ =	swait.ge [sflag:s19], $0x1400  }
0xf9: {  	[sflag:s19] =	ssyncset.done $0x0  }
0xfa: {  	[sflag:s19] =	ssyncadd.s32 $0xFFFFEC00  }
0xfb: {  	_ =	swait.ge [sflag:s19], $0x1400  }
0xfc: {  	[sflag:s19] =	ssyncset.done $0x0  }
0xfd: {  	[sflag:s19] =	ssyncadd.s32 $0xFFFFEC00  }
0xfe: {  	_ =	swait.ge [sflag:s19], $0x1400  }
0xff: {  	[sflag:s19] =	ssyncset.done $0x0  }
0x100: {  	[sflag:s19] =	ssyncadd.s32 $0xFFFFEC00  }
0x101: {  	_ =	swait.ge [sflag:s19], $0x1400  }
0x102: {  	[sflag:s19] =	ssyncset.done $0x0  }
0x103: {  	[sflag:s19] =	ssyncadd.s32 $0xFFFFEC00  }
0x104: {  	_ =	swait.ge [sflag:s19], $0x1400  }
0x105: {  	[sflag:s19] =	ssyncset.done $0x0  }
0x106: {  	[sflag:s19] =	ssyncadd.s32 $0xFFFFEC00  }
0x107: {  	_ =	swait.ge [sflag:s19], $0x1400  }
0x108: {  	[sflag:s19] =	ssyncset.done $0x0  }
0x109: {  	[sflag:s19] =	ssyncadd.s32 $0xFFFFEC00  }
0x10a: {  	_ =	swait.ge [sflag:s19], $0x1400  }
0x10b: {  	[sflag:s19] =	ssyncset.done $0x0  }
0x10c: {  	[sflag:s19] =	ssyncadd.s32 $0xFFFFEC00  }
0x10d: {  	_ =	swait.ge [sflag:s19], $0x1400  }
0x10e: {  	[sflag:s19] =	ssyncset.done $0x0  }
0x10f: {  	[sflag:s19] =	ssyncadd.s32 $0xFFFFEC00  }
0x110: {  	_ =	swait.ge [sflag:s19], $0x1400  }
0x111: {  	[sflag:s19] =	ssyncset.done $0x0  }
0x112: {  	[sflag:s19] =	ssyncadd.s32 $0xFFFFEC00  }
0x113: {  	_ =	swait.ge [sflag:s19], $0x1400  }
0x114: {  	[sflag:s19] =	ssyncset.done $0x0  }
0x115: {  	[sflag:s19] =	ssyncadd.s32 $0xFFFFEC00  }
0x116: {  	_ =	swait.ge [sflag:s19], $0x1400  }
0x117: {  	[sflag:s19] =	ssyncset.done $0x0  }
0x118: {  	[sflag:s19] =	ssyncadd.s32 $0xFFFFEC00  }
0x119: {  	_ =	swait.ge [sflag:s19], $0x1400  }
0x11a: {  	[sflag:s19] =	ssyncset.done $0x0  }
0x11b: {  	s18 =	simm.s32 @!p0 $0x10;
	[sflag:s19] =	ssyncadd.s32 $0xFFFFEC00  }
0x11c: {  	_ =	swait.ge @!p0 [sflag:s18], $0x400  }
0x11d: {  	[sflag:s18] =	ssyncset.done @!p0 $0x0  }
0x11e: {  	[sflag:s18] =	ssyncadd.s32 @!p0 $0xFFFFFC00  }
0x11f: {  	_ =	swait.ge @!p0 [sflag:s18], $0x400  }
0x120: {  	[sflag:s18] =	ssyncset.done @!p0 $0x0  }
0x121: {  	[sflag:s18] =	ssyncadd.s32 @!p0 $0xFFFFFC00  }
0x122: {  	s12 =	simm.s32 $0x19A00;
	s3 =	simm.s32 $0x14980;
	[bflag:$0x0] =	sbarrier.arrive $0xFFFF  }
0x123: {  	s0 =	simm.s32 $0x15E00;
	s18 =	simm.s32 $0x0;
	s19 =	rddreg [dreg:$0x1c]  }
.LBB2_6:
0x124: {  	s2 =	simm.s32 $0x6  }
0x125: {  	_ =	swait.ge [sflag:s2], $0x1400  }
0x126: {  	[sflag:s2] =	ssyncset.done $0x0  }
0x127: {  	[sflag:s2] =	ssyncadd.s32 $0xFFFFEC00  }
0x128: {  	s5 =	rddreg [dreg:$0x5]  }
0x129: {  	[spmem:s5] =	stream.indirect.scatter.add.f32 [tilespmem:s25], [sflag:$0xB], $0x1, s29, s16, $0xb8;
	[tilespmem:$0x1C680] =	vst v63  }
0x12a: {  	s6 =	rddreg [dreg:$0x6]  }
0x12b: {  	[spmem:s6] =	stream.indirect.scatter.add.f32 [tilespmem:s25], [sflag:$0xB], $0x1, s31, s16, $0xb8;
	[tilespmem:$0x1C680] =	vst v63  }
0x12c: {  	s2 =	rddreg [dreg:$0x4];
	s31 =	simm.s32 $0x7  }
0x12d: {  	[spmem:s2] =	stream.indirect.scatter.add.f32 [tilespmem:s14], [sflag:$0xB], $0x80, s29, s16, $0xb8;
	[tilespmem:$0x1C680] =	vst v63  }
0x12e: {  	_ =	swait.ge [sflag:s31], $0x1400  }
0x12f: {  	[sflag:s31] =	ssyncset.done $0x0  }
0x130: {  	[sflag:s31] =	ssyncadd.s32 $0xFFFFEC00  }
0x131: {  	[spmem:s5] =	stream.indirect.scatter.add.f32 [tilespmem:s25], [sflag:$0xC], $0x1, s9, s16, $0xb8;
	[tilespmem:$0x1C680] =	vst v63  }
0x132: {  	_ = 	snop  }
0x133: {  	[spmem:s6] =	stream.indirect.scatter.add.f32 [tilespmem:s25], [sflag:$0xC], $0x1, s4, s16, $0xb8;
	[tilespmem:$0x1C680] =	vst v63  }
0x134: {  	_ = 	snop  }
0x135: {  	[spmem:s2] =	stream.indirect.scatter.add.f32 [tilespmem:s0], [sflag:$0xC], $0x80, s9, s16, $0xb8;
	[tilespmem:$0x1C680] =	vst v63  }
0x136: {  	s9 =	simm.s32 $0x8  }
0x137: {  	_ =	swait.ge [sflag:s9], $0x1400  }
0x138: {  	[sflag:s9] =	ssyncset.done $0x0  }
0x139: {  	[sflag:s9] =	ssyncadd.s32 $0xFFFFEC00  }
0x13a: {  	[spmem:s5] =	stream.indirect.scatter.add.f32 [tilespmem:s25], [sflag:$0xD], $0x1, s10, s16, $0xb8;
	[tilespmem:$0x1C680] =	vst v63  }
0x13b: {  	_ = 	snop  }
0x13c: {  	[spmem:s6] =	stream.indirect.scatter.add.f32 [tilespmem:s25], [sflag:$0xD], $0x1, s8, s16, $0xb8;
	[tilespmem:$0x1C680] =	vst v63  }
0x13d: {  	s14 =	simm.s32 $0x9  }
0x13e: {  	[spmem:s2] =	stream.indirect.scatter.add.f32 [tilespmem:s30], [sflag:$0xD], $0x80, s10, s16, $0xb8;
	[tilespmem:$0x1C680] =	vst v63  }
0x13f: {  	_ =	swait.ge [sflag:s14], $0x1400  }
0x140: {  	[sflag:s14] =	ssyncset.done $0x0  }
0x141: {  	[sflag:s14] =	ssyncadd.s32 $0xFFFFEC00  }
0x142: {  	[spmem:s5] =	stream.indirect.scatter.add.f32 [tilespmem:s25], [sflag:$0xE], $0x1, s26, s16, $0xb8;
	[tilespmem:$0x1C680] =	vst v63  }
0x143: {  	_ = 	snop  }
0x144: {  	[spmem:s6] =	stream.indirect.scatter.add.f32 [tilespmem:s25], [sflag:$0xE], $0x1, s24, s16, $0xb8;
	[tilespmem:$0x1C680] =	vst v63  }
0x145: {  	s31 =	simm.s32 $0xA;
	s24 =	simm.s32 $0x18600  }
0x146: {  	[spmem:s2] =	stream.indirect.scatter.add.f32 [tilespmem:s24], [sflag:$0xE], $0x80, s26, s16, $0xb8;
	[tilespmem:$0x1C680] =	vst v63  }
0x147: {  	_ =	swait.ge [sflag:s31], $0x1400  }
0x148: {  	[sflag:s31] =	ssyncset.done $0x0  }
0x149: {  	[sflag:s31] =	ssyncadd.s32 $0xFFFFEC00  }
0x14a: {  	[spmem:s5] =	stream.indirect.scatter.add.f32 [tilespmem:s25], [sflag:$0xF], $0x1, s3, s16, $0xb8;
	[tilespmem:$0x1C680] =	vst v63  }
0x14b: {  	_ = 	snop  }
0x14c: {  	[spmem:s6] =	stream.indirect.scatter.add.f32 [tilespmem:s25], [sflag:$0xF], $0x1, s28, s16, $0xb8;
	[tilespmem:$0x1C680] =	vst v63  }
0x14d: {  	_ = 	snop  }
0x14e: {  	[spmem:s2] =	stream.indirect.scatter.add.f32 [tilespmem:s12], [sflag:$0xF], $0x80, s3, s16, $0xb8;
	[tilespmem:$0x1C680] =	vst v63  }
0x14f: {  	_ =	swait.ge [sflag:s13], $0x28  }
0x150: {  	p1 =	seq.s32 s18, $0x4C9;
	s29 =	simm.s32 $0x14500;
	[sflag:s13] =	ssyncset.done $0x0  }
0x151: {  	s4 =	simm.s32 $0x14780;
	s0 =	simm.s32 $0x14A00;
	[sflag:s13] =	ssyncadd.s32 $0xFFFFFFD8  }
0x152: {  	s9 =	simm.s32 $0x14580;
	s8 =	simm.s32 $0x14800;
	_ =	swait.ge [sflag:s13], $0x28  }
.Ltmp4:
0x153: {  	s30 =	simm.s32 $0x14700;
	[sflag:s13] =	ssyncset.done $0x0;
	(pc) =	sbr.rel @p1 .LBB2_8-.Ltmp4, $4  }
0x154: {  	s10 =	simm.s32 $0x14600;
	s14 =	simm.s32 $0x14980;
	[sflag:s13] =	ssyncadd.s32 $0xFFFFFFD8  }
0x155: {  	s26 =	simm.s32 $0x14680;
	s24 =	simm.s32 $0x14880;
	_ =	swait.ge [sflag:s13], $0x1400  }
0x156: {  	s5 =	simm.s32 $0x17200;
	s28 =	simm.s32 $0x14900;
	[sflag:s13] =	ssyncset.done $0x0  }
0x157: {  	s6 =	simm.s32 $0x19A00;
	s2 =	simm.s32 $0x15E00;
	[sflag:s13] =	ssyncadd.s32 $0xFFFFEC00  }
0x158: {  	s31 =	sshrl.u32 s19, $0x3;
	s3 =	rddreg [dreg:$0x1]  }
0x159: {  	s12 =	rddreg [dreg:$0x1d];
	s31 =	sadd.s32 s3, s31  }
0x15a: {  	[tilespmem:s29], [sflag:$0x1] =	stream.linear.gather [hbm4b:s31+s7], $0x28, $0x38;
	[tilespmem:$0x1C680] =	vst v63  }
0x15b: {  	s31 =	sadd.s32 s18, s12  }
0x15c: {  	[tilespmem:s4], [sflag:$0x1] =	stream.linear.gather [hbm4b:s31+s7], $0x28, $0x38;
	[tilespmem:$0x1C680] =	vst v63  }
0x15d: {  	_ =	swait.ge [sflag:s1], $0x28  }
0x15e: {  	[sflag:s1] =	ssyncset.done $0x0  }
0x15f: {  	[sflag:s1] =	ssyncadd.s32 $0xFFFFFFD8  }
0x160: {  	_ =	swait.ge [sflag:s1], $0x28  }
0x161: {  	[sflag:s1] =	ssyncset.done $0x0  }
0x162: {  	[sflag:s1] =	ssyncadd.s32 $0xFFFFFFD8  }
0x163: {  	_ =	swait.ge [sflag:s1], $0x1400  }
0x164: {  	[sflag:s1] =	ssyncset.done $0x0;
	s12 =	rddreg [dreg:$0x1a]  }
0x165: {  	s4 =	rddreg [dreg:$0x1b];
	[sflag:s1] =	ssyncadd.s32 $0xFFFFEC00;
	s31 =	sadd.s32 s18, s12  }
0x166: {  	[tilespmem:s9], [sflag:$0x2] =	stream.linear.gather [hbm4b:s31+s7], $0x28, $0x38;
	[tilespmem:$0x1C680] =	vst v63  }
0x167: {  	s31 =	sadd.s32 s18, s4  }
0x168: {  	[tilespmem:s8], [sflag:$0x2] =	stream.linear.gather [hbm4b:s31+s7], $0x28, $0x38;
	[tilespmem:$0x1C680] =	vst v63  }
0x169: {  	_ =	swait.ge [sflag:s21], $0x28  }
0x16a: {  	[sflag:s21] =	ssyncset.done $0x0  }
0x16b: {  	[sflag:s21] =	ssyncadd.s32 $0xFFFFFFD8  }
0x16c: {  	_ =	swait.ge [sflag:s21], $0x28  }
0x16d: {  	[sflag:s21] =	ssyncset.done $0x0  }
0x16e: {  	[sflag:s21] =	ssyncadd.s32 $0xFFFFFFD8  }
0x16f: {  	_ =	swait.ge [sflag:s21], $0x1400  }
0x170: {  	[sflag:s21] =	ssyncset.done $0x0;
	s8 =	rddreg [dreg:$0x18]  }
0x171: {  	s12 =	rddreg [dreg:$0x19];
	[sflag:s21] =	ssyncadd.s32 $0xFFFFEC00;
	s31 =	sadd.s32 s18, s8  }
0x172: {  	[tilespmem:s10], [sflag:$0x3] =	stream.linear.gather [hbm4b:s31+s7], $0x28, $0x38;
	[tilespmem:$0x1C680] =	vst v63  }
0x173: {  	s31 =	sadd.s32 s18, s12  }
0x174: {  	[tilespmem:s24], [sflag:$0x3] =	stream.linear.gather [hbm4b:s31+s7], $0x28, $0x38;
	[tilespmem:$0x1C680] =	vst v63  }
0x175: {  	_ =	swait.ge [sflag:s23], $0x28  }
0x176: {  	[sflag:s23] =	ssyncset.done $0x0  }
0x177: {  	[sflag:s23] =	ssyncadd.s32 $0xFFFFFFD8  }
0x178: {  	_ =	swait.ge [sflag:s23], $0x28  }
0x179: {  	[sflag:s23] =	ssyncset.done $0x0  }
0x17a: {  	[sflag:s23] =	ssyncadd.s32 $0xFFFFFFD8  }
0x17b: {  	_ =	swait.ge [sflag:s23], $0x1400  }
0x17c: {  	[sflag:s23] =	ssyncset.done $0x0;
	s24 =	rddreg [dreg:$0x16]  }
0x17d: {  	s4 =	rddreg [dreg:$0x17];
	[sflag:s23] =	ssyncadd.s32 $0xFFFFEC00;
	s31 =	sadd.s32 s18, s24  }
0x17e: {  	[tilespmem:s26], [sflag:$0x4] =	stream.linear.gather [hbm4b:s31+s7], $0x28, $0x38;
	[tilespmem:$0x1C680] =	vst v63  }
0x17f: {  	s31 =	sadd.s32 s18, s4  }
0x180: {  	[tilespmem:s28], [sflag:$0x4] =	stream.linear.gather [hbm4b:s31+s7], $0x28, $0x38;
	[tilespmem:$0x1C680] =	vst v63  }
0x181: {  	_ =	swait.ge [sflag:s17], $0x28  }
0x182: {  	[sflag:s17] =	ssyncset.done $0x0  }
0x183: {  	[sflag:s17] =	ssyncadd.s32 $0xFFFFFFD8  }
0x184: {  	_ =	swait.ge [sflag:s17], $0x28  }
0x185: {  	[sflag:s17] =	ssyncset.done $0x0  }
0x186: {  	[sflag:s17] =	ssyncadd.s32 $0xFFFFFFD8  }
0x187: {  	_ =	swait.ge [sflag:s17], $0x1400  }
0x188: {  	[sflag:s17] =	ssyncset.done $0x0;
	s8 =	rddreg [dreg:$0x14]  }
0x189: {  	s12 =	rddreg [dreg:$0x15];
	[sflag:s17] =	ssyncadd.s32 $0xFFFFEC00;
	s31 =	sadd.s32 s18, s8  }
0x18a: {  	[tilespmem:s30], [sflag:$0x5] =	stream.linear.gather [hbm4b:s31+s7], $0x28, $0x38;
	[tilespmem:$0x1C680] =	vst v63  }
0x18b: {  	s31 =	sadd.s32 s18, s12  }
0x18c: {  	[tilespmem:s14], [sflag:$0x5] =	stream.linear.gather [hbm4b:s31+s7], $0x28, $0x38;
	[tilespmem:$0x1C680] =	vst v63  }
0x18d: {  	s14 =	simm.s32 $0x1  }
0x18e: {  	_ =	swait.ge [sflag:s14], $0x28  }
0x18f: {  	[sflag:s14] =	ssyncset.done $0x0  }
0x190: {  	[sflag:s14] =	ssyncadd.s32 $0xFFFFFFD8  }
0x191: {  	_ =	swait.ge [sflag:s14], $0x28  }
0x192: {  	[sflag:s14] =	ssyncset.done $0x0  }
0x193: {  	[sflag:s14] =	ssyncadd.s32 $0xFFFFFFD8  }
0x194: {  	s3 =	rddreg [dreg:$0x0]  }
0x195: {  	[tilespmem:s0], [sflag:$0x6] =	stream.indirect.gather [hbm4b:s3+s16], $0x80, s29, s16, $0xb8;
	[tilespmem:$0x1C680] =	vst v63  }
0x196: {  	_ =	swait.ge [sflag:s15], $0x28  }
0x197: {  	[sflag:s15] =	ssyncset.done $0x0  }
0x198: {  	[sflag:s15] =	ssyncadd.s32 $0xFFFFFFD8  }
0x199: {  	_ =	swait.ge [sflag:s15], $0x28  }
0x19a: {  	[sflag:s15] =	ssyncset.done $0x0  }
0x19b: {  	[sflag:s15] =	ssyncadd.s32 $0xFFFFFFD8  }
0x19c: {  	[tilespmem:s2], [sflag:$0x7] =	stream.indirect.gather [hbm4b:s3+s16], $0x80, s9, s16, $0xb8;
	[tilespmem:$0x1C680] =	vst v63  }
0x19d: {  	_ =	swait.ge [sflag:s11], $0x28  }
0x19e: {  	[sflag:s11] =	ssyncset.done $0x0  }
0x19f: {  	[sflag:s11] =	ssyncadd.s32 $0xFFFFFFD8  }
0x1a0: {  	_ =	swait.ge [sflag:s11], $0x28  }
0x1a1: {  	[sflag:s11] =	ssyncset.done $0x0  }
0x1a2: {  	[sflag:s11] =	ssyncadd.s32 $0xFFFFFFD8  }
0x1a3: {  	[tilespmem:s5], [sflag:$0x8] =	stream.indirect.gather [hbm4b:s3+s16], $0x80, s10, s16, $0xb8;
	[tilespmem:$0x1C680] =	vst v63  }
0x1a4: {  	_ =	swait.ge [sflag:s20], $0x28  }
0x1a5: {  	[sflag:s20] =	ssyncset.done $0x0  }
0x1a6: {  	[sflag:s20] =	ssyncadd.s32 $0xFFFFFFD8  }
0x1a7: {  	_ =	swait.ge [sflag:s20], $0x28  }
0x1a8: {  	s19 =	sadd.s32 $0xC8, s19;
	[sflag:s20] =	ssyncset.done $0x0  }
0x1a9: {  	s24 =	simm.s32 $0x18600;
	s4 =	simm.s32 $0x14580;
	[sflag:s20] =	ssyncadd.s32 $0xFFFFFFD8  }
0x1aa: {  	[tilespmem:s24], [sflag:$0x9] =	stream.indirect.gather [hbm4b:s3+s16], $0x80, s26, s16, $0xb8;
	[tilespmem:$0x1C680] =	vst v63  }
0x1ab: {  	s28 =	simm.s32 $0x14700;
	s8 =	simm.s32 $0x14600;
	_ =	swait.ge [sflag:s22], $0x28  }
0x1ac: {  	s18 =	sadd.s32 $0x19, s18;
	s12 =	simm.s32 $0x19A00;
	[sflag:s22] =	ssyncset.done $0x0  }
0x1ad: {  	s31 =	simm.s32 $0x14500;
	s14 =	simm.s32 $0x14A00;
	[sflag:s22] =	ssyncadd.s32 $0xFFFFFFD8  }
.Ltmp5:
0x1ae: {  	s29 =	simm.s32 $0x14780;
	_ =	swait.ge [sflag:s22], $0x28;
	(pc) =	sbr.rel .LBB2_6-.Ltmp5, $4  }
0x1af: {  	s0 =	simm.s32 $0x15E00;
	s9 =	simm.s32 $0x14800;
	[sflag:s22] =	ssyncset.done $0x0  }
0x1b0: {  	s10 =	simm.s32 $0x14880;
	s24 =	simm.s32 $0x14680;
	[sflag:s22] =	ssyncadd.s32 $0xFFFFFFD8  }
0x1b1: {  	[tilespmem:s6], [sflag:$0xA] =	stream.indirect.gather [hbm4b:s3+s16], $0x80, s30, s16, $0xb8;
	[tilespmem:$0x1C680] =	vst v63  }
0x1b2: {  	s26 =	simm.s32 $0x14900;
	s3 =	simm.s32 $0x14980;
	s30 =	simm.s32 $0x17200  }
.LBB2_9:
0x1b3: {  	_ =	sfence.sel $0x180000  }
0x1b4: {  	[bflag:$0x0] =	sbarrier.arrive $0xFFFF  }
0x1b5: {  	_ =	strace $0x90000047  }
0x1b6: {  	s0 =	stileid.u32;
	[bflag:$0x2] =	sbarrier.arrive $0xFFFF  }
0x1b7: {  	p0 =	sne.s32 s0, $0x0;
	s0 =	rddreg [dreg:$0x7]  }
0x1b8: {  	s0 =	sadd.s32 @!p0 $0x100000, s0  }
0x1b9: {  	[sflag:s0] =	ssyncadd.tile.s32 @!p0 $0x1;
	_ =	shalt  }
.Lfunc_end2:
_tile_overlayer_lowered:
.L_overlay_start_2:
0x1ba: {  	(tag) =	ssettag $0x2  }
0x1bb: {  	s0 =	rddreg [dreg:$0x0];
	s2 =	stileid.u32  }
0x1bc: {  	s1 =	rddreg [dreg:$0x1];
	p0 =	sne.s32 s2, $0x0  }
0x1bd: {  	s3 =	rddreg [dreg:$0x2];
	[bflag:$0x3] =	sbarrier.arrive $0xFFFF;
	s2 =	simm.s32 @!p0 $0x1C11  }
0x1be: {  	[timem:s3], [sflag:s2] =	dma.local @!p0 [hbm:s0], s1  }
0x1bf: {  	s0 =	simm.s32 @!p0 $0x11  }
0x1c0: {  	_ =	swait.ge @!p0 [sflag:s0], s1  }
0x1c1: {  	s1 =	ssub.s32 @!p0 $0x0, s1;
	[sflag:s0] =	ssyncset.done @!p0 $0x0  }
0x1c2: {  	[sflag:s0] =	ssyncadd.s32 @!p0 s1  }
0x1c3: {  	[bflag:$0x3] =	sbarrier.arrive $0xFFFF  }
0x1c4: {  	_ =	shalt  }

// kernel: kernel.9.cloned.1.call-start
scs
__scs_entry_jumppad:
0x0: {  	(pc) =	sbr.rel $0x88, $3  }
0x1: {  	(tag) =	ssettag $0x0;
	lr =	simm.s32 $0x1  }
0x2: {  	[smem:$0x3F9E] =	sst lr;
	_ =	strace $0xD0000000  }
0x3: {  	_ = 	snop  }
0x4: {  	_ = 	snop  }
0x5: {  	_ = 	snop  }
0x6: {  	_ = 	snop  }
0x7: {  	_ = 	snop  }
__scs_overlays_trampoline_lowered:
0x8: {  	[smem:$0x3FAD] =	sst s0  }
0x9: {  	[smem:$0x3FAE] =	sst s1  }
0xa: {  	[smem:$0x3FAF] =	sst s2  }
0xb: {  	[smem:$0x3FB0] =	sst s3  }
0xc: {  	[smem:$0x3FB1] =	sst s4  }
0xd: {  	[smem:$0x3FB2] =	sst s5  }
0xe: {  	[smem:$0x3FB3] =	sst s6  }
0xf: {  	[smem:$0x3FB4] =	sst s7  }
0x10: {  	[smem:$0x3FB5] =	sst s8  }
0x11: {  	[smem:$0x3FB6] =	sst s9;
	s0 =	simm.s32 @!p0 $0x0  }
0x12: {  	s1 =	sld [smem:$0x3F9C];
	s0 =	simm.s32 @p0 $0x1  }
0x13: {  	[smem:$0x3FB7] =	sst s0;
	s0 =	simm.s32 @!p1 $0x0  }
0x14: {  	s2 =	sld [smem:$0x3F9B];
	s0 =	simm.s32 @p1 $0x1  }
0x15: {  	[smem:$0x3FB8] =	sst s0;
	s0 =	simm.s32 @!p2 $0x0  }
0x16: {  	s3 =	sld [smem:$0x3FDB];
	s0 =	simm.s32 @p2 $0x1  }
0x17: {  	s4 =	simm.s32 $0x1BF5;
	[smem:$0x3FBA] =	sst s0  }
0x18: {  	s0 =	sld [smem:$0x3F9D];
	_ =	swait.ge [sflag:s4], $0x0  }
0x19: {  	s7 =	sld [smem:$0x3F9E]  }
0x1a: {  	s8 =	sadd.s32 $0xFFFFE003, lr  }
0x1b: {  	s9 =	sadd.s32 $0xFFFFFEF7, lr;
	s5 =	simm.s32 $0xFFFFFFFF;
	p2 =	slt.u32 s8, $0xFFFFF086  }
0x1c: {  	p1 =	slt.u32 s9, $0xF7A;
	s5 =	simm.s32 @!p2 $0x0  }
0x1d: {  	s5 =	simm.s32 @p1 $0x1;
	p0 =	seq.s32 s7, s2  }
0x1e: {  	s7 =	smul.u32 @!p0 $0xF7A, s2;
	p2 =	seq.s32 @!p0 s5, $0x0  }
0x1f: {  	s9 =	smul.u32 $0xF7A, s1;
	s8 =	simm.s32 @!p0 $0x1BF5;
	p2 =	por !p2, p0  }
0x20: {  	[sflag:s8] =	ssyncset.s32 @!p0 $0xFFFFF086;
	s6 =	sadd.s32 @!p0 s3, s7;
	s7 =	simm.s32 @!p0 $0x108  }
0x21: {  	s3 =	sadd.s32 s3, s9;
	s6 =	sadd.s32 @!p0 $0x88, s6;
	s7 =	simm.s32 @p2 $0x1082  }
0x22: {  	[simem:s7], [sflag:s8] =	dma.local @!p0 [hbm:s6], $0xF7A  }
0x23: {  	s9 =	sor.u32 $0xD0000000, s2;
	s6 =	simm.s32 $0x108;
	_ =	swait.ge @!p0 [sflag:s8], $0x0  }
0x24: {  	s3 =	sadd.s32 $0x88, s3;
	s6 =	simm.s32 @!p1 $0x1082;
	[sflag:s4] =	ssyncset.s32 $0xFFFFF086  }
0x25: {  	[simem:s6], [sflag:s4] =	dma.local [hbm:s3], $0xF7A  }
0x26: {  	[smem:$0x3F9E] =	sst s1;
	(tag) =	ssettag s2;
	_ =	strace s9  }
0x27: {  	s1 =	sld [smem:$0x3FAE]  }
0x28: {  	s2 =	sld [smem:$0x3FAF]  }
0x29: {  	s4 =	sld [smem:$0x3FB1]  }
0x2a: {  	p0 =	seq.s32 s5, $0x0;
	s5 =	sld [smem:$0x3FB2]  }
0x2b: {  	s6 =	sld [smem:$0x3FB3]  }
0x2c: {  	s7 =	sld [smem:$0x3FB4]  }
0x2d: {  	s3 =	simm.s32 $0x108;
	s8 =	sld [smem:$0x3FB5]  }
0x2e: {  	s3 =	simm.s32 @!p0 $0x1082;
	s9 =	sld [smem:$0x3FB6]  }
0x2f: {  	lr =	sadd.s32 s0, s3;
	s0 =	sld [smem:$0x3FAD]  }
0x30: {  	s3 =	sld [smem:$0x3FB0]  }
0x31: {  	[smem:$0x3FB9] =	sst s10  }
0x32: {  	s10 =	sld [smem:$0x3FB7];
	_ =	sdelay $0x3  }
0x33: {  	p0 =	seq.s32 s10, $0x1;
	s10 =	sld [smem:$0x3FB9];
	_ =	sdelay $0x3  }
0x34: {  	[smem:$0x3FB9] =	sst s10  }
0x35: {  	s10 =	sld [smem:$0x3FB8];
	_ =	sdelay $0x3  }
0x36: {  	p1 =	seq.s32 s10, $0x1;
	s10 =	sld [smem:$0x3FB9];
	_ =	sdelay $0x3  }
0x37: {  	[smem:$0x3FB9] =	sst s10  }
0x38: {  	s10 =	sld [smem:$0x3FBA]  }
0x39: {  	_ = 	snop;
	(pc) =	sbr.ind lr, $3  }
0x3a: {  	_ = 	snop  }
0x3b: {  	_ = 	snop  }
0x3c: {  	p2 =	seq.s32 s10, $0x1;
	s10 =	sld [smem:$0x3FB9]  }
0x3d: {  	_ =	shalt  }
0x3e: {  	_ =	shalt  }
0x3f: {  	_ =	shalt  }
0x40: {  	_ =	shalt  }
0x41: {  	_ =	shalt  }
0x42: {  	_ =	shalt  }
0x43: {  	_ =	shalt  }
0x44: {  	_ =	shalt  }
0x45: {  	_ =	shalt  }
0x46: {  	_ =	shalt  }
0x47: {  	_ =	shalt  }
0x48: {  	_ =	shalt  }
0x49: {  	_ =	shalt  }
0x4a: {  	_ =	shalt  }
0x4b: {  	_ =	shalt  }
0x4c: {  	_ =	shalt  }
0x4d: {  	_ =	shalt  }
0x4e: {  	_ =	shalt  }
0x4f: {  	_ =	shalt  }
0x50: {  	_ =	shalt  }
0x51: {  	_ =	shalt  }
0x52: {  	_ =	shalt  }
0x53: {  	_ =	shalt  }
0x54: {  	_ =	shalt  }
0x55: {  	_ =	shalt  }
0x56: {  	_ =	shalt  }
0x57: {  	_ =	shalt  }
0x58: {  	_ =	shalt  }
0x59: {  	_ =	shalt  }
0x5a: {  	_ =	shalt  }
0x5b: {  	_ =	shalt  }
0x5c: {  	_ =	shalt  }
0x5d: {  	_ =	shalt  }
0x5e: {  	_ =	shalt  }
0x5f: {  	_ =	shalt  }
0x60: {  	_ =	shalt  }
0x61: {  	_ =	shalt  }
0x62: {  	_ =	shalt  }
0x63: {  	_ =	shalt  }
0x64: {  	_ =	shalt  }
0x65: {  	_ =	shalt  }
0x66: {  	_ =	shalt  }
0x67: {  	_ =	shalt  }
0x68: {  	_ =	shalt  }
0x69: {  	_ =	shalt  }
0x6a: {  	_ =	shalt  }
0x6b: {  	_ =	shalt  }
0x6c: {  	_ =	shalt  }
0x6d: {  	_ =	shalt  }
0x6e: {  	_ =	shalt  }
0x6f: {  	_ =	shalt  }
0x70: {  	_ =	shalt  }
0x71: {  	_ =	shalt  }
0x72: {  	_ =	shalt  }
0x73: {  	_ =	shalt  }
0x74: {  	_ =	shalt  }
0x75: {  	_ =	shalt  }
0x76: {  	_ =	shalt  }
0x77: {  	_ =	shalt  }
0x78: {  	_ =	shalt  }
0x79: {  	_ =	shalt  }
0x7a: {  	_ =	shalt  }
0x7b: {  	_ =	shalt  }
0x7c: {  	_ =	shalt  }
0x7d: {  	_ =	shalt  }
0x7e: {  	_ =	shalt  }
0x7f: {  	_ =	shalt  }
0x80: {  	_ =	shalt  }
0x81: {  	_ =	shalt  }
0x82: {  	_ =	shalt  }
0x83: {  	_ =	shalt  }
0x84: {  	_ =	shalt  }
0x85: {  	_ =	shalt  }
0x86: {  	_ =	shalt  }
0x87: {  	_ =	shalt  }
.Lfunc_end0:
.L_simem_size_0:
called_computation.1_lowered:
.L_overlay_start_0:
0x88: {  	s2 =	sld [smem:$0x3FD9]  }
0x89: {  	s3 =	sld [smem:$0x3FFE];
	_ =	sdelay $0x1  }
0x8a: {  	s1 =	srdreg.scid  }
0x8b: {  	s0 =	sand.u32 $0x1, s1  }
0x8c: {  	s14 =	sshll.u32 s0, $0xA;
	s2 =	sadd.s32 s3, s2  }
0x8d: {  	s2 =	sadd.s32 s2, s14  }
0x8e: {  	[smem:$0x3FC5] =	sst s2  }
0x8f: {  	_ = 	snop  }
0x90: {  	s2 =	sld [smem:$0x3FD0];
	_ =	sdelay $0x2  }
0x91: {  	s15 =	simm.s32 $0xA;
	s4 =	simm.s32 $0x10  }
0x92: {  	[smem:s4], [sflag:s15] =	dma.local [hbm:s2], $0x1  }
0x93: {  	_ =	swait.eq [sflag:s15], $0x1  }
0x94: {  	[sflag:s15] =	ssyncset.done $0x0  }
0x95: {  	s16 =	sld [smem:$0x10];
	[sflag:s15] =	ssyncadd.s32 $0xFFFFFFFF  }
0x96: {  	s17 =	sld [smem:$0x11];
	(tm) =	ssettm $0x1  }
0x97: {  	s18 =	sld [smem:$0x3FFB];
	_ =	sdelay $0x3  }
0x98: {  	_ =	strace s18  }
0x99: {  	s4 =	sld [smem:$0x3FFC];
	_ =	sdelay $0x3  }
0x9a: {  	_ =	strace s4  }
0x9b: {  	s4 =	sld [smem:$0x3FFD];
	_ =	sdelay $0x3  }
0x9c: {  	_ =	strace s4  }
0x9d: {  	_ =	strace $0x8FFFFFFF  }
0x9e: {  	s19 =	sld [smem:$0x3FDB];
	_ =	sdelay $0x1  }
0x9f: {  	s5 =	simm.s32 $_scs_section_size  }
0xa0: {  	s6 =	simm.s32 $_size__tile_overlayer_lowered;
	s7 =	simm.s32 $_tile_overlayer_lowered  }
0xa1: {  	s22 =	simm.s32 $0x1BFF;
	s21 =	sshll.u32 s7, $0x1;
	s4 =	sadd.s32 s5, s19  }
0xa2: {  	s8 =	simm.s32 $0x0;
	s20 =	sshll.u32 s6, $0x1;
	s6 =	sadd.s32 s21, s4  }
0xa3: {  	[timem:s8], [sflag:s22] =	dma.local [hbm:s6], s20  }
0xa4: {  	_ =	swait.ge [sflag:s22], s20  }
0xa5: {  	s5 =	ssub.s32 $0x0, s20;
	[sflag:s22] =	ssyncset.done $0x0  }
0xa6: {  	[sflag:s22] =	ssyncadd.s32 s5;
	_ =	sdelay $0x1  }
0xa7: {  	s23 =	simm.s32 $0x1B8B  }
0xa8: {  	_ =	swait.ge [sflag:s23], $0x1  }
0xa9: {  	[sflag:s23] =	ssyncset.done $0x0  }
0xaa: {  	s25 =	simm.s32 $0x1B8E;
	s24 =	sld [smem:$0x3FFE];
	[sflag:s23] =	ssyncadd.s32 $0xFFFFFFFF  }
0xab: {  	s26 =	simm.s32 $execute0_lowered;
	[smem:$0x3FD2] =	sst s25  }
0xac: {  	s6 =	sshll.u32 s26, $0x1;
	_ =	strace $0x80000049;
	[dreg:$0x1] =	wrdreg $0xFFFFFFFF  }
0xad: {  	s28 =	simm.s32 $_size_execute0_lowered;
	s4 =	sadd.s32 s4, s6;
	[dreg:$0x0] =	wrdreg $0x0  }
0xae: {  	s6 =	sshll.u32 s28, $0x1;
	[dreg:$0x2] =	wrdreg s4  }
0xaf: {  	[dreg:$0x3] =	wrdreg s6  }
0xb0: {  	[dreg:$0x4] =	wrdreg $0xC0  }
0xb1: {  	_ =	task [dreg:s8], $0x5FFFF  }
0xb2: {  	[dreg:$0x1] =	wrdreg $0xFFFFFFFF  }
0xb3: {  	[dreg:$0x0] =	wrdreg $0x60  }
0xb4: {  	[dreg:$0x2] =	wrdreg s17  }
0xb5: {  	[dreg:$0x3] =	wrdreg s16  }
0xb6: {  	[dreg:$0x4] =	wrdreg s24  }
0xb7: {  	[dreg:$0x5] =	wrdreg $0x0  }
0xb8: {  	[dreg:$0x6] =	wrdreg $0x9  }
0xb9: {  	_ =	task.clear_ibuf [dreg:s8], $0x7FFFF;
	_ =	strace $0x90000049  }
0xba: {  	s29 =	simm.s32 $0x9;
	_ =	strace $0x8000004B  }
0xbb: {  	_ =	swait.ge [sflag:s29], $0x1  }
0xbc: {  	[sflag:s29] =	ssyncadd.s32 $0xFFFFFFFF  }
0xbd: {  	_ =	strace $0x9000004B  }
0xbe: {  	_ =	sfence  }
0xbf: {  	s30 =	sld [smem:$0x0];
	_ =	sdelay $0x2  }
0xc0: {  	s31 =	sshll.u32 s1, $0xD;
	s1 =	sshrl.u32 s1, $0x2  }
0xc1: {  	s3 =	sand.u32 $0x4000, s31;
	s1 =	sadd.s32 s1, s30  }
0xc2: {  	s0 =	sor.u32 s3, s0;
	s1 =	sshll.u32 s1, $0x11  }
0xc3: {  	s0 =	sor.u32 s1, s0  }
0xc4: {  	s0 =	sadd.s32 $0x8F2B, s0  }
0xc5: {  	[sflag:s0] =	ssyncadd.remote.s32 $0x1  }
0xc6: {  	_ =	sfence.sel $0xFFFF  }
0xc7: {  	[dreg:$0x0] =	wrdreg $0xFFFFFFFF;
	(pc) =	sbr.abs _section_cstart, $3  }
0xc8: {  	[dreg:$0x1] =	wrdreg $0xFFFFFFFF  }
0xc9: {  	_ =	task.clear_ibuf [dreg:s8], $0x2FFFF;
	_ =	strace $0x9FFFFFFF  }
0xca: {  	(tm) =	ssettm $0x7FFFFFFF  }
0xcb: {  	_ =	shalt  }
tec
execute0_lowered:
.L_overlay_start_1:
0x0: {  	(tag) =	ssettag $0x1  }
0x1: {  	s0 =	rddreg [dreg:$0x0]  }
0x2: {  	s9 =	rddreg [dreg:$0x1]  }
0x3: {  	s1 =	srdreg.scid;
	s8 =	stileid.u32  }
0x4: {  	s2 =	rddreg [dreg:$0x2];
	s6 =	smul.u32 $0x14000, s8  }
0x5: {  	s4 =	rddreg [dreg:$0x3];
	s12 =	smul.u32 $0x50000, s8  }
0x6: {  	s1 =	sand.u32 $0x1, s1;
	s7 =	sshll.u32 s8, $0x1;
	s14 =	smul.u32 $0x4E20, s8  }
0x7: {  	s5 =	simm.s32 $0x0;
	s3 =	smul.u32 $0x140000, s1;
	s7 =	sor.u32 s1, s7  }
0x8: {  	[smem:$0x7FF] =	sst s5;
	s29 =	smul.u32 $0x2710, s7  }
0x9: {  	_ =	strace $0x8000004A;
	s7 =	ssub.s32 $0x2, s1;
	s1 =	smul.u32 $0x2710, s1  }
0xa: {  	s3 =	sadd.s32 s6, s3;
	s11 =	sshrl.u32 s7, $0x1;
	s6 =	sshrl.u32 s29, $0x3  }
0xb: {  	s3 =	sshrl.u32 s3, $0x3;
	s1 =	sadd.s32 s1, s14;
	s10 =	sadd.s32 s9, s6  }
0xc: {  	s2 =	sadd.s32 s3, s2;
	s13 =	sadd.s32 $0x9C40, s10;
	[dreg:$0x5] =	wrdreg s10  }
0xd: {  	s3 =	ssub.s32 s7, s11;
	s15 =	sadd.s32 $0xA, s10;
	[dreg:$0x6] =	wrdreg s13  }
0xe: {  	s6 =	sshrl.u32 s12, $0x2;
	s16 =	sadd.s32 $0x9C4A, s10;
	[dreg:$0x7] =	wrdreg s15  }
0xf: {  	s22 =	sadd.s32 $0x190, s1;
	s17 =	sadd.s32 $0x14, s10;
	[dreg:$0x8] =	wrdreg s16  }
0x10: {  	s25 =	sadd.s32 $0x4E390, s1;
	s18 =	sadd.s32 $0x9C54, s10;
	[dreg:$0x9] =	wrdreg s17  }
0x11: {  	s28 =	sadd.s32 $0x230, s1;
	s19 =	sadd.s32 $0x1E, s10;
	[dreg:$0xa] =	wrdreg s18  }
0x12: {  	s29 =	sadd.s32 $0x4E430, s1;
	s20 =	sadd.s32 $0x9C5E, s10;
	[dreg:$0xb] =	wrdreg s19  }
0x13: {  	s7 =	sadd.s32 $0x1E0, s1;
	s2 =	sadd.s32 $0x1200, s2;
	[dreg:$0xd] =	wrdreg s20  }
0x14: {  	s8 =	sadd.s32 $0x4E3E0, s1;
	s23 =	smax.u32 s3, $0x1;
	[dreg:$0xf] =	wrdreg s2  }
0x15: {  	s10 =	sadd.s32 $0x4E340, s1;
	s1 =	sadd.s32 $0x140, s1;
	[dreg:$0x10] =	wrdreg s23  }
0x16: {  	s26 =	sadd.s32 s6, s4;
	[dreg:$0x17] =	wrdreg s1  }
0x17: {  	s24 =	sshrl.u32 s22, $0x3;
	s21 =	sadd.s32 $0x1400, s26;
	[dreg:$0xc] =	wrdreg s26  }
0x18: {  	s3 =	sshrl.u32 s28, $0x3;
	s2 =	sadd.s32 s24, s9;
	[dreg:$0xe] =	wrdreg s21  }
0x19: {  	s3 =	sadd.s32 s3, s9;
	[dreg:$0x11] =	wrdreg s2  }
0x1a: {  	s13 =	sadd.s32 $0x2800, s26;
	[dreg:$0x13] =	wrdreg s3  }
0x1b: {  	s14 =	sadd.s32 $0x3C00, s26;
	[dreg:$0x18] =	wrdreg s13  }
0x1c: {  	s15 =	sadd.s32 $0x5000, s26;
	[dreg:$0x19] =	wrdreg s14  }
0x1d: {  	s30 =	simm.s32 $0x14380;
	s16 =	sadd.s32 $0x6400, s26;
	[dreg:$0x1a] =	wrdreg s15  }
0x1e: {  	s31 =	simm.s32 $0x6;
	s17 =	sadd.s32 $0x7800, s26;
	[dreg:$0x1b] =	wrdreg s16  }
0x1f: {  	s6 =	sshrl.u32 s29, $0x3;
	s18 =	sadd.s32 $0x8C00, s26;
	[dreg:$0x1c] =	wrdreg s17  }
0x20: {  	s12 =	sshrl.u32 s10, $0x3;
	s19 =	sadd.s32 $0xA000, s26;
	[dreg:$0x1d] =	wrdreg s18  }
0x21: {  	s20 =	sadd.s32 $0xB400, s26;
	s22 =	sadd.s32 $0xDC00, s26;
	[dreg:$0x1e] =	wrdreg s19  }
0x22: {  	s23 =	sadd.s32 $0xF000, s26;
	s24 =	sadd.s32 $0x10400, s26;
	[dreg:$0x1f] =	wrdreg s20  }
0x23: {  	s28 =	sadd.s32 $0x11800, s26;
	s29 =	sadd.s32 $0x12C00, s26;
	[smem:$0x7F9] =	sst s22  }
0x24: {  	s1 =	simm.s32 $0x50;
	s10 =	simm.s32 $0x3;
	[smem:$0x7FA] =	sst s23  }
0x25: {  	s2 =	sshrl.u32 s25, $0x3;
	s3 =	sshrl.u32 s8, $0x3;
	[smem:$0x7FB] =	sst s24  }
0x26: {  	s25 =	sadd.s32 s12, s9;
	s21 =	sadd.s32 $0xC800, s26;
	[smem:$0x7FC] =	sst s28  }
0x27: {  	[smem:$0x7FD] =	sst s29;
	s15 =	simm.s32 $0x14000;
	s16 =	simm.s32 $0x14200  }
0x28: {  	s24 =	simm.s32 $0x14300;
	s8 =	simm.s32 $0x2;
	s12 =	simm.s32 $0x4  }
0x29: {  	s14 =	simm.s32 $0x1BC00;
	s13 =	simm.s32 $0x5;
	s18 =	simm.s32 $0x8  }
0x2a: {  	s19 =	simm.s32 $0x9;
	s20 =	simm.s32 $0xA;
	s22 =	simm.s32 $0xC  }
0x2b: {  	s23 =	simm.s32 $0x0;
	s2 =	sadd.s32 s2, s9;
	[smem:$0x7F8] =	sst s21  }
.Ltmp0:
0x2c: {  	s11 =	sadd.s32 s3, s9;
	[dreg:$0x12] =	wrdreg s2;
	(pc) =	sbr.rel .LBB2_1-.Ltmp0, $4  }
0x2d: {  	s3 =	simm.s32 $0x1;
	s2 =	sadd.s32 s6, s9;
	[dreg:$0x16] =	wrdreg s11  }
0x2e: {  	s21 =	simm.s32 $0xB;
	[dreg:$0x14] =	wrdreg s2;
	s2 =	sshrl.u32 s7, $0x3  }
0x2f: {  	s11 =	simm.s32 $0x14280;
	s6 =	simm.s32 $0xD;
	s2 =	sadd.s32 s2, s9  }
0x30: {  	v0 =	vimm.f32 $0.0e+00;
	s7 =	simm.s32 $0x14400;
	[dreg:$0x15] =	wrdreg s2;
	s2 =	simm.s32 $0x7  }
.LBB2_11:
0x31: {  	_ =	swait.ge [sflag:s19], $0x2800  }
0x32: {  	[sflag:s19] =	ssyncset.done $0x0  }
0x33: {  	[sflag:s19] =	ssyncadd.s32 $0xFFFFD800  }
0x34: {  	_ =	swait.ge [sflag:s20], $0x2800  }
0x35: {  	[sflag:s20] =	ssyncset.done $0x0  }
0x36: {  	[sflag:s20] =	ssyncadd.s32 $0xFFFFD800  }
0x37: {  	_ =	swait.ge [sflag:s21], $0x2800  }
0x38: {  	[sflag:s21] =	ssyncset.done $0x0  }
0x39: {  	[sflag:s21] =	ssyncadd.s32 $0xFFFFD800  }
0x3a: {  	_ =	swait.ge [sflag:s22], $0x2800  }
0x3b: {  	[sflag:s22] =	ssyncset.done $0x0  }
0x3c: {  	[sflag:s22] =	ssyncadd.s32 $0xFFFFD800  }
0x3d: {  	s9 =	stileid.u32;
	[bflag:$0x0] =	sbarrier.arrive $0xFFFF  }
0x3e: {  	s9 =	sshll.u32 s9, $0x6;
	s26 =	rddreg [dreg:$0xc]  }
0x3f: {  	s9 =	sor.u32 $0x1C0E, s9;
	s23 =	rddreg [dreg:$0xf];
	s17 =	sshrl.u32 s26, $0x3  }
0x40: {  	[hbm:s23], [sflag:s9] =	dma.local [spmem:s17], $0x2800  }
0x41: {  	s17 =	simm.s32 $0xE  }
0x42: {  	_ =	swait.ge [sflag:s17], $0x2800  }
0x43: {  	s28 =	sld [smem:$0x7F7];
	_ =	sdelay $0x2  }
0x44: {  	s29 =	rddreg [dreg:$0x10];
	s23 =	sadd.s32 $0x1, s28  }
0x45: {  	p0 =	sne.s32 s23, s29  }
.Ltmp1:
0x46: {  	_ = 	snop;
	(pc) =	sbr.rel @!p0 .LBB2_12-.Ltmp1, $3  }
0x47: {  	_ =	sdelay $0x1  }
0x48: {  	[sflag:s17] =	ssyncset.done $0x0  }
0x49: {  	[sflag:s17] =	ssyncadd.s32 $0xFFFFD800  }
.LBB2_1:
0x4a: {  	[smem:$0x7F7] =	sst s23  }
0x4b: {  	s9 =	rddreg [dreg:$0x5]  }
0x4c: {  	[tilespmem:s15], [sflag:$0x1] =	stream.linear.gather [hbm4b:s9+s5], $0x50, $0x38;
	[tilespmem:$0x1F800] =	vst v63  }
0x4d: {  	s28 =	rddreg [dreg:$0x6]  }
0x4e: {  	[tilespmem:s16], [sflag:$0x1] =	stream.linear.gather [hbm4b:s28+s5], $0x50, $0x38;
	[tilespmem:$0x1F800] =	vst v63  }
0x4f: {  	s29 =	rddreg [dreg:$0x7];
	s17 =	simm.s32 $0x14080  }
0x50: {  	[tilespmem:s17], [sflag:$0x2] =	stream.linear.gather [hbm4b:s29+s5], $0x50, $0x38;
	[tilespmem:$0x1F800] =	vst v63  }
0x51: {  	s23 =	rddreg [dreg:$0x8]  }
0x52: {  	[tilespmem:s11], [sflag:$0x2] =	stream.linear.gather [hbm4b:s23+s5], $0x50, $0x38;
	[tilespmem:$0x1F800] =	vst v63  }
0x53: {  	s28 =	rddreg [dreg:$0x9];
	s29 =	simm.s32 $0x14100  }
0x54: {  	[tilespmem:s29], [sflag:$0x3] =	stream.linear.gather [hbm4b:s28+s5], $0x50, $0x38;
	[tilespmem:$0x1F800] =	vst v63  }
0x55: {  	s17 =	rddreg [dreg:$0xa]  }
0x56: {  	[tilespmem:s24], [sflag:$0x3] =	stream.linear.gather [hbm4b:s17+s5], $0x50, $0x38;
	[tilespmem:$0x1F800] =	vst v63  }
0x57: {  	s23 =	rddreg [dreg:$0xb];
	s28 =	simm.s32 $0x14180  }
0x58: {  	[tilespmem:s28], [sflag:$0x4] =	stream.linear.gather [hbm4b:s23+s5], $0x50, $0x38;
	[tilespmem:$0x1F800] =	vst v63  }
0x59: {  	s29 =	rddreg [dreg:$0xd];
	s17 =	simm.s32 $0x0;
	s23 =	simm.s32 $0x200  }
0x5a: {  	[tilespmem:s30], [sflag:$0x4] =	stream.linear.gather [hbm4b:s29+s5], $0x50, $0x38;
	[tilespmem:$0x1F800] =	vst v63  }
.LBB2_2:
0x5b: {  	p0 =	sne.s32 s23, $0x4E00;
	[tilespmem:s17+$0x1E470] =	vst v0  }
0x5c: {  	[tilespmem:s17+$0x1E400] =	vst v0  }
0x5d: {  	[tilespmem:s17+$0x1E410] =	vst v0  }
.Ltmp2:
0x5e: {  	[tilespmem:s17+$0x1E420] =	vst v0;
	(pc) =	sbr.rel @p0 .LBB2_2-.Ltmp2, $4  }
0x5f: {  	[tilespmem:s17+$0x1E430] =	vst v0  }
0x60: {  	[tilespmem:s17+$0x1E440] =	vst v0  }
0x61: {  	[tilespmem:s17+$0x1E450] =	vst v0  }
0x62: {  	[tilespmem:s17+$0x1E460] =	vst v0;
	s17 =	sshra.s32 s23, $0x2;
	s23 =	sadd.s32 $0x200, s23  }
0x63: {  	[tilespmem:s17+$0x1E470] =	vst v0  }
0x64: {  	[tilespmem:s17+$0x1E400] =	vst v0  }
0x65: {  	[tilespmem:s17+$0x1E410] =	vst v0  }
0x66: {  	[tilespmem:s17+$0x1E420] =	vst v0  }
0x67: {  	[tilespmem:s17+$0x1E430] =	vst v0  }
0x68: {  	[tilespmem:s17+$0x1E440] =	vst v0  }
0x69: {  	[tilespmem:s17+$0x1E450] =	vst v0  }
0x6a: {  	[tilespmem:s17+$0x1E460] =	vst v0;
	s17 =	simm.s32 $0x1E400;
	s9 =	rddreg [dreg:$0xe]  }
0x6b: {  	[spmem:s26] =	stream.linear.scatter [tilespmem:s17], [sflag:$0xD], $0x1400, $0x38;
	[tilespmem:$0x1F800] =	vst v63  }
0x6c: {  	s23 =	rddreg [dreg:$0x18]  }
0x6d: {  	[spmem:s9] =	stream.linear.scatter [tilespmem:s17], [sflag:$0xD], $0x1400, $0x38;
	[tilespmem:$0x1F800] =	vst v63  }
0x6e: {  	s26 =	rddreg [dreg:$0x19]  }
0x6f: {  	[spmem:s23] =	stream.linear.scatter [tilespmem:s17], [sflag:$0xD], $0x1400, $0x38;
	[tilespmem:$0x1F800] =	vst v63  }
0x70: {  	s23 =	rddreg [dreg:$0x1a]  }
0x71: {  	[spmem:s26] =	stream.linear.scatter [tilespmem:s17], [sflag:$0xD], $0x1400, $0x38;
	[tilespmem:$0x1F800] =	vst v63  }
0x72: {  	s26 =	rddreg [dreg:$0x1b]  }
0x73: {  	[spmem:s23] =	stream.linear.scatter [tilespmem:s17], [sflag:$0xD], $0x1400, $0x38;
	[tilespmem:$0x1F800] =	vst v63  }
0x74: {  	s23 =	rddreg [dreg:$0x1c]  }
0x75: {  	[spmem:s26] =	stream.linear.scatter [tilespmem:s17], [sflag:$0xD], $0x1400, $0x38;
	[tilespmem:$0x1F800] =	vst v63  }
0x76: {  	s26 =	rddreg [dreg:$0x1d]  }
0x77: {  	[spmem:s23] =	stream.linear.scatter [tilespmem:s17], [sflag:$0xD], $0x1400, $0x38;
	[tilespmem:$0x1F800] =	vst v63  }
0x78: {  	s23 =	rddreg [dreg:$0x1e]  }
0x79: {  	[spmem:s26] =	stream.linear.scatter [tilespmem:s17], [sflag:$0xD], $0x1400, $0x38;
	[tilespmem:$0x1F800] =	vst v63  }
0x7a: {  	s26 =	rddreg [dreg:$0x1f]  }
0x7b: {  	[spmem:s23] =	stream.linear.scatter [tilespmem:s17], [sflag:$0xD], $0x1400, $0x38;
	[tilespmem:$0x1F800] =	vst v63  }
0x7c: {  	s23 =	sld [smem:$0x7F8]  }
0x7d: {  	[spmem:s26] =	stream.linear.scatter [tilespmem:s17], [sflag:$0xD], $0x1400, $0x38;
	[tilespmem:$0x1F800] =	vst v63  }
0x7e: {  	s26 =	sld [smem:$0x7F9]  }
0x7f: {  	[spmem:s23] =	stream.linear.scatter [tilespmem:s17], [sflag:$0xD], $0x1400, $0x38;
	[tilespmem:$0x1F800] =	vst v63  }
0x80: {  	s23 =	sld [smem:$0x7FA]  }
0x81: {  	[spmem:s26] =	stream.linear.scatter [tilespmem:s17], [sflag:$0xD], $0x1400, $0x38;
	[tilespmem:$0x1F800] =	vst v63  }
0x82: {  	s26 =	sld [smem:$0x7FB]  }
0x83: {  	[spmem:s23] =	stream.linear.scatter [tilespmem:s17], [sflag:$0xD], $0x1400, $0x38;
	[tilespmem:$0x1F800] =	vst v63  }
0x84: {  	s23 =	sld [smem:$0x7FC]  }
0x85: {  	[spmem:s26] =	stream.linear.scatter [tilespmem:s17], [sflag:$0xD], $0x1400, $0x38;
	[tilespmem:$0x1F800] =	vst v63  }
0x86: {  	s26 =	sld [smem:$0x7FD]  }
0x87: {  	[spmem:s23] =	stream.linear.scatter [tilespmem:s17], [sflag:$0xD], $0x1400, $0x38;
	[tilespmem:$0x1F800] =	vst v63  }
0x88: {  	_ = 	snop  }
0x89: {  	[spmem:s26] =	stream.linear.scatter [tilespmem:s17], [sflag:$0xD], $0x1400, $0x38;
	[tilespmem:$0x1F800] =	vst v63  }
0x8a: {  	_ =	swait.ge [sflag:s3], $0x50  }
0x8b: {  	[sflag:s3] =	ssyncset.done $0x0  }
0x8c: {  	[sflag:s3] =	ssyncadd.s32 $0xFFFFFFB0  }
0x8d: {  	_ =	swait.ge [sflag:s3], $0x50  }
0x8e: {  	[sflag:s3] =	ssyncset.done $0x0  }
0x8f: {  	[sflag:s3] =	ssyncadd.s32 $0xFFFFFFB0  }
0x90: {  	[tilespmem:s7], [sflag:$0x5] =	stream.indirect.gather [hbm4b:s0+s1], $0x80, s16, s1, $0xb8;
	[tilespmem:$0x1F800] =	vst v63  }
0x91: {  	_ =	swait.ge [sflag:s8], $0x50  }
0x92: {  	[sflag:s8] =	ssyncset.done $0x0  }
0x93: {  	[sflag:s8] =	ssyncadd.s32 $0xFFFFFFB0  }
0x94: {  	_ =	swait.ge [sflag:s8], $0x50  }
0x95: {  	[sflag:s8] =	ssyncset.done $0x0  }
0x96: {  	s23 =	simm.s32 $0x16C00;
	[sflag:s8] =	ssyncadd.s32 $0xFFFFFFB0  }
0x97: {  	[tilespmem:s23], [sflag:$0x6] =	stream.indirect.gather [hbm4b:s0+s1], $0x80, s11, s1, $0xb8;
	[tilespmem:$0x1F800] =	vst v63  }
0x98: {  	_ =	swait.ge [sflag:s10], $0x50  }
0x99: {  	[sflag:s10] =	ssyncset.done $0x0  }
0x9a: {  	[sflag:s10] =	ssyncadd.s32 $0xFFFFFFB0  }
0x9b: {  	_ =	swait.ge [sflag:s10], $0x50  }
0x9c: {  	[sflag:s10] =	ssyncset.done $0x0  }
0x9d: {  	s26 =	simm.s32 $0x19400;
	[sflag:s10] =	ssyncadd.s32 $0xFFFFFFB0  }
0x9e: {  	[tilespmem:s26], [sflag:$0x7] =	stream.indirect.gather [hbm4b:s0+s1], $0x80, s24, s1, $0xb8;
	[tilespmem:$0x1F800] =	vst v63  }
0x9f: {  	_ =	swait.ge [sflag:s12], $0x50  }
0xa0: {  	[sflag:s12] =	ssyncset.done $0x0  }
0xa1: {  	[sflag:s12] =	ssyncadd.s32 $0xFFFFFFB0  }
0xa2: {  	_ =	swait.ge [sflag:s12], $0x50  }
0xa3: {  	[sflag:s12] =	ssyncset.done $0x0  }
0xa4: {  	[sflag:s12] =	ssyncadd.s32 $0xFFFFFFB0  }
0xa5: {  	[tilespmem:s14], [sflag:$0x8] =	stream.indirect.gather [hbm4b:s0+s1], $0x80, s30, s1, $0xb8;
	[tilespmem:$0x1F800] =	vst v63  }
0xa6: {  	_ =	swait.ge [sflag:s6], $0x1400  }
0xa7: {  	[sflag:s6] =	ssyncset.done $0x0  }
0xa8: {  	[sflag:s6] =	ssyncadd.s32 $0xFFFFEC00  }
0xa9: {  	_ =	swait.ge [sflag:s6], $0x1400  }
0xaa: {  	[sflag:s6] =	ssyncset.done $0x0  }
0xab: {  	[sflag:s6] =	ssyncadd.s32 $0xFFFFEC00  }
0xac: {  	_ =	swait.ge [sflag:s6], $0x1400  }
0xad: {  	[sflag:s6] =	ssyncset.done $0x0  }
0xae: {  	[sflag:s6] =	ssyncadd.s32 $0xFFFFEC00  }
0xaf: {  	_ =	swait.ge [sflag:s6], $0x1400  }
0xb0: {  	[sflag:s6] =	ssyncset.done $0x0  }
0xb1: {  	[sflag:s6] =	ssyncadd.s32 $0xFFFFEC00  }
0xb2: {  	_ =	swait.ge [sflag:s6], $0x1400  }
0xb3: {  	[sflag:s6] =	ssyncset.done $0x0  }
0xb4: {  	[sflag:s6] =	ssyncadd.s32 $0xFFFFEC00  }
0xb5: {  	_ =	swait.ge [sflag:s6], $0x1400  }
0xb6: {  	[sflag:s6] =	ssyncset.done $0x0  }
0xb7: {  	[sflag:s6] =	ssyncadd.s32 $0xFFFFEC00  }
0xb8: {  	_ =	swait.ge [sflag:s6], $0x1400  }
0xb9: {  	[sflag:s6] =	ssyncset.done $0x0  }
0xba: {  	[sflag:s6] =	ssyncadd.s32 $0xFFFFEC00  }
0xbb: {  	_ =	swait.ge [sflag:s6], $0x1400  }
0xbc: {  	[sflag:s6] =	ssyncset.done $0x0  }
0xbd: {  	[sflag:s6] =	ssyncadd.s32 $0xFFFFEC00  }
0xbe: {  	_ =	swait.ge [sflag:s6], $0x1400  }
0xbf: {  	[sflag:s6] =	ssyncset.done $0x0  }
0xc0: {  	[sflag:s6] =	ssyncadd.s32 $0xFFFFEC00  }
0xc1: {  	_ =	swait.ge [sflag:s6], $0x1400  }
0xc2: {  	[sflag:s6] =	ssyncset.done $0x0  }
0xc3: {  	[sflag:s6] =	ssyncadd.s32 $0xFFFFEC00  }
0xc4: {  	_ =	swait.ge [sflag:s6], $0x1400  }
0xc5: {  	[sflag:s6] =	ssyncset.done $0x0  }
0xc6: {  	[sflag:s6] =	ssyncadd.s32 $0xFFFFEC00  }
0xc7: {  	_ =	swait.ge [sflag:s6], $0x1400  }
0xc8: {  	[sflag:s6] =	ssyncset.done $0x0  }
0xc9: {  	[sflag:s6] =	ssyncadd.s32 $0xFFFFEC00  }
0xca: {  	_ =	swait.ge [sflag:s6], $0x1400  }
0xcb: {  	[sflag:s6] =	ssyncset.done $0x0  }
0xcc: {  	[sflag:s6] =	ssyncadd.s32 $0xFFFFEC00  }
0xcd: {  	_ =	swait.ge [sflag:s6], $0x1400  }
0xce: {  	[sflag:s6] =	ssyncset.done $0x0  }
0xcf: {  	[sflag:s6] =	ssyncadd.s32 $0xFFFFEC00  }
0xd0: {  	_ =	swait.ge [sflag:s6], $0x1400  }
0xd1: {  	[sflag:s6] =	ssyncset.done $0x0  }
0xd2: {  	[sflag:s6] =	ssyncadd.s32 $0xFFFFEC00  }
.Ltmp3:
0xd3: {  	_ =	swait.ge [sflag:s6], $0x1400;
	(pc) =	sbr.rel .LBB2_4-.Ltmp3, $4  }
0xd4: {  	[sflag:s6] =	ssyncset.done $0x0  }
0xd5: {  	[sflag:s6] =	ssyncadd.s32 $0xFFFFEC00  }
0xd6: {  	s29 =	simm.s32 $0x0;
	[bflag:$0x0] =	sbarrier.arrive $0xFFFF  }
0xd7: {  	s17 =	simm.s32 $0x5;
	s23 =	simm.s32 $0x0;
	s28 =	rddreg [dreg:$0x17]  }
.LBB2_9:
0xd8: {  	_ =	swait.ge [sflag:s20], $0x2800  }
0xd9: {  	[sflag:s20] =	ssyncset.done $0x0;
	s9 =	rddreg [dreg:$0x11]  }
0xda: {  	s26 =	simm.s32 $0x14080;
	[sflag:s20] =	ssyncadd.s32 $0xFFFFD800;
	s9 =	sadd.s32 s23, s9  }
0xdb: {  	[tilespmem:s26], [sflag:$0x2] =	stream.linear.gather [hbm4b:s9+s5], $0x50, $0x38;
	[tilespmem:$0x1F800] =	vst v63  }
0xdc: {  	s26 =	rddreg [dreg:$0x12]  }
0xdd: {  	s9 =	sadd.s32 s23, s26;
	s26 =	simm.s32 $0x14280  }
0xde: {  	[tilespmem:s26], [sflag:$0x2] =	stream.linear.gather [hbm4b:s9+s5], $0x50, $0x38;
	[tilespmem:$0x1F800] =	vst v63  }
0xdf: {  	_ =	swait.ge [sflag:s21], $0x2800  }
0xe0: {  	[sflag:s21] =	ssyncset.done $0x0;
	s11 =	rddreg [dreg:$0x15]  }
0xe1: {  	[sflag:s21] =	ssyncadd.s32 $0xFFFFD800;
	s9 =	sadd.s32 s23, s11;
	s11 =	simm.s32 $0x14100  }
0xe2: {  	[tilespmem:s11], [sflag:$0x3] =	stream.linear.gather [hbm4b:s9+s5], $0x50, $0x38;
	[tilespmem:$0x1F800] =	vst v63  }
0xe3: {  	s11 =	rddreg [dreg:$0x16]  }
0xe4: {  	s9 =	sadd.s32 s23, s11  }
0xe5: {  	[tilespmem:s24], [sflag:$0x3] =	stream.linear.gather [hbm4b:s9+s5], $0x50, $0x38;
	[tilespmem:$0x1F800] =	vst v63  }
0xe6: {  	_ =	swait.ge [sflag:s22], $0x2800  }
0xe7: {  	[sflag:s22] =	ssyncset.done $0x0;
	s11 =	rddreg [dreg:$0x13]  }
0xe8: {  	[sflag:s22] =	ssyncadd.s32 $0xFFFFD800;
	s9 =	sadd.s32 s23, s11;
	s11 =	simm.s32 $0x14180  }
0xe9: {  	[tilespmem:s11], [sflag:$0x4] =	stream.linear.gather [hbm4b:s9+s5], $0x50, $0x38;
	[tilespmem:$0x1F800] =	vst v63  }
0xea: {  	s11 =	rddreg [dreg:$0x14]  }
0xeb: {  	s9 =	sadd.s32 s23, s11  }
0xec: {  	[tilespmem:s30], [sflag:$0x4] =	stream.linear.gather [hbm4b:s9+s5], $0x50, $0x38;
	[tilespmem:$0x1F800] =	vst v63  }
0xed: {  	_ =	swait.ge [sflag:s3], $0x50  }
0xee: {  	[sflag:s3] =	ssyncset.done $0x0  }
0xef: {  	[sflag:s3] =	ssyncadd.s32 $0xFFFFFFB0  }
0xf0: {  	_ =	swait.ge [sflag:s3], $0x50  }
0xf1: {  	[sflag:s3] =	ssyncset.done $0x0  }
0xf2: {  	[sflag:s3] =	ssyncadd.s32 $0xFFFFFFB0  }
0xf3: {  	[tilespmem:s7], [sflag:$0x5] =	stream.indirect.gather [hbm4b:s0+s1], $0x80, s16, s1, $0xb8;
	[tilespmem:$0x1F800] =	vst v63  }
0xf4: {  	_ =	swait.ge [sflag:s8], $0x50  }
0xf5: {  	[sflag:s8] =	ssyncset.done $0x0  }
0xf6: {  	[sflag:s8] =	ssyncadd.s32 $0xFFFFFFB0  }
0xf7: {  	_ =	swait.ge [sflag:s8], $0x50  }
0xf8: {  	[sflag:s8] =	ssyncset.done $0x0  }
0xf9: {  	s9 =	simm.s32 $0x16C00;
	[sflag:s8] =	ssyncadd.s32 $0xFFFFFFB0  }
0xfa: {  	[tilespmem:s9], [sflag:$0x6] =	stream.indirect.gather [hbm4b:s0+s1], $0x80, s26, s1, $0xb8;
	[tilespmem:$0x1F800] =	vst v63  }
0xfb: {  	_ =	swait.ge [sflag:s10], $0x50  }
0xfc: {  	[sflag:s10] =	ssyncset.done $0x0  }
0xfd: {  	[sflag:s10] =	ssyncadd.s32 $0xFFFFFFB0  }
0xfe: {  	_ =	swait.ge [sflag:s10], $0x50  }
0xff: {  	[sflag:s10] =	ssyncset.done $0x0  }
0x100: {  	s26 =	simm.s32 $0x19400;
	[sflag:s10] =	ssyncadd.s32 $0xFFFFFFB0  }
0x101: {  	[tilespmem:s26], [sflag:$0x7] =	stream.indirect.gather [hbm4b:s0+s1], $0x80, s24, s1, $0xb8;
	[tilespmem:$0x1F800] =	vst v63  }
0x102: {  	_ =	swait.ge [sflag:s12], $0x50  }
0x103: {  	[sflag:s12] =	ssyncset.done $0x0  }
0x104: {  	[sflag:s12] =	ssyncadd.s32 $0xFFFFFFB0  }
0x105: {  	_ =	swait.ge [sflag:s12], $0x50  }
0x106: {  	[sflag:s12] =	ssyncset.done $0x0  }
0x107: {  	s11 =	simm.s32 $0x14280;
	[sflag:s12] =	ssyncadd.s32 $0xFFFFFFB0  }
0x108: {  	[tilespmem:s14], [sflag:$0x8] =	stream.indirect.gather [hbm4b:s0+s1], $0x80, s30, s1, $0xb8;
	[tilespmem:$0x1F800] =	vst v63  }
.LBB2_10:
0x109: {  	s23 =	sadd.s32 $0x28, s23  }
0x10a: {  	p0 =	sne.s32 s23, $0x500  }
.Ltmp4:
0x10b: {  	_ = 	snop;
	(pc) =	sbr.rel @!p0 .LBB2_11-.Ltmp4, $2  }
0x10c: {  	_ =	sdelay $0x2  }
0x10d: {  	s17 =	sadd.s32 $0x4, s17;
	s28 =	sadd.s32 $0x140, s28;
	s29 =	sadd.s32 $0x1, s29  }
.LBB2_4:
0x10e: {  	p0 =	sgt.u32 s29, $0x1E  }
.Ltmp5:
0x10f: {  	_ = 	snop;
	(pc) =	sbr.rel @p0 .LBB2_6-.Ltmp5, $4  }
0x110: {  	_ =	swait.ge [sflag:s13], $0x2800  }
0x111: {  	[sflag:s13] =	ssyncset.done $0x0  }
0x112: {  	[sflag:s13] =	ssyncadd.s32 $0xFFFFD800  }
0x113: {  	[spmem:s4] =	stream.indirect.scatter.add.f32 [tilespmem:s7], [sflag:$0x9], $0x80, s15, s1, $0xb8;
	[tilespmem:$0x1F800] =	vst v63  }
0x114: {  	_ =	swait.ge [sflag:s31], $0x2800  }
0x115: {  	[sflag:s31] =	ssyncset.done $0x0  }
0x116: {  	s9 =	simm.s32 $0x14080;
	s26 =	simm.s32 $0x16C00;
	[sflag:s31] =	ssyncadd.s32 $0xFFFFD800  }
0x117: {  	[spmem:s4] =	stream.indirect.scatter.add.f32 [tilespmem:s26], [sflag:$0xA], $0x80, s9, s1, $0xb8;
	[tilespmem:$0x1F800] =	vst v63  }
0x118: {  	_ =	swait.ge [sflag:s2], $0x2800  }
0x119: {  	[sflag:s2] =	ssyncset.done $0x0  }
0x11a: {  	s9 =	simm.s32 $0x14100;
	s26 =	simm.s32 $0x19400;
	[sflag:s2] =	ssyncadd.s32 $0xFFFFD800  }
0x11b: {  	[spmem:s4] =	stream.indirect.scatter.add.f32 [tilespmem:s26], [sflag:$0xB], $0x80, s9, s1, $0xb8;
	[tilespmem:$0x1F800] =	vst v63  }
.Ltmp6:
0x11c: {  	_ = 	snop;
	(pc) =	sbr.rel .LBB2_7-.Ltmp6, $4  }
0x11d: {  	_ =	swait.ge [sflag:s18], $0x2800  }
0x11e: {  	[sflag:s18] =	ssyncset.done $0x0  }
0x11f: {  	s26 =	simm.s32 $0x14180;
	[sflag:s18] =	ssyncadd.s32 $0xFFFFD800  }
0x120: {  	[spmem:s4] =	stream.indirect.scatter.add.f32 [tilespmem:s14], [sflag:$0xC], $0x80, s26, s1, $0xb8;
	[tilespmem:$0x1F800] =	vst v63  }
.LBB2_6:
0x121: {  	p0 =	seq.s32 s23, $0x4D8  }
.Ltmp7:
0x122: {  	_ = 	snop;
	(pc) =	sbr.rel @p0 .LBB2_11-.Ltmp7, $1  }
0x123: {  	_ =	sdelay $0x3  }
.LBB2_7:
0x124: {  	_ =	swait.ge [sflag:s19], $0x2800  }
0x125: {  	[sflag:s19] =	ssyncset.done $0x0  }
0x126: {  	p0 =	slt.u32 s17, $0x7D;
	[sflag:s19] =	ssyncadd.s32 $0xFFFFD800  }
.Ltmp8:
0x127: {  	s9 =	sshrl.u32 s28, $0x3;
	s26 =	rddreg [dreg:$0x1];
	(pc) =	sbr.rel @p0 .LBB2_9-.Ltmp8, $4  }
0x128: {  	s9 =	sadd.s32 s26, s9  }
0x129: {  	[tilespmem:s15], [sflag:$0x1] =	stream.linear.gather [hbm4b:s9+s5], $0x50, $0x38;
	[tilespmem:$0x1F800] =	vst v63  }
0x12a: {  	s26 =	sadd.s32 s23, s25  }
0x12b: {  	[tilespmem:s16], [sflag:$0x1] =	stream.linear.gather [hbm4b:s26+s5], $0x50, $0x38;
	[tilespmem:$0x1F800] =	vst v63  }
0x12c: {  	_ =	swait.ge [sflag:s3], $0x50  }
0x12d: {  	[sflag:s3] =	ssyncset.done $0x0  }
.Ltmp9:
0x12e: {  	[sflag:s3] =	ssyncadd.s32 $0xFFFFFFB0;
	(pc) =	sbr.rel .LBB2_10-.Ltmp9, $4  }
0x12f: {  	_ =	swait.ge [sflag:s3], $0x50  }
0x130: {  	[sflag:s3] =	ssyncset.done $0x0  }
0x131: {  	[sflag:s3] =	ssyncadd.s32 $0xFFFFFFB0  }
0x132: {  	[tilespmem:s7], [sflag:$0x5] =	stream.indirect.gather [hbm4b:s0+s1], $0x80, s16, s1, $0xb8;
	[tilespmem:$0x1F800] =	vst v63  }
.LBB2_12:
0x133: {  	_ =	sfence.sel $0x180000  }
0x134: {  	[bflag:$0x0] =	sbarrier.arrive $0xFFFF  }
0x135: {  	_ =	strace $0x9000004A  }
0x136: {  	s0 =	stileid.u32;
	[bflag:$0x2] =	sbarrier.arrive $0xFFFF  }
0x137: {  	p0 =	sne.s32 s0, $0x0;
	s0 =	rddreg [dreg:$0x4]  }
0x138: {  	s0 =	sadd.s32 @!p0 $0x100000, s0  }
0x139: {  	[sflag:s0] =	ssyncadd.tile.s32 @!p0 $0x1;
	_ =	shalt  }
.Lfunc_end2:
_tile_overlayer_lowered:
.L_overlay_start_2:
0x13a: {  	(tag) =	ssettag $0x2  }
0x13b: {  	s0 =	rddreg [dreg:$0x0];
	s2 =	stileid.u32  }
0x13c: {  	s1 =	rddreg [dreg:$0x1];
	p0 =	sne.s32 s2, $0x0  }
0x13d: {  	s3 =	rddreg [dreg:$0x2];
	[bflag:$0x3] =	sbarrier.arrive $0xFFFF;
	s2 =	simm.s32 @!p0 $0x1C0E  }
0x13e: {  	[timem:s3], [sflag:s2] =	dma.local @!p0 [hbm:s0], s1  }
0x13f: {  	s0 =	simm.s32 @!p0 $0xE  }
0x140: {  	_ =	swait.ge @!p0 [sflag:s0], s1  }
0x141: {  	s1 =	ssub.s32 @!p0 $0x0, s1;
	[sflag:s0] =	ssyncset.done @!p0 $0x0  }
0x142: {  	[sflag:s0] =	ssyncadd.s32 @!p0 s1  }
0x143: {  	[bflag:$0x3] =	sbarrier.arrive $0xFFFF  }
0x144: {  	_ =	shalt  }

</sc_bundles>
